<compile_context>
chip_gen: v7x
topology: tpu7x:2x2x1
jax: 0.10.2.dev20260603
libtpu: 0.0.44.dev20260713+nightly
codegen_flags: <defaults>
</compile_context>

<pallas_src>
import functools

import jax
import jax.numpy as jnp
from jax import lax
from jax.experimental import pallas as pl
from jax.experimental.pallas import tpu as pltpu
from jax.experimental.pallas import tpu_sc as plsc

_N = 10000
_D = 128
_G = 64
_EPS = 1e-5

_NC = 2
_NS = 16
_EB = 128
_TB = 80
_EP = _NC * _NS * _TB * _EB
_IDC = 40
_ACC_ROWS = 10112
_ZROWS = _ACC_ROWS // _NS
_OROWS = 624
_DUMP = _N



def _sc_agg_body(h_hbm, src_hbm, dst_hbm, z_hbm, out_hbm,
                 srcv, dstv, rows, acc, sem0, sem1):
    c = lax.axis_index("c")
    s = lax.axis_index("s")
    g = c * _NS + s
    pltpu.sync_copy(z_hbm, acc.at[pl.ds(s * _ZROWS, _ZROWS)])
    plsc.subcore_barrier()

    def gather(j, b, sem):
        pltpu.async_copy(h_hbm.at[srcv.at[j]], rows.at[b], sem)

    def scatter(j, b):
        pltpu.sync_copy(rows.at[b], acc.at[dstv.at[j]], add=True)

    n2 = _IDC // 2
    for hh in range(_TB // _IDC):
        pltpu.sync_copy(src_hbm.at[pl.ds(g * _TB + hh * _IDC, _IDC)], srcv)
        pltpu.sync_copy(dst_hbm.at[pl.ds(g * _TB + hh * _IDC, _IDC)], dstv)
        gather(0, 0, sem0)

        def step(i, carry):
            j = i * 2
            gather(j + 1, 1, sem1)
            pltpu.make_async_copy(
                h_hbm.at[srcv.at[j]], rows.at[0], sem0).wait()
            scatter(j, 0)

            @pl.when(i < n2 - 1)
            def _():
                gather(j + 2, 0, sem0)

            pltpu.make_async_copy(
                h_hbm.at[srcv.at[j]], rows.at[1], sem1).wait()
            scatter(j + 1, 1)
            return carry

        lax.fori_loop(0, n2, step, 0)
    plsc.subcore_barrier()

    @pl.when(s < _NS - 1)
    def _():
        pltpu.sync_copy(acc.at[pl.ds(s * _OROWS, _OROWS)],
                        out_hbm.at[c].at[pl.ds(s * _OROWS, _OROWS)])

    @pl.when(s == _NS - 1)
    def _():
        tail = _N - (_NS - 1) * _OROWS
        pltpu.sync_copy(acc.at[pl.ds((_NS - 1) * _OROWS, tail)],
                        out_hbm.at[c].at[pl.ds((_NS - 1) * _OROWS, tail)])


def _sc_segment_sum(h, src2, dst2, zeros):
    mesh = plsc.VectorSubcoreMesh(core_axis_name="c", subcore_axis_name="s")
    f = pl.kernel(
        _sc_agg_body,
        out_type=jax.ShapeDtypeStruct((_NC, _N, _D), jnp.float32),
        mesh=mesh,
        scratch_types=[
            pltpu.VMEM((_IDC, _EB), jnp.int32),
            pltpu.VMEM((_IDC, _EB), jnp.int32),
            pltpu.VMEM((2, _EB, _D), jnp.float32),
            pltpu.VMEM_SHARED((_ACC_ROWS, _D), jnp.float32),
            pltpu.SemaphoreType.DMA,
            pltpu.SemaphoreType.DMA,
        ],
    )
    return f(h, src2, dst2, zeros)



def _bn_cols(t, g, b):
    mu = jnp.mean(t, axis=0, keepdims=True)
    var = jnp.mean((t - mu) ** 2, axis=0, keepdims=True)
    return (t - mu) * lax.rsqrt(var + _EPS) * g + b


def _feat_body(x_ref, g_ref, b_ref, w_ref, o_ref):
    h = _bn_cols(x_ref[...], g_ref[...], b_ref[...])
    o_ref[...] = jnp.maximum(
        jnp.dot(h, w_ref[...], preferred_element_type=jnp.float32), 0.0)


def _gin_body(h_ref, parts_ref, w1_ref, b1_ref, g1_ref, bb1_ref,
              w2_ref, b2_ref, o_ref):
    parts = parts_ref[...]
    u = h_ref[...] + parts[0] + parts[1]
    t = jnp.dot(u, w1_ref[...], preferred_element_type=jnp.float32) + b1_ref[...]
    t = jnp.maximum(_bn_cols(t, g1_ref[...], bb1_ref[...]), 0.0)
    o_ref[...] = jnp.maximum(
        jnp.dot(t, w2_ref[...], preferred_element_type=jnp.float32)
        + b2_ref[...], 0.0)


def _head_body(h_ref, bat_ref, fg_ref, fb_ref, fw_ref, fb2_ref,
               hg_ref, hb_ref, cw_ref, cb_ref, o_ref):
    gids = lax.broadcasted_iota(jnp.int32, (_G, 1), 0)
    onehot = (bat_ref[...] == gids).astype(jnp.float32)
    p = jnp.dot(onehot, h_ref[...], preferred_element_type=jnp.float32)
    p = _bn_cols(p, fg_ref[...], fb_ref[...])
    p = jnp.maximum(
        jnp.dot(p, fw_ref[...], preferred_element_type=jnp.float32)
        + fb2_ref[...], 0.0)
    p = _bn_cols(p, hg_ref[...], hb_ref[...])
    logits = jnp.dot(p, cw_ref[...], preferred_element_type=jnp.float32) \
        + cb_ref[...]
    m = jnp.max(logits, axis=-1, keepdims=True)
    lse = m + jnp.log(jnp.sum(jnp.exp(logits - m), axis=-1, keepdims=True))
    o_ref[...] = logits - lse


def _tc(body, out_shape, *args):
    return pl.pallas_call(
        body, out_shape=jax.ShapeDtypeStruct(out_shape, jnp.float32))(*args)



def kernel(x, edge_index, batch, bn_feat_g, bn_feat_b, conv_feat_W,
           gin_W1, gin_b1, gin_bng, gin_bnb, gin_W2, gin_b2,
           fc_bng, fc_bnb, fc_W, fc_b, bnh_g, bnh_b, cls_W, cls_b):
    f32 = jnp.float32
    src = edge_index[0].astype(jnp.int32)
    dst = edge_index[1].astype(jnp.int32)
    pad = _EP - src.shape[0]
    dummy = _DUMP + jnp.arange(pad, dtype=jnp.int32) % (_ACC_ROWS - _DUMP)
    src2 = jnp.concatenate([src, jnp.zeros((pad,), jnp.int32)]).reshape(-1, _EB)
    dst2 = jnp.concatenate([dst, dummy]).reshape(-1, _EB)
    zeros = jnp.zeros((_ZROWS, _D), f32)
    bat2 = batch.astype(jnp.int32).reshape(1, _N)
    row = lambda v: v.reshape(1, -1).astype(f32)

    h = _tc(_feat_body, (_N, _D),
            x.astype(f32), row(bn_feat_g), row(bn_feat_b), conv_feat_W)
    for i in range(3):
        parts = _sc_segment_sum(h, src2, dst2, zeros)
        h = _tc(_gin_body, (_N, _D), h, parts,
                gin_W1[i], row(gin_b1[i]), row(gin_bng[i]), row(gin_bnb[i]),
                gin_W2[i], row(gin_b2[i]))
    return _tc(_head_body, (_G, 10), h, bat2,
               row(fc_bng), row(fc_bnb), fc_W, row(fc_b),
               row(bnh_g), row(bnh_b), cls_W, row(cls_b))

# --- scband reference (transcript-rebuilt; emitter-appended) ---
"""Pipeline reference for scband-ginnet-8993661518249 (READ-ONLY COPY).

The authoritative reference and input builder live on the scoring server;
editing this copy changes nothing except your own understanding.
"""

import jax, jax.numpy as jnp
import numpy as np

N = 10000
E = 320000
D = 128
H = 128
C = 10
G = 64

def _bn(x, g, b, eps=1e-5):
    # BatchNorm1d in training mode: batch stats, biased variance
    mu = jnp.mean(x, axis=0, keepdims=True)
    var = jnp.mean((x - mu) ** 2, axis=0, keepdims=True)
    return (x - mu) / jnp.sqrt(var + eps) * g + b

def setup_inputs(seed: int = 0) -> dict:
    key = jax.random.key(seed)
    ks = jax.random.split(key, 20)
    s = 1.0 / np.sqrt(H)
    inp = {}
    inp['x'] = jax.random.normal(ks[0], (N, D), dtype=jnp.float32)
    inp['edge_index'] = jax.random.randint(ks[1], (2, E), 0, N)
    inp['batch'] = jnp.sort(jax.random.randint(ks[2], (N,), 0, G))
    inp['bn_feat_g'] = jnp.ones((D,), jnp.float32)
    inp['bn_feat_b'] = jnp.full((D,), 1e-4, jnp.float32)
    inp['conv_feat_W'] = jax.random.normal(ks[3], (D, H), jnp.float32) * (1.0 / np.sqrt(D))
    inp['gin_W1'] = jax.random.normal(ks[4], (3, H, H), jnp.float32) * s
    inp['gin_b1'] = jnp.zeros((3, H), jnp.float32)
    inp['gin_bng'] = jnp.ones((3, H), jnp.float32)
    inp['gin_bnb'] = jnp.full((3, H), 1e-4, jnp.float32)
    inp['gin_W2'] = jax.random.normal(ks[5], (3, H, H), jnp.float32) * s
    inp['gin_b2'] = jnp.zeros((3, H), jnp.float32)
    inp['fc_bng'] = jnp.ones((H,), jnp.float32)
    inp['fc_bnb'] = jnp.full((H,), 1e-4, jnp.float32)
    inp['fc_W'] = jax.random.normal(ks[6], (H, H), jnp.float32) * s
    inp['fc_b'] = jnp.zeros((H,), jnp.float32)
    inp['bnh_g'] = jnp.ones((H,), jnp.float32)
    inp['bnh_b'] = jnp.full((H,), 1e-4, jnp.float32)
    inp['cls_W'] = jax.random.normal(ks[7], (H, C), jnp.float32) * s
    inp['cls_b'] = jnp.zeros((C,), jnp.float32)
    return inp

def reference(x, edge_index, batch, bn_feat_g, bn_feat_b, conv_feat_W,
              gin_W1, gin_b1, gin_bng, gin_bnb, gin_W2, gin_b2,
              fc_bng, fc_bnb, fc_W, fc_b, bnh_g, bnh_b, cls_W, cls_b):
    src = edge_index[0]
    dst = edge_index[1]
    h = _bn(x.astype(jnp.float32), bn_feat_g, bn_feat_b)
    # GCNConv with gfn=True: pure linear transform, no propagation, no bias
    h = jax.nn.relu(h @ conv_feat_W)
    for i in range(3):
        # GINConv, eps=0: mlp(x + sum_{j in N(i)} x_j)
        agg = jax.ops.segment_sum(h[src], dst, num_segments=N)
        t = h + agg
        t = t @ gin_W1[i] + gin_b1[i]
        t = _bn(t, gin_bng[i], gin_bnb[i])
        t = jax.nn.relu(t)
        t = t @ gin_W2[i] + gin_b2[i]
        h = jax.nn.relu(t)
    # global_add_pool
    p = jax.ops.segment_sum(h, batch, num_segments=G)
    p = _bn(p, fc_bng, fc_bnb)
    p = jax.nn.relu(p @ fc_W + fc_b)
    p = _bn(p, bnh_g, bnh_b)
    logits = p @ cls_W + cls_b
    return jax.nn.log_softmax(logits, axis=-1)

if __name__ == "__main__":
    import jax
    _d = setup_inputs()
    print(jax.jit(kernel)(*tuple(_d.values())))

</pallas_src>

<mosaic_0001>
#map = affine_map<(d0, d1) -> (0, 0)>
#map1 = affine_map<(d0, d1) -> (0, 0, 0)>
module attributes {stable_mosaic.version = 14 : i64} {
  func.func @_sc_agg_body(%arg0: i32, %arg1: i32, %arg2: memref<10000x128xf32, #tpu.memory_space<hbm>>, %arg3: memref<2560x128xi32, #tpu.memory_space<hbm>>, %arg4: memref<2560x128xi32, #tpu.memory_space<hbm>>, %arg5: memref<632x128xf32, #tpu.memory_space<hbm>>, %arg6: memref<2x10000x128xf32, #tpu.memory_space<hbm>>, %arg7: memref<40x128xi32, #tpu.memory_space<vmem>>, %arg8: memref<40x128xi32, #tpu.memory_space<vmem>>, %arg9: memref<2x128x128xf32, #tpu.memory_space<vmem>>, %arg10: memref<10112x128xf32, #tpu.memory_space<vmem_shared>>, %arg11: memref<!tpu.dma_semaphore, #tpu.memory_space<semaphore_mem>>, %arg12: memref<!tpu.dma_semaphore, #tpu.memory_space<semaphore_mem>>) attributes {dimension_semantics = [#tpu.dimension_semantics<core_parallel>, #tpu.dimension_semantics<subcore_parallel>], iteration_bounds = array<i64: 2, 16>, scalar_prefetch = 0 : i64, scratch_operands = 6 : i64, tpu.core_type = #tpu.core_type<sc_vector_subcore>, window_params = [{transform_indices = #map}, {transform_indices = #map}, {transform_indices = #map}, {transform_indices = #map}, {transform_indices = #map1}]} {
    %mul3A = arith.constant 16 : i32
    %mul3A_0 = arith.muli %arg0, %mul3A : i32
    %add3A = arith.addi %mul3A_0, %arg1 : i32
    %mul3A_1 = arith.constant 632 : i32
    %mul3A_2 = arith.muli %arg1, %mul3A_1 : i32
    "tpu.region"() ({
      %run_scoped3A = tpu.sem_alloc : memref<!tpu.dma_semaphore, #tpu.memory_space<semaphore_mem>>
      %dma_start3A_60 = arith.constant 0 : i32
      %dma_start3A_61 = tpu.memref_slice %arg10[%mul3A_2, %dma_start3A_60] : memref<10112x128xf32, #tpu.memory_space<vmem_shared>> -> memref<632x128xf32, #tpu.memory_space<vmem_shared>>
      tpu.enqueue_dma source(%arg5 : memref<632x128xf32, #tpu.memory_space<hbm>>) target(%dma_start3A_61 : memref<632x128xf32, #tpu.memory_space<vmem_shared>>) target_semaphore(%run_scoped3A : memref<!tpu.dma_semaphore, #tpu.memory_space<semaphore_mem>>)
      %dma_wait3A = arith.constant 0 : i32
      %dma_wait3A_62 = tpu.memref_slice %arg10[%mul3A_2, %dma_wait3A] : memref<10112x128xf32, #tpu.memory_space<vmem_shared>> -> memref<632x128xf32, #tpu.memory_space<vmem_shared>>
      tpu.wait_dma2 semaphore(%run_scoped3A : memref<!tpu.dma_semaphore, #tpu.memory_space<semaphore_mem>>) src(%arg5 : memref<632x128xf32, #tpu.memory_space<hbm>>) dst(%dma_wait3A_62 : memref<632x128xf32, #tpu.memory_space<vmem_shared>>)
      tpu.yield
    }) : () -> ()
    %barrier3A = arith.constant 0 : index
    tpu.barrier barrier_id(%barrier3A)
    %mul3A_3 = arith.constant 80 : i32
    %mul3A_4 = arith.muli %add3A, %mul3A_3 : i32
    %add3A_5 = arith.constant 0 : i32
    %add3A_6 = arith.addi %mul3A_4, %add3A_5 : i32
    "tpu.region"() ({
      %run_scoped3A = tpu.sem_alloc : memref<!tpu.dma_semaphore, #tpu.memory_space<semaphore_mem>>
      %dma_start3A_60 = arith.constant 0 : i32
      %dma_start3A_61 = tpu.memref_slice %arg3[%add3A_6, %dma_start3A_60] : memref<2560x128xi32, #tpu.memory_space<hbm>> -> memref<40x128xi32, #tpu.memory_space<hbm>>
      %dma_start3A_62 = arith.constant 0 : i32
      %dma_start3A_63 = tpu.memref_slice %arg3[%add3A_6, %dma_start3A_62] : memref<2560x128xi32, #tpu.memory_space<hbm>> -> memref<40x128xi32, #tpu.memory_space<hbm>>
      tpu.enqueue_dma source(%dma_start3A_63 : memref<40x128xi32, #tpu.memory_space<hbm>>) target(%arg7 : memref<40x128xi32, #tpu.memory_space<vmem>>) target_semaphore(%run_scoped3A : memref<!tpu.dma_semaphore, #tpu.memory_space<semaphore_mem>>)
      %dma_wait3A = arith.constant 0 : i32
      %dma_wait3A_64 = tpu.memref_slice %arg3[%add3A_6, %dma_wait3A] : memref<2560x128xi32, #tpu.memory_space<hbm>> -> memref<40x128xi32, #tpu.memory_space<hbm>>
      %dma_wait3A_65 = arith.constant 0 : i32
      %dma_wait3A_66 = tpu.memref_slice %arg3[%add3A_6, %dma_wait3A_65] : memref<2560x128xi32, #tpu.memory_space<hbm>> -> memref<40x128xi32, #tpu.memory_space<hbm>>
      tpu.wait_dma2 semaphore(%run_scoped3A : memref<!tpu.dma_semaphore, #tpu.memory_space<semaphore_mem>>) src(%dma_wait3A_66 : memref<40x128xi32, #tpu.memory_space<hbm>>) dst(%arg7 : memref<40x128xi32, #tpu.memory_space<vmem>>)
      tpu.yield
    }) : () -> ()
    %mul3A_7 = arith.constant 80 : i32
    %mul3A_8 = arith.muli %add3A, %mul3A_7 : i32
    %add3A_9 = arith.constant 0 : i32
    %add3A_10 = arith.addi %mul3A_8, %add3A_9 : i32
    "tpu.region"() ({
      %run_scoped3A = tpu.sem_alloc : memref<!tpu.dma_semaphore, #tpu.memory_space<semaphore_mem>>
      %dma_start3A_60 = arith.constant 0 : i32
      %dma_start3A_61 = tpu.memref_slice %arg4[%add3A_10, %dma_start3A_60] : memref<2560x128xi32, #tpu.memory_space<hbm>> -> memref<40x128xi32, #tpu.memory_space<hbm>>
      %dma_start3A_62 = arith.constant 0 : i32
      %dma_start3A_63 = tpu.memref_slice %arg4[%add3A_10, %dma_start3A_62] : memref<2560x128xi32, #tpu.memory_space<hbm>> -> memref<40x128xi32, #tpu.memory_space<hbm>>
      tpu.enqueue_dma source(%dma_start3A_63 : memref<40x128xi32, #tpu.memory_space<hbm>>) target(%arg8 : memref<40x128xi32, #tpu.memory_space<vmem>>) target_semaphore(%run_scoped3A : memref<!tpu.dma_semaphore, #tpu.memory_space<semaphore_mem>>)
      %dma_wait3A = arith.constant 0 : i32
      %dma_wait3A_64 = tpu.memref_slice %arg4[%add3A_10, %dma_wait3A] : memref<2560x128xi32, #tpu.memory_space<hbm>> -> memref<40x128xi32, #tpu.memory_space<hbm>>
      %dma_wait3A_65 = arith.constant 0 : i32
      %dma_wait3A_66 = tpu.memref_slice %arg4[%add3A_10, %dma_wait3A_65] : memref<2560x128xi32, #tpu.memory_space<hbm>> -> memref<40x128xi32, #tpu.memory_space<hbm>>
      tpu.wait_dma2 semaphore(%run_scoped3A : memref<!tpu.dma_semaphore, #tpu.memory_space<semaphore_mem>>) src(%dma_wait3A_66 : memref<40x128xi32, #tpu.memory_space<hbm>>) dst(%arg8 : memref<40x128xi32, #tpu.memory_space<vmem>>)
      tpu.yield
    }) : () -> ()
    %dma_start3A = arith.constant 0 : i32
    %dma_start3A_11 = arith.constant 0 : i32
    %dma_start3A_12 = arith.constant 0 : i32
    %dma_start3A_13 = arith.constant 0 : i32
    %dma_start3A_14 = tpu.memref_slice %arg9[%dma_start3A_11, %dma_start3A_12, %dma_start3A_13] : memref<2x128x128xf32, #tpu.memory_space<vmem>> -> memref<1x128x128xf32, #tpu.memory_space<vmem>>
    %dma_start3A_15 = tpu.memref_squeeze %dma_start3A_14 : memref<1x128x128xf32, #tpu.memory_space<vmem>> -> memref<128x128xf32, #tpu.memory_space<vmem>>
    %dma_start3A_16 = arith.constant 0 : i32
    %dma_start3A_17 = tpu.memref_slice %arg7[%dma_start3A, %dma_start3A_16] : memref<40x128xi32, #tpu.memory_space<vmem>> -> memref<1x128xi32, #tpu.memory_space<vmem>>
    %dma_start3A_18 = tpu.memref_squeeze %dma_start3A_17 : memref<1x128xi32, #tpu.memory_space<vmem>> -> memref<128xi32, #tpu.memory_space<vmem>>
    %dma_start3A_19 = arith.constant 0 : i32
    %dma_start3A_20 = arith.constant 0 : i32
    %dma_start3A_21 = tpu.memref_slice %arg2[%dma_start3A_19, %dma_start3A_20] : memref<10000x128xf32, #tpu.memory_space<hbm>> -> memref<10000x128xf32, #tpu.memory_space<hbm>>
    tpu.enqueue_indirect_dma source(%dma_start3A_21 : memref<10000x128xf32, #tpu.memory_space<hbm>>) target(%dma_start3A_15 : memref<128x128xf32, #tpu.memory_space<vmem>>) offsets(%dma_start3A_18 : memref<128xi32, #tpu.memory_space<vmem>>) semaphore(%arg11 : memref<!tpu.dma_semaphore, #tpu.memory_space<semaphore_mem>>)
    %scan3A = arith.constant 0 : i32
    %scan3A_22 = arith.constant 0 : i32
    %scan3A_23 = arith.constant 20 : i32
    %scan3A_24 = arith.addi %scan3A_22, %scan3A_23 : i32
    %scan3A_25 = arith.constant 1 : i32
    scf.for %scan3A_60 = %scan3A_22 to %scan3A_24 step %scan3A_25  : i32 {
      %mul3A_61 = arith.constant 2 : i32
      %mul3A_62 = arith.muli %scan3A_60, %mul3A_61 : i32
      %add3A_63 = arith.constant 1 : i32
      %add3A_64 = arith.addi %mul3A_62, %add3A_63 : i32
      %dma_start3A_65 = arith.constant 1 : i32
      %dma_start3A_66 = arith.constant 0 : i32
      %dma_start3A_67 = arith.constant 0 : i32
      %dma_start3A_68 = tpu.memref_slice %arg9[%dma_start3A_65, %dma_start3A_66, %dma_start3A_67] : memref<2x128x128xf32, #tpu.memory_space<vmem>> -> memref<1x128x128xf32, #tpu.memory_space<vmem>>
      %dma_start3A_69 = tpu.memref_squeeze %dma_start3A_68 : memref<1x128x128xf32, #tpu.memory_space<vmem>> -> memref<128x128xf32, #tpu.memory_space<vmem>>
      %dma_start3A_70 = arith.constant 0 : i32
      %dma_start3A_71 = tpu.memref_slice %arg7[%add3A_64, %dma_start3A_70] : memref<40x128xi32, #tpu.memory_space<vmem>> -> memref<1x128xi32, #tpu.memory_space<vmem>>
      %dma_start3A_72 = tpu.memref_squeeze %dma_start3A_71 : memref<1x128xi32, #tpu.memory_space<vmem>> -> memref<128xi32, #tpu.memory_space<vmem>>
      %dma_start3A_73 = arith.constant 0 : i32
      %dma_start3A_74 = arith.constant 0 : i32
      %dma_start3A_75 = tpu.memref_slice %arg2[%dma_start3A_73, %dma_start3A_74] : memref<10000x128xf32, #tpu.memory_space<hbm>> -> memref<10000x128xf32, #tpu.memory_space<hbm>>
      tpu.enqueue_indirect_dma source(%dma_start3A_75 : memref<10000x128xf32, #tpu.memory_space<hbm>>) target(%dma_start3A_69 : memref<128x128xf32, #tpu.memory_space<vmem>>) offsets(%dma_start3A_72 : memref<128xi32, #tpu.memory_space<vmem>>) semaphore(%arg12 : memref<!tpu.dma_semaphore, #tpu.memory_space<semaphore_mem>>)
      %dma_wait3A = arith.constant 0 : i32
      %dma_wait3A_76 = arith.constant 0 : i32
      %dma_wait3A_77 = arith.constant 0 : i32
      %dma_wait3A_78 = tpu.memref_slice %arg9[%dma_wait3A, %dma_wait3A_76, %dma_wait3A_77] : memref<2x128x128xf32, #tpu.memory_space<vmem>> -> memref<1x128x128xf32, #tpu.memory_space<vmem>>
      %dma_wait3A_79 = tpu.memref_squeeze %dma_wait3A_78 : memref<1x128x128xf32, #tpu.memory_space<vmem>> -> memref<128x128xf32, #tpu.memory_space<vmem>>
      %dma_wait3A_80 = arith.constant 0 : i32
      %dma_wait3A_81 = tpu.memref_slice %arg7[%mul3A_62, %dma_wait3A_80] : memref<40x128xi32, #tpu.memory_space<vmem>> -> memref<1x128xi32, #tpu.memory_space<vmem>>
      %dma_wait3A_82 = tpu.memref_squeeze %dma_wait3A_81 : memref<1x128xi32, #tpu.memory_space<vmem>> -> memref<128xi32, #tpu.memory_space<vmem>>
      %dma_wait3A_83 = arith.constant 0 : i32
      %dma_wait3A_84 = arith.constant 0 : i32
      %dma_wait3A_85 = tpu.memref_slice %arg2[%dma_wait3A_83, %dma_wait3A_84] : memref<10000x128xf32, #tpu.memory_space<hbm>> -> memref<10000x128xf32, #tpu.memory_space<hbm>>
      tpu.wait_indirect_dma semaphore(%arg11 : memref<!tpu.dma_semaphore, #tpu.memory_space<semaphore_mem>>) src(%dma_wait3A_85 : memref<10000x128xf32, #tpu.memory_space<hbm>>) dst(%dma_wait3A_79 : memref<128x128xf32, #tpu.memory_space<vmem>>)
      %run_scoped3A = arith.constant 0 : i32
      "tpu.region"() ({
        %run_scoped3A_105 = tpu.sem_alloc : memref<!tpu.dma_semaphore, #tpu.memory_space<semaphore_mem>>
        %dma_start3A_106 = arith.constant 0 : i32
        %dma_start3A_107 = arith.constant 0 : i32
        %dma_start3A_108 = tpu.memref_slice %arg9[%run_scoped3A, %dma_start3A_106, %dma_start3A_107] : memref<2x128x128xf32, #tpu.memory_space<vmem>> -> memref<1x128x128xf32, #tpu.memory_space<vmem>>
        %dma_start3A_109 = tpu.memref_squeeze %dma_start3A_108 : memref<1x128x128xf32, #tpu.memory_space<vmem>> -> memref<128x128xf32, #tpu.memory_space<vmem>>
        %dma_start3A_110 = arith.constant 0 : i32
        %dma_start3A_111 = tpu.memref_slice %arg8[%mul3A_62, %dma_start3A_110] : memref<40x128xi32, #tpu.memory_space<vmem>> -> memref<1x128xi32, #tpu.memory_space<vmem>>
        %dma_start3A_112 = tpu.memref_squeeze %dma_start3A_111 : memref<1x128xi32, #tpu.memory_space<vmem>> -> memref<128xi32, #tpu.memory_space<vmem>>
        %dma_start3A_113 = arith.constant 0 : i32
        %dma_start3A_114 = arith.constant 0 : i32
        %dma_start3A_115 = tpu.memref_slice %arg10[%dma_start3A_113, %dma_start3A_114] : memref<10112x128xf32, #tpu.memory_space<vmem_shared>> -> memref<10112x128xf32, #tpu.memory_space<vmem_shared>>
        tpu.enqueue_indirect_dma source(%dma_start3A_109 : memref<128x128xf32, #tpu.memory_space<vmem>>) target(%dma_start3A_115 : memref<10112x128xf32, #tpu.memory_space<vmem_shared>>) offsets(%dma_start3A_112 : memref<128xi32, #tpu.memory_space<vmem>>) semaphore(%run_scoped3A_105 : memref<!tpu.dma_semaphore, #tpu.memory_space<semaphore_mem>>) {add = true}
        %dma_wait3A_116 = arith.constant 0 : i32
        %dma_wait3A_117 = arith.constant 0 : i32
        %dma_wait3A_118 = tpu.memref_slice %arg9[%run_scoped3A, %dma_wait3A_116, %dma_wait3A_117] : memref<2x128x128xf32, #tpu.memory_space<vmem>> -> memref<1x128x128xf32, #tpu.memory_space<vmem>>
        %dma_wait3A_119 = tpu.memref_squeeze %dma_wait3A_118 : memref<1x128x128xf32, #tpu.memory_space<vmem>> -> memref<128x128xf32, #tpu.memory_space<vmem>>
        %dma_wait3A_120 = arith.constant 0 : i32
        %dma_wait3A_121 = tpu.memref_slice %arg8[%mul3A_62, %dma_wait3A_120] : memref<40x128xi32, #tpu.memory_space<vmem>> -> memref<1x128xi32, #tpu.memory_space<vmem>>
        %dma_wait3A_122 = tpu.memref_squeeze %dma_wait3A_121 : memref<1x128xi32, #tpu.memory_space<vmem>> -> memref<128xi32, #tpu.memory_space<vmem>>
        %dma_wait3A_123 = arith.constant 0 : i32
        %dma_wait3A_124 = arith.constant 0 : i32
        %dma_wait3A_125 = tpu.memref_slice %arg10[%dma_wait3A_123, %dma_wait3A_124] : memref<10112x128xf32, #tpu.memory_space<vmem_shared>> -> memref<10112x128xf32, #tpu.memory_space<vmem_shared>>
        tpu.wait_indirect_dma semaphore(%run_scoped3A_105 : memref<!tpu.dma_semaphore, #tpu.memory_space<semaphore_mem>>) src(%dma_wait3A_119 : memref<128x128xf32, #tpu.memory_space<vmem>>) dst(%dma_wait3A_125 : memref<10112x128xf32, #tpu.memory_space<vmem_shared>>)
        tpu.yield
      }) : () -> ()
      %lt3A_86 = arith.constant 19 : i32
      %lt3A_87 = arith.cmpi slt, %scan3A_60, %lt3A_86 : i32
      %convert_element_type3A_88 = arith.extui %lt3A_87 : i1 to i32
      %cond3A_89 = arith.constant 0 : i32
      %cond3A_90 = arith.cmpi ne, %convert_element_type3A_88, %cond3A_89 : i32
      scf.if %cond3A_90 {
        %add3A_105 = arith.constant 2 : i32
        %add3A_106 = arith.addi %mul3A_62, %add3A_105 : i32
        %dma_start3A_107 = arith.constant 0 : i32
        %dma_start3A_108 = arith.constant 0 : i32
        %dma_start3A_109 = arith.constant 0 : i32
        %dma_start3A_110 = tpu.memref_slice %arg9[%dma_start3A_107, %dma_start3A_108, %dma_start3A_109] : memref<2x128x128xf32, #tpu.memory_space<vmem>> -> memref<1x128x128xf32, #tpu.memory_space<vmem>>
        %dma_start3A_111 = tpu.memref_squeeze %dma_start3A_110 : memref<1x128x128xf32, #tpu.memory_space<vmem>> -> memref<128x128xf32, #tpu.memory_space<vmem>>
        %dma_start3A_112 = arith.constant 0 : i32
        %dma_start3A_113 = tpu.memref_slice %arg7[%add3A_106, %dma_start3A_112] : memref<40x128xi32, #tpu.memory_space<vmem>> -> memref<1x128xi32, #tpu.memory_space<vmem>>
        %dma_start3A_114 = tpu.memref_squeeze %dma_start3A_113 : memref<1x128xi32, #tpu.memory_space<vmem>> -> memref<128xi32, #tpu.memory_space<vmem>>
        %dma_start3A_115 = arith.constant 0 : i32
        %dma_start3A_116 = arith.constant 0 : i32
        %dma_start3A_117 = tpu.memref_slice %arg2[%dma_start3A_115, %dma_start3A_116] : memref<10000x128xf32, #tpu.memory_space<hbm>> -> memref<10000x128xf32, #tpu.memory_space<hbm>>
        tpu.enqueue_indirect_dma source(%dma_start3A_117 : memref<10000x128xf32, #tpu.memory_space<hbm>>) target(%dma_start3A_111 : memref<128x128xf32, #tpu.memory_space<vmem>>) offsets(%dma_start3A_114 : memref<128xi32, #tpu.memory_space<vmem>>) semaphore(%arg11 : memref<!tpu.dma_semaphore, #tpu.memory_space<semaphore_mem>>)
      } else {
      }
      %dma_wait3A_91 = arith.constant 1 : i32
      %dma_wait3A_92 = arith.constant 0 : i32
      %dma_wait3A_93 = arith.constant 0 : i32
      %dma_wait3A_94 = tpu.memref_slice %arg9[%dma_wait3A_91, %dma_wait3A_92, %dma_wait3A_93] : memref<2x128x128xf32, #tpu.memory_space<vmem>> -> memref<1x128x128xf32, #tpu.memory_space<vmem>>
      %dma_wait3A_95 = tpu.memref_squeeze %dma_wait3A_94 : memref<1x128x128xf32, #tpu.memory_space<vmem>> -> memref<128x128xf32, #tpu.memory_space<vmem>>
      %dma_wait3A_96 = arith.constant 0 : i32
      %dma_wait3A_97 = tpu.memref_slice %arg7[%mul3A_62, %dma_wait3A_96] : memref<40x128xi32, #tpu.memory_space<vmem>> -> memref<1x128xi32, #tpu.memory_space<vmem>>
      %dma_wait3A_98 = tpu.memref_squeeze %dma_wait3A_97 : memref<1x128xi32, #tpu.memory_space<vmem>> -> memref<128xi32, #tpu.memory_space<vmem>>
      %dma_wait3A_99 = arith.constant 0 : i32
      %dma_wait3A_100 = arith.constant 0 : i32
      %dma_wait3A_101 = tpu.memref_slice %arg2[%dma_wait3A_99, %dma_wait3A_100] : memref<10000x128xf32, #tpu.memory_space<hbm>> -> memref<10000x128xf32, #tpu.memory_space<hbm>>
      tpu.wait_indirect_dma semaphore(%arg12 : memref<!tpu.dma_semaphore, #tpu.memory_space<semaphore_mem>>) src(%dma_wait3A_101 : memref<10000x128xf32, #tpu.memory_space<hbm>>) dst(%dma_wait3A_95 : memref<128x128xf32, #tpu.memory_space<vmem>>)
      %add3A_102 = arith.constant 1 : i32
      %add3A_103 = arith.addi %mul3A_62, %add3A_102 : i32
      %run_scoped3A_104 = arith.constant 1 : i32
      "tpu.region"() ({
        %run_scoped3A_105 = tpu.sem_alloc : memref<!tpu.dma_semaphore, #tpu.memory_space<semaphore_mem>>
        %dma_start3A_106 = arith.constant 0 : i32
        %dma_start3A_107 = arith.constant 0 : i32
        %dma_start3A_108 = tpu.memref_slice %arg9[%run_scoped3A_104, %dma_start3A_106, %dma_start3A_107] : memref<2x128x128xf32, #tpu.memory_space<vmem>> -> memref<1x128x128xf32, #tpu.memory_space<vmem>>
        %dma_start3A_109 = tpu.memref_squeeze %dma_start3A_108 : memref<1x128x128xf32, #tpu.memory_space<vmem>> -> memref<128x128xf32, #tpu.memory_space<vmem>>
        %dma_start3A_110 = arith.constant 0 : i32
        %dma_start3A_111 = tpu.memref_slice %arg8[%add3A_103, %dma_start3A_110] : memref<40x128xi32, #tpu.memory_space<vmem>> -> memref<1x128xi32, #tpu.memory_space<vmem>>
        %dma_start3A_112 = tpu.memref_squeeze %dma_start3A_111 : memref<1x128xi32, #tpu.memory_space<vmem>> -> memref<128xi32, #tpu.memory_space<vmem>>
        %dma_start3A_113 = arith.constant 0 : i32
        %dma_start3A_114 = arith.constant 0 : i32
        %dma_start3A_115 = tpu.memref_slice %arg10[%dma_start3A_113, %dma_start3A_114] : memref<10112x128xf32, #tpu.memory_space<vmem_shared>> -> memref<10112x128xf32, #tpu.memory_space<vmem_shared>>
        tpu.enqueue_indirect_dma source(%dma_start3A_109 : memref<128x128xf32, #tpu.memory_space<vmem>>) target(%dma_start3A_115 : memref<10112x128xf32, #tpu.memory_space<vmem_shared>>) offsets(%dma_start3A_112 : memref<128xi32, #tpu.memory_space<vmem>>) semaphore(%run_scoped3A_105 : memref<!tpu.dma_semaphore, #tpu.memory_space<semaphore_mem>>) {add = true}
        %dma_wait3A_116 = arith.constant 0 : i32
        %dma_wait3A_117 = arith.constant 0 : i32
        %dma_wait3A_118 = tpu.memref_slice %arg9[%run_scoped3A_104, %dma_wait3A_116, %dma_wait3A_117] : memref<2x128x128xf32, #tpu.memory_space<vmem>> -> memref<1x128x128xf32, #tpu.memory_space<vmem>>
        %dma_wait3A_119 = tpu.memref_squeeze %dma_wait3A_118 : memref<1x128x128xf32, #tpu.memory_space<vmem>> -> memref<128x128xf32, #tpu.memory_space<vmem>>
        %dma_wait3A_120 = arith.constant 0 : i32
        %dma_wait3A_121 = tpu.memref_slice %arg8[%add3A_103, %dma_wait3A_120] : memref<40x128xi32, #tpu.memory_space<vmem>> -> memref<1x128xi32, #tpu.memory_space<vmem>>
        %dma_wait3A_122 = tpu.memref_squeeze %dma_wait3A_121 : memref<1x128xi32, #tpu.memory_space<vmem>> -> memref<128xi32, #tpu.memory_space<vmem>>
        %dma_wait3A_123 = arith.constant 0 : i32
        %dma_wait3A_124 = arith.constant 0 : i32
        %dma_wait3A_125 = tpu.memref_slice %arg10[%dma_wait3A_123, %dma_wait3A_124] : memref<10112x128xf32, #tpu.memory_space<vmem_shared>> -> memref<10112x128xf32, #tpu.memory_space<vmem_shared>>
        tpu.wait_indirect_dma semaphore(%run_scoped3A_105 : memref<!tpu.dma_semaphore, #tpu.memory_space<semaphore_mem>>) src(%dma_wait3A_119 : memref<128x128xf32, #tpu.memory_space<vmem>>) dst(%dma_wait3A_125 : memref<10112x128xf32, #tpu.memory_space<vmem_shared>>)
        tpu.yield
      }) : () -> ()
    }
    %scan3A_26 = arith.constant 20 : i32
    %mul3A_27 = arith.constant 80 : i32
    %mul3A_28 = arith.muli %add3A, %mul3A_27 : i32
    %add3A_29 = arith.constant 40 : i32
    %add3A_30 = arith.addi %mul3A_28, %add3A_29 : i32
    "tpu.region"() ({
      %run_scoped3A = tpu.sem_alloc : memref<!tpu.dma_semaphore, #tpu.memory_space<semaphore_mem>>
      %dma_start3A_60 = arith.constant 0 : i32
      %dma_start3A_61 = tpu.memref_slice %arg3[%add3A_30, %dma_start3A_60] : memref<2560x128xi32, #tpu.memory_space<hbm>> -> memref<40x128xi32, #tpu.memory_space<hbm>>
      %dma_start3A_62 = arith.constant 0 : i32
      %dma_start3A_63 = tpu.memref_slice %arg3[%add3A_30, %dma_start3A_62] : memref<2560x128xi32, #tpu.memory_space<hbm>> -> memref<40x128xi32, #tpu.memory_space<hbm>>
      tpu.enqueue_dma source(%dma_start3A_63 : memref<40x128xi32, #tpu.memory_space<hbm>>) target(%arg7 : memref<40x128xi32, #tpu.memory_space<vmem>>) target_semaphore(%run_scoped3A : memref<!tpu.dma_semaphore, #tpu.memory_space<semaphore_mem>>)
      %dma_wait3A = arith.constant 0 : i32
      %dma_wait3A_64 = tpu.memref_slice %arg3[%add3A_30, %dma_wait3A] : memref<2560x128xi32, #tpu.memory_space<hbm>> -> memref<40x128xi32, #tpu.memory_space<hbm>>
      %dma_wait3A_65 = arith.constant 0 : i32
      %dma_wait3A_66 = tpu.memref_slice %arg3[%add3A_30, %dma_wait3A_65] : memref<2560x128xi32, #tpu.memory_space<hbm>> -> memref<40x128xi32, #tpu.memory_space<hbm>>
      tpu.wait_dma2 semaphore(%run_scoped3A : memref<!tpu.dma_semaphore, #tpu.memory_space<semaphore_mem>>) src(%dma_wait3A_66 : memref<40x128xi32, #tpu.memory_space<hbm>>) dst(%arg7 : memref<40x128xi32, #tpu.memory_space<vmem>>)
      tpu.yield
    }) : () -> ()
    %mul3A_31 = arith.constant 80 : i32
    %mul3A_32 = arith.muli %add3A, %mul3A_31 : i32
    %add3A_33 = arith.constant 40 : i32
    %add3A_34 = arith.addi %mul3A_32, %add3A_33 : i32
    "tpu.region"() ({
      %run_scoped3A = tpu.sem_alloc : memref<!tpu.dma_semaphore, #tpu.memory_space<semaphore_mem>>
      %dma_start3A_60 = arith.constant 0 : i32
      %dma_start3A_61 = tpu.memref_slice %arg4[%add3A_34, %dma_start3A_60] : memref<2560x128xi32, #tpu.memory_space<hbm>> -> memref<40x128xi32, #tpu.memory_space<hbm>>
      %dma_start3A_62 = arith.constant 0 : i32
      %dma_start3A_63 = tpu.memref_slice %arg4[%add3A_34, %dma_start3A_62] : memref<2560x128xi32, #tpu.memory_space<hbm>> -> memref<40x128xi32, #tpu.memory_space<hbm>>
      tpu.enqueue_dma source(%dma_start3A_63 : memref<40x128xi32, #tpu.memory_space<hbm>>) target(%arg8 : memref<40x128xi32, #tpu.memory_space<vmem>>) target_semaphore(%run_scoped3A : memref<!tpu.dma_semaphore, #tpu.memory_space<semaphore_mem>>)
      %dma_wait3A = arith.constant 0 : i32
      %dma_wait3A_64 = tpu.memref_slice %arg4[%add3A_34, %dma_wait3A] : memref<2560x128xi32, #tpu.memory_space<hbm>> -> memref<40x128xi32, #tpu.memory_space<hbm>>
      %dma_wait3A_65 = arith.constant 0 : i32
      %dma_wait3A_66 = tpu.memref_slice %arg4[%add3A_34, %dma_wait3A_65] : memref<2560x128xi32, #tpu.memory_space<hbm>> -> memref<40x128xi32, #tpu.memory_space<hbm>>
      tpu.wait_dma2 semaphore(%run_scoped3A : memref<!tpu.dma_semaphore, #tpu.memory_space<semaphore_mem>>) src(%dma_wait3A_66 : memref<40x128xi32, #tpu.memory_space<hbm>>) dst(%arg8 : memref<40x128xi32, #tpu.memory_space<vmem>>)
      tpu.yield
    }) : () -> ()
    %dma_start3A_35 = arith.constant 0 : i32
    %dma_start3A_36 = arith.constant 0 : i32
    %dma_start3A_37 = arith.constant 0 : i32
    %dma_start3A_38 = arith.constant 0 : i32
    %dma_start3A_39 = tpu.memref_slice %arg9[%dma_start3A_36, %dma_start3A_37, %dma_start3A_38] : memref<2x128x128xf32, #tpu.memory_space<vmem>> -> memref<1x128x128xf32, #tpu.memory_space<vmem>>
    %dma_start3A_40 = tpu.memref_squeeze %dma_start3A_39 : memref<1x128x128xf32, #tpu.memory_space<vmem>> -> memref<128x128xf32, #tpu.memory_space<vmem>>
    %dma_start3A_41 = arith.constant 0 : i32
    %dma_start3A_42 = tpu.memref_slice %arg7[%dma_start3A_35, %dma_start3A_41] : memref<40x128xi32, #tpu.memory_space<vmem>> -> memref<1x128xi32, #tpu.memory_space<vmem>>
    %dma_start3A_43 = tpu.memref_squeeze %dma_start3A_42 : memref<1x128xi32, #tpu.memory_space<vmem>> -> memref<128xi32, #tpu.memory_space<vmem>>
    %dma_start3A_44 = arith.constant 0 : i32
    %dma_start3A_45 = arith.constant 0 : i32
    %dma_start3A_46 = tpu.memref_slice %arg2[%dma_start3A_44, %dma_start3A_45] : memref<10000x128xf32, #tpu.memory_space<hbm>> -> memref<10000x128xf32, #tpu.memory_space<hbm>>
    tpu.enqueue_indirect_dma source(%dma_start3A_46 : memref<10000x128xf32, #tpu.memory_space<hbm>>) target(%dma_start3A_40 : memref<128x128xf32, #tpu.memory_space<vmem>>) offsets(%dma_start3A_43 : memref<128xi32, #tpu.memory_space<vmem>>) semaphore(%arg11 : memref<!tpu.dma_semaphore, #tpu.memory_space<semaphore_mem>>)
    %scan3A_47 = arith.constant 0 : i32
    %scan3A_48 = arith.constant 0 : i32
    %scan3A_49 = arith.constant 20 : i32
    %scan3A_50 = arith.addi %scan3A_48, %scan3A_49 : i32
    %scan3A_51 = arith.constant 1 : i32
    scf.for %scan3A_60 = %scan3A_48 to %scan3A_50 step %scan3A_51  : i32 {
      %mul3A_61 = arith.constant 2 : i32
      %mul3A_62 = arith.muli %scan3A_60, %mul3A_61 : i32
      %add3A_63 = arith.constant 1 : i32
      %add3A_64 = arith.addi %mul3A_62, %add3A_63 : i32
      %dma_start3A_65 = arith.constant 1 : i32
      %dma_start3A_66 = arith.constant 0 : i32
      %dma_start3A_67 = arith.constant 0 : i32
      %dma_start3A_68 = tpu.memref_slice %arg9[%dma_start3A_65, %dma_start3A_66, %dma_start3A_67] : memref<2x128x128xf32, #tpu.memory_space<vmem>> -> memref<1x128x128xf32, #tpu.memory_space<vmem>>
      %dma_start3A_69 = tpu.memref_squeeze %dma_start3A_68 : memref<1x128x128xf32, #tpu.memory_space<vmem>> -> memref<128x128xf32, #tpu.memory_space<vmem>>
      %dma_start3A_70 = arith.constant 0 : i32
      %dma_start3A_71 = tpu.memref_slice %arg7[%add3A_64, %dma_start3A_70] : memref<40x128xi32, #tpu.memory_space<vmem>> -> memref<1x128xi32, #tpu.memory_space<vmem>>
      %dma_start3A_72 = tpu.memref_squeeze %dma_start3A_71 : memref<1x128xi32, #tpu.memory_space<vmem>> -> memref<128xi32, #tpu.memory_space<vmem>>
      %dma_start3A_73 = arith.constant 0 : i32
      %dma_start3A_74 = arith.constant 0 : i32
      %dma_start3A_75 = tpu.memref_slice %arg2[%dma_start3A_73, %dma_start3A_74] : memref<10000x128xf32, #tpu.memory_space<hbm>> -> memref<10000x128xf32, #tpu.memory_space<hbm>>
      tpu.enqueue_indirect_dma source(%dma_start3A_75 : memref<10000x128xf32, #tpu.memory_space<hbm>>) target(%dma_start3A_69 : memref<128x128xf32, #tpu.memory_space<vmem>>) offsets(%dma_start3A_72 : memref<128xi32, #tpu.memory_space<vmem>>) semaphore(%arg12 : memref<!tpu.dma_semaphore, #tpu.memory_space<semaphore_mem>>)
      %dma_wait3A = arith.constant 0 : i32
      %dma_wait3A_76 = arith.constant 0 : i32
      %dma_wait3A_77 = arith.constant 0 : i32
      %dma_wait3A_78 = tpu.memref_slice %arg9[%dma_wait3A, %dma_wait3A_76, %dma_wait3A_77] : memref<2x128x128xf32, #tpu.memory_space<vmem>> -> memref<1x128x128xf32, #tpu.memory_space<vmem>>
      %dma_wait3A_79 = tpu.memref_squeeze %dma_wait3A_78 : memref<1x128x128xf32, #tpu.memory_space<vmem>> -> memref<128x128xf32, #tpu.memory_space<vmem>>
      %dma_wait3A_80 = arith.constant 0 : i32
      %dma_wait3A_81 = tpu.memref_slice %arg7[%mul3A_62, %dma_wait3A_80] : memref<40x128xi32, #tpu.memory_space<vmem>> -> memref<1x128xi32, #tpu.memory_space<vmem>>
      %dma_wait3A_82 = tpu.memref_squeeze %dma_wait3A_81 : memref<1x128xi32, #tpu.memory_space<vmem>> -> memref<128xi32, #tpu.memory_space<vmem>>
      %dma_wait3A_83 = arith.constant 0 : i32
      %dma_wait3A_84 = arith.constant 0 : i32
      %dma_wait3A_85 = tpu.memref_slice %arg2[%dma_wait3A_83, %dma_wait3A_84] : memref<10000x128xf32, #tpu.memory_space<hbm>> -> memref<10000x128xf32, #tpu.memory_space<hbm>>
      tpu.wait_indirect_dma semaphore(%arg11 : memref<!tpu.dma_semaphore, #tpu.memory_space<semaphore_mem>>) src(%dma_wait3A_85 : memref<10000x128xf32, #tpu.memory_space<hbm>>) dst(%dma_wait3A_79 : memref<128x128xf32, #tpu.memory_space<vmem>>)
      %run_scoped3A = arith.constant 0 : i32
      "tpu.region"() ({
        %run_scoped3A_105 = tpu.sem_alloc : memref<!tpu.dma_semaphore, #tpu.memory_space<semaphore_mem>>
        %dma_start3A_106 = arith.constant 0 : i32
        %dma_start3A_107 = arith.constant 0 : i32
        %dma_start3A_108 = tpu.memref_slice %arg9[%run_scoped3A, %dma_start3A_106, %dma_start3A_107] : memref<2x128x128xf32, #tpu.memory_space<vmem>> -> memref<1x128x128xf32, #tpu.memory_space<vmem>>
        %dma_start3A_109 = tpu.memref_squeeze %dma_start3A_108 : memref<1x128x128xf32, #tpu.memory_space<vmem>> -> memref<128x128xf32, #tpu.memory_space<vmem>>
        %dma_start3A_110 = arith.constant 0 : i32
        %dma_start3A_111 = tpu.memref_slice %arg8[%mul3A_62, %dma_start3A_110] : memref<40x128xi32, #tpu.memory_space<vmem>> -> memref<1x128xi32, #tpu.memory_space<vmem>>
        %dma_start3A_112 = tpu.memref_squeeze %dma_start3A_111 : memref<1x128xi32, #tpu.memory_space<vmem>> -> memref<128xi32, #tpu.memory_space<vmem>>
        %dma_start3A_113 = arith.constant 0 : i32
        %dma_start3A_114 = arith.constant 0 : i32
        %dma_start3A_115 = tpu.memref_slice %arg10[%dma_start3A_113, %dma_start3A_114] : memref<10112x128xf32, #tpu.memory_space<vmem_shared>> -> memref<10112x128xf32, #tpu.memory_space<vmem_shared>>
        tpu.enqueue_indirect_dma source(%dma_start3A_109 : memref<128x128xf32, #tpu.memory_space<vmem>>) target(%dma_start3A_115 : memref<10112x128xf32, #tpu.memory_space<vmem_shared>>) offsets(%dma_start3A_112 : memref<128xi32, #tpu.memory_space<vmem>>) semaphore(%run_scoped3A_105 : memref<!tpu.dma_semaphore, #tpu.memory_space<semaphore_mem>>) {add = true}
        %dma_wait3A_116 = arith.constant 0 : i32
        %dma_wait3A_117 = arith.constant 0 : i32
        %dma_wait3A_118 = tpu.memref_slice %arg9[%run_scoped3A, %dma_wait3A_116, %dma_wait3A_117] : memref<2x128x128xf32, #tpu.memory_space<vmem>> -> memref<1x128x128xf32, #tpu.memory_space<vmem>>
        %dma_wait3A_119 = tpu.memref_squeeze %dma_wait3A_118 : memref<1x128x128xf32, #tpu.memory_space<vmem>> -> memref<128x128xf32, #tpu.memory_space<vmem>>
        %dma_wait3A_120 = arith.constant 0 : i32
        %dma_wait3A_121 = tpu.memref_slice %arg8[%mul3A_62, %dma_wait3A_120] : memref<40x128xi32, #tpu.memory_space<vmem>> -> memref<1x128xi32, #tpu.memory_space<vmem>>
        %dma_wait3A_122 = tpu.memref_squeeze %dma_wait3A_121 : memref<1x128xi32, #tpu.memory_space<vmem>> -> memref<128xi32, #tpu.memory_space<vmem>>
        %dma_wait3A_123 = arith.constant 0 : i32
        %dma_wait3A_124 = arith.constant 0 : i32
        %dma_wait3A_125 = tpu.memref_slice %arg10[%dma_wait3A_123, %dma_wait3A_124] : memref<10112x128xf32, #tpu.memory_space<vmem_shared>> -> memref<10112x128xf32, #tpu.memory_space<vmem_shared>>
        tpu.wait_indirect_dma semaphore(%run_scoped3A_105 : memref<!tpu.dma_semaphore, #tpu.memory_space<semaphore_mem>>) src(%dma_wait3A_119 : memref<128x128xf32, #tpu.memory_space<vmem>>) dst(%dma_wait3A_125 : memref<10112x128xf32, #tpu.memory_space<vmem_shared>>)
        tpu.yield
      }) : () -> ()
      %lt3A_86 = arith.constant 19 : i32
      %lt3A_87 = arith.cmpi slt, %scan3A_60, %lt3A_86 : i32
      %convert_element_type3A_88 = arith.extui %lt3A_87 : i1 to i32
      %cond3A_89 = arith.constant 0 : i32
      %cond3A_90 = arith.cmpi ne, %convert_element_type3A_88, %cond3A_89 : i32
      scf.if %cond3A_90 {
        %add3A_105 = arith.constant 2 : i32
        %add3A_106 = arith.addi %mul3A_62, %add3A_105 : i32
        %dma_start3A_107 = arith.constant 0 : i32
        %dma_start3A_108 = arith.constant 0 : i32
        %dma_start3A_109 = arith.constant 0 : i32
        %dma_start3A_110 = tpu.memref_slice %arg9[%dma_start3A_107, %dma_start3A_108, %dma_start3A_109] : memref<2x128x128xf32, #tpu.memory_space<vmem>> -> memref<1x128x128xf32, #tpu.memory_space<vmem>>
        %dma_start3A_111 = tpu.memref_squeeze %dma_start3A_110 : memref<1x128x128xf32, #tpu.memory_space<vmem>> -> memref<128x128xf32, #tpu.memory_space<vmem>>
        %dma_start3A_112 = arith.constant 0 : i32
        %dma_start3A_113 = tpu.memref_slice %arg7[%add3A_106, %dma_start3A_112] : memref<40x128xi32, #tpu.memory_space<vmem>> -> memref<1x128xi32, #tpu.memory_space<vmem>>
        %dma_start3A_114 = tpu.memref_squeeze %dma_start3A_113 : memref<1x128xi32, #tpu.memory_space<vmem>> -> memref<128xi32, #tpu.memory_space<vmem>>
        %dma_start3A_115 = arith.constant 0 : i32
        %dma_start3A_116 = arith.constant 0 : i32
        %dma_start3A_117 = tpu.memref_slice %arg2[%dma_start3A_115, %dma_start3A_116] : memref<10000x128xf32, #tpu.memory_space<hbm>> -> memref<10000x128xf32, #tpu.memory_space<hbm>>
        tpu.enqueue_indirect_dma source(%dma_start3A_117 : memref<10000x128xf32, #tpu.memory_space<hbm>>) target(%dma_start3A_111 : memref<128x128xf32, #tpu.memory_space<vmem>>) offsets(%dma_start3A_114 : memref<128xi32, #tpu.memory_space<vmem>>) semaphore(%arg11 : memref<!tpu.dma_semaphore, #tpu.memory_space<semaphore_mem>>)
      } else {
      }
      %dma_wait3A_91 = arith.constant 1 : i32
      %dma_wait3A_92 = arith.constant 0 : i32
      %dma_wait3A_93 = arith.constant 0 : i32
      %dma_wait3A_94 = tpu.memref_slice %arg9[%dma_wait3A_91, %dma_wait3A_92, %dma_wait3A_93] : memref<2x128x128xf32, #tpu.memory_space<vmem>> -> memref<1x128x128xf32, #tpu.memory_space<vmem>>
      %dma_wait3A_95 = tpu.memref_squeeze %dma_wait3A_94 : memref<1x128x128xf32, #tpu.memory_space<vmem>> -> memref<128x128xf32, #tpu.memory_space<vmem>>
      %dma_wait3A_96 = arith.constant 0 : i32
      %dma_wait3A_97 = tpu.memref_slice %arg7[%mul3A_62, %dma_wait3A_96] : memref<40x128xi32, #tpu.memory_space<vmem>> -> memref<1x128xi32, #tpu.memory_space<vmem>>
      %dma_wait3A_98 = tpu.memref_squeeze %dma_wait3A_97 : memref<1x128xi32, #tpu.memory_space<vmem>> -> memref<128xi32, #tpu.memory_space<vmem>>
      %dma_wait3A_99 = arith.constant 0 : i32
      %dma_wait3A_100 = arith.constant 0 : i32
      %dma_wait3A_101 = tpu.memref_slice %arg2[%dma_wait3A_99, %dma_wait3A_100] : memref<10000x128xf32, #tpu.memory_space<hbm>> -> memref<10000x128xf32, #tpu.memory_space<hbm>>
      tpu.wait_indirect_dma semaphore(%arg12 : memref<!tpu.dma_semaphore, #tpu.memory_space<semaphore_mem>>) src(%dma_wait3A_101 : memref<10000x128xf32, #tpu.memory_space<hbm>>) dst(%dma_wait3A_95 : memref<128x128xf32, #tpu.memory_space<vmem>>)
      %add3A_102 = arith.constant 1 : i32
      %add3A_103 = arith.addi %mul3A_62, %add3A_102 : i32
      %run_scoped3A_104 = arith.constant 1 : i32
      "tpu.region"() ({
        %run_scoped3A_105 = tpu.sem_alloc : memref<!tpu.dma_semaphore, #tpu.memory_space<semaphore_mem>>
        %dma_start3A_106 = arith.constant 0 : i32
        %dma_start3A_107 = arith.constant 0 : i32
        %dma_start3A_108 = tpu.memref_slice %arg9[%run_scoped3A_104, %dma_start3A_106, %dma_start3A_107] : memref<2x128x128xf32, #tpu.memory_space<vmem>> -> memref<1x128x128xf32, #tpu.memory_space<vmem>>
        %dma_start3A_109 = tpu.memref_squeeze %dma_start3A_108 : memref<1x128x128xf32, #tpu.memory_space<vmem>> -> memref<128x128xf32, #tpu.memory_space<vmem>>
        %dma_start3A_110 = arith.constant 0 : i32
        %dma_start3A_111 = tpu.memref_slice %arg8[%add3A_103, %dma_start3A_110] : memref<40x128xi32, #tpu.memory_space<vmem>> -> memref<1x128xi32, #tpu.memory_space<vmem>>
        %dma_start3A_112 = tpu.memref_squeeze %dma_start3A_111 : memref<1x128xi32, #tpu.memory_space<vmem>> -> memref<128xi32, #tpu.memory_space<vmem>>
        %dma_start3A_113 = arith.constant 0 : i32
        %dma_start3A_114 = arith.constant 0 : i32
        %dma_start3A_115 = tpu.memref_slice %arg10[%dma_start3A_113, %dma_start3A_114] : memref<10112x128xf32, #tpu.memory_space<vmem_shared>> -> memref<10112x128xf32, #tpu.memory_space<vmem_shared>>
        tpu.enqueue_indirect_dma source(%dma_start3A_109 : memref<128x128xf32, #tpu.memory_space<vmem>>) target(%dma_start3A_115 : memref<10112x128xf32, #tpu.memory_space<vmem_shared>>) offsets(%dma_start3A_112 : memref<128xi32, #tpu.memory_space<vmem>>) semaphore(%run_scoped3A_105 : memref<!tpu.dma_semaphore, #tpu.memory_space<semaphore_mem>>) {add = true}
        %dma_wait3A_116 = arith.constant 0 : i32
        %dma_wait3A_117 = arith.constant 0 : i32
        %dma_wait3A_118 = tpu.memref_slice %arg9[%run_scoped3A_104, %dma_wait3A_116, %dma_wait3A_117] : memref<2x128x128xf32, #tpu.memory_space<vmem>> -> memref<1x128x128xf32, #tpu.memory_space<vmem>>
        %dma_wait3A_119 = tpu.memref_squeeze %dma_wait3A_118 : memref<1x128x128xf32, #tpu.memory_space<vmem>> -> memref<128x128xf32, #tpu.memory_space<vmem>>
        %dma_wait3A_120 = arith.constant 0 : i32
        %dma_wait3A_121 = tpu.memref_slice %arg8[%add3A_103, %dma_wait3A_120] : memref<40x128xi32, #tpu.memory_space<vmem>> -> memref<1x128xi32, #tpu.memory_space<vmem>>
        %dma_wait3A_122 = tpu.memref_squeeze %dma_wait3A_121 : memref<1x128xi32, #tpu.memory_space<vmem>> -> memref<128xi32, #tpu.memory_space<vmem>>
        %dma_wait3A_123 = arith.constant 0 : i32
        %dma_wait3A_124 = arith.constant 0 : i32
        %dma_wait3A_125 = tpu.memref_slice %arg10[%dma_wait3A_123, %dma_wait3A_124] : memref<10112x128xf32, #tpu.memory_space<vmem_shared>> -> memref<10112x128xf32, #tpu.memory_space<vmem_shared>>
        tpu.wait_indirect_dma semaphore(%run_scoped3A_105 : memref<!tpu.dma_semaphore, #tpu.memory_space<semaphore_mem>>) src(%dma_wait3A_119 : memref<128x128xf32, #tpu.memory_space<vmem>>) dst(%dma_wait3A_125 : memref<10112x128xf32, #tpu.memory_space<vmem_shared>>)
        tpu.yield
      }) : () -> ()
    }
    %scan3A_52 = arith.constant 20 : i32
    %barrier3A_53 = arith.constant 0 : index
    tpu.barrier barrier_id(%barrier3A_53)
    %lt3A = arith.constant 15 : i32
    %lt3A_54 = arith.cmpi slt, %arg1, %lt3A : i32
    %convert_element_type3A = arith.extui %lt3A_54 : i1 to i32
    %cond3A = arith.constant 0 : i32
    %cond3A_55 = arith.cmpi ne, %convert_element_type3A, %cond3A : i32
    scf.if %cond3A_55 {
      %mul3A_60 = arith.constant 624 : i32
      %mul3A_61 = arith.muli %arg1, %mul3A_60 : i32
      %mul3A_62 = arith.constant 624 : i32
      %mul3A_63 = arith.muli %arg1, %mul3A_62 : i32
      "tpu.region"() ({
        %run_scoped3A = tpu.sem_alloc : memref<!tpu.dma_semaphore, #tpu.memory_space<semaphore_mem>>
        %dma_start3A_64 = arith.constant 0 : i32
        %dma_start3A_65 = arith.constant 0 : i32
        %dma_start3A_66 = tpu.memref_slice %arg6[%arg0, %dma_start3A_64, %dma_start3A_65] : memref<2x10000x128xf32, #tpu.memory_space<hbm>> -> memref<1x10000x128xf32, #tpu.memory_space<hbm>>
        %dma_start3A_67 = tpu.memref_squeeze %dma_start3A_66 : memref<1x10000x128xf32, #tpu.memory_space<hbm>> -> memref<10000x128xf32, #tpu.memory_space<hbm>>
        %dma_start3A_68 = arith.constant 0 : i32
        %dma_start3A_69 = tpu.memref_slice %dma_start3A_67[%mul3A_63, %dma_start3A_68] : memref<10000x128xf32, #tpu.memory_space<hbm>> -> memref<624x128xf32, #tpu.memory_space<hbm>>
        %dma_start3A_70 = arith.constant 0 : i32
        %dma_start3A_71 = tpu.memref_slice %arg10[%mul3A_61, %dma_start3A_70] : memref<10112x128xf32, #tpu.memory_space<vmem_shared>> -> memref<624x128xf32, #tpu.memory_space<vmem_shared>>
        tpu.enqueue_dma source(%dma_start3A_71 : memref<624x128xf32, #tpu.memory_space<vmem_shared>>) target(%dma_start3A_69 : memref<624x128xf32, #tpu.memory_space<hbm>>) target_semaphore(%run_scoped3A : memref<!tpu.dma_semaphore, #tpu.memory_space<semaphore_mem>>)
        %dma_wait3A = arith.constant 0 : i32
        %dma_wait3A_72 = arith.constant 0 : i32
        %dma_wait3A_73 = tpu.memref_slice %arg6[%arg0, %dma_wait3A, %dma_wait3A_72] : memref<2x10000x128xf32, #tpu.memory_space<hbm>> -> memref<1x10000x128xf32, #tpu.memory_space<hbm>>
        %dma_wait3A_74 = tpu.memref_squeeze %dma_wait3A_73 : memref<1x10000x128xf32, #tpu.memory_space<hbm>> -> memref<10000x128xf32, #tpu.memory_space<hbm>>
        %dma_wait3A_75 = arith.constant 0 : i32
        %dma_wait3A_76 = tpu.memref_slice %dma_wait3A_74[%mul3A_63, %dma_wait3A_75] : memref<10000x128xf32, #tpu.memory_space<hbm>> -> memref<624x128xf32, #tpu.memory_space<hbm>>
        %dma_wait3A_77 = arith.constant 0 : i32
        %dma_wait3A_78 = tpu.memref_slice %arg10[%mul3A_61, %dma_wait3A_77] : memref<10112x128xf32, #tpu.memory_space<vmem_shared>> -> memref<624x128xf32, #tpu.memory_space<vmem_shared>>
        tpu.wait_dma2 semaphore(%run_scoped3A : memref<!tpu.dma_semaphore, #tpu.memory_space<semaphore_mem>>) src(%dma_wait3A_78 : memref<624x128xf32, #tpu.memory_space<vmem_shared>>) dst(%dma_wait3A_76 : memref<624x128xf32, #tpu.memory_space<hbm>>)
        tpu.yield
      }) : () -> ()
    } else {
    }
    %eq3A = arith.constant 15 : i32
    %eq3A_56 = arith.cmpi eq, %arg1, %eq3A : i32
    %convert_element_type3A_57 = arith.extui %eq3A_56 : i1 to i32
    %cond3A_58 = arith.constant 0 : i32
    %cond3A_59 = arith.cmpi ne, %convert_element_type3A_57, %cond3A_58 : i32
    scf.if %cond3A_59 {
      "tpu.region"() ({
        %run_scoped3A = tpu.sem_alloc : memref<!tpu.dma_semaphore, #tpu.memory_space<semaphore_mem>>
        %dma_start3A_60 = arith.constant 0 : i32
        %dma_start3A_61 = arith.constant 0 : i32
        %dma_start3A_62 = tpu.memref_slice %arg6[%arg0, %dma_start3A_60, %dma_start3A_61] : memref<2x10000x128xf32, #tpu.memory_space<hbm>> -> memref<1x10000x128xf32, #tpu.memory_space<hbm>>
        %dma_start3A_63 = tpu.memref_squeeze %dma_start3A_62 : memref<1x10000x128xf32, #tpu.memory_space<hbm>> -> memref<10000x128xf32, #tpu.memory_space<hbm>>
        %dma_start3A_64 = arith.constant 9360 : i32
        %dma_start3A_65 = arith.constant 0 : i32
        %dma_start3A_66 = tpu.memref_slice %dma_start3A_63[%dma_start3A_64, %dma_start3A_65] : memref<10000x128xf32, #tpu.memory_space<hbm>> -> memref<640x128xf32, #tpu.memory_space<hbm>>
        %dma_start3A_67 = arith.constant 9360 : i32
        %dma_start3A_68 = arith.constant 0 : i32
        %dma_start3A_69 = tpu.memref_slice %arg10[%dma_start3A_67, %dma_start3A_68] : memref<10112x128xf32, #tpu.memory_space<vmem_shared>> -> memref<640x128xf32, #tpu.memory_space<vmem_shared>>
        tpu.enqueue_dma source(%dma_start3A_69 : memref<640x128xf32, #tpu.memory_space<vmem_shared>>) target(%dma_start3A_66 : memref<640x128xf32, #tpu.memory_space<hbm>>) target_semaphore(%run_scoped3A : memref<!tpu.dma_semaphore, #tpu.memory_space<semaphore_mem>>)
        %dma_wait3A = arith.constant 0 : i32
        %dma_wait3A_70 = arith.constant 0 : i32
        %dma_wait3A_71 = tpu.memref_slice %arg6[%arg0, %dma_wait3A, %dma_wait3A_70] : memref<2x10000x128xf32, #tpu.memory_space<hbm>> -> memref<1x10000x128xf32, #tpu.memory_space<hbm>>
        %dma_wait3A_72 = tpu.memref_squeeze %dma_wait3A_71 : memref<1x10000x128xf32, #tpu.memory_space<hbm>> -> memref<10000x128xf32, #tpu.memory_space<hbm>>
        %dma_wait3A_73 = arith.constant 9360 : i32
        %dma_wait3A_74 = arith.constant 0 : i32
        %dma_wait3A_75 = tpu.memref_slice %dma_wait3A_72[%dma_wait3A_73, %dma_wait3A_74] : memref<10000x128xf32, #tpu.memory_space<hbm>> -> memref<640x128xf32, #tpu.memory_space<hbm>>
        %dma_wait3A_76 = arith.constant 9360 : i32
        %dma_wait3A_77 = arith.constant 0 : i32
        %dma_wait3A_78 = tpu.memref_slice %arg10[%dma_wait3A_76, %dma_wait3A_77] : memref<10112x128xf32, #tpu.memory_space<vmem_shared>> -> memref<640x128xf32, #tpu.memory_space<vmem_shared>>
        tpu.wait_dma2 semaphore(%run_scoped3A : memref<!tpu.dma_semaphore, #tpu.memory_space<semaphore_mem>>) src(%dma_wait3A_78 : memref<640x128xf32, #tpu.memory_space<vmem_shared>>) dst(%dma_wait3A_75 : memref<640x128xf32, #tpu.memory_space<hbm>>)
        tpu.yield
      }) : () -> ()
    } else {
    }
    return
  }
}

#map = affine_map<(d0, d1) -> (0, 0)>
#map1 = affine_map<(d0, d1) -> (0, 0, 0)>
module attributes {stable_mosaic.version = 14 : i64} {
  func.func @_sc_agg_body(%arg0: i32, %arg1: i32, %arg2: memref<10000x128xf32, #tpu.memory_space<hbm>>, %arg3: memref<2560x128xi32, #tpu.memory_space<hbm>>, %arg4: memref<2560x128xi32, #tpu.memory_space<hbm>>, %arg5: memref<632x128xf32, #tpu.memory_space<hbm>>, %arg6: memref<2x10000x128xf32, #tpu.memory_space<hbm>>, %arg7: memref<40x128xi32, #tpu.memory_space<vmem>>, %arg8: memref<40x128xi32, #tpu.memory_space<vmem>>, %arg9: memref<2x128x128xf32, #tpu.memory_space<vmem>>, %arg10: memref<10112x128xf32, #tpu.memory_space<vmem_shared>>, %arg11: memref<!tpu.dma_semaphore, #tpu.memory_space<semaphore_mem>>, %arg12: memref<!tpu.dma_semaphore, #tpu.memory_space<semaphore_mem>>) attributes {dimension_semantics = [#tpu.dimension_semantics<core_parallel>, #tpu.dimension_semantics<subcore_parallel>], iteration_bounds = array<i64: 2, 16>, scalar_prefetch = 0 : i64, scratch_operands = 6 : i64, tpu.core_type = #tpu.core_type<sc_vector_subcore>, window_params = [{transform_indices = #map}, {transform_indices = #map}, {transform_indices = #map}, {transform_indices = #map}, {transform_indices = #map1}]} {
    %mul3A = arith.constant 16 : i32
    %mul3A_0 = arith.muli %arg0, %mul3A : i32
    %add3A = arith.addi %mul3A_0, %arg1 : i32
    %mul3A_1 = arith.constant 632 : i32
    %mul3A_2 = arith.muli %arg1, %mul3A_1 : i32
    "tpu.region"() ({
      %run_scoped3A = tpu.sem_alloc : memref<!tpu.dma_semaphore, #tpu.memory_space<semaphore_mem>>
      %dma_start3A_60 = arith.constant 0 : i32
      %dma_start3A_61 = tpu.memref_slice %arg10[%mul3A_2, %dma_start3A_60] : memref<10112x128xf32, #tpu.memory_space<vmem_shared>> -> memref<632x128xf32, #tpu.memory_space<vmem_shared>>
      tpu.enqueue_dma source(%arg5 : memref<632x128xf32, #tpu.memory_space<hbm>>) target(%dma_start3A_61 : memref<632x128xf32, #tpu.memory_space<vmem_shared>>) target_semaphore(%run_scoped3A : memref<!tpu.dma_semaphore, #tpu.memory_space<semaphore_mem>>)
      %dma_wait3A = arith.constant 0 : i32
      %dma_wait3A_62 = tpu.memref_slice %arg10[%mul3A_2, %dma_wait3A] : memref<10112x128xf32, #tpu.memory_space<vmem_shared>> -> memref<632x128xf32, #tpu.memory_space<vmem_shared>>
      tpu.wait_dma2 semaphore(%run_scoped3A : memref<!tpu.dma_semaphore, #tpu.memory_space<semaphore_mem>>) src(%arg5 : memref<632x128xf32, #tpu.memory_space<hbm>>) dst(%dma_wait3A_62 : memref<632x128xf32, #tpu.memory_space<vmem_shared>>)
      tpu.yield
    }) : () -> ()
    %barrier3A = arith.constant 0 : index
    tpu.barrier barrier_id(%barrier3A)
    %mul3A_3 = arith.constant 80 : i32
    %mul3A_4 = arith.muli %add3A, %mul3A_3 : i32
    %add3A_5 = arith.constant 0 : i32
    %add3A_6 = arith.addi %mul3A_4, %add3A_5 : i32
    "tpu.region"() ({
      %run_scoped3A = tpu.sem_alloc : memref<!tpu.dma_semaphore, #tpu.memory_space<semaphore_mem>>
      %dma_start3A_60 = arith.constant 0 : i32
      %dma_start3A_61 = tpu.memref_slice %arg3[%add3A_6, %dma_start3A_60] : memref<2560x128xi32, #tpu.memory_space<hbm>> -> memref<40x128xi32, #tpu.memory_space<hbm>>
      %dma_start3A_62 = arith.constant 0 : i32
      %dma_start3A_63 = tpu.memref_slice %arg3[%add3A_6, %dma_start3A_62] : memref<2560x128xi32, #tpu.memory_space<hbm>> -> memref<40x128xi32, #tpu.memory_space<hbm>>
      tpu.enqueue_dma source(%dma_start3A_63 : memref<40x128xi32, #tpu.memory_space<hbm>>) target(%arg7 : memref<40x128xi32, #tpu.memory_space<vmem>>) target_semaphore(%run_scoped3A : memref<!tpu.dma_semaphore, #tpu.memory_space<semaphore_mem>>)
      %dma_wait3A = arith.constant 0 : i32
      %dma_wait3A_64 = tpu.memref_slice %arg3[%add3A_6, %dma_wait3A] : memref<2560x128xi32, #tpu.memory_space<hbm>> -> memref<40x128xi32, #tpu.memory_space<hbm>>
      %dma_wait3A_65 = arith.constant 0 : i32
      %dma_wait3A_66 = tpu.memref_slice %arg3[%add3A_6, %dma_wait3A_65] : memref<2560x128xi32, #tpu.memory_space<hbm>> -> memref<40x128xi32, #tpu.memory_space<hbm>>
      tpu.wait_dma2 semaphore(%run_scoped3A : memref<!tpu.dma_semaphore, #tpu.memory_space<semaphore_mem>>) src(%dma_wait3A_66 : memref<40x128xi32, #tpu.memory_space<hbm>>) dst(%arg7 : memref<40x128xi32, #tpu.memory_space<vmem>>)
      tpu.yield
    }) : () -> ()
    %mul3A_7 = arith.constant 80 : i32
    %mul3A_8 = arith.muli %add3A, %mul3A_7 : i32
    %add3A_9 = arith.constant 0 : i32
    %add3A_10 = arith.addi %mul3A_8, %add3A_9 : i32
    "tpu.region"() ({
      %run_scoped3A = tpu.sem_alloc : memref<!tpu.dma_semaphore, #tpu.memory_space<semaphore_mem>>
      %dma_start3A_60 = arith.constant 0 : i32
      %dma_start3A_61 = tpu.memref_slice %arg4[%add3A_10, %dma_start3A_60] : memref<2560x128xi32, #tpu.memory_space<hbm>> -> memref<40x128xi32, #tpu.memory_space<hbm>>
      %dma_start3A_62 = arith.constant 0 : i32
      %dma_start3A_63 = tpu.memref_slice %arg4[%add3A_10, %dma_start3A_62] : memref<2560x128xi32, #tpu.memory_space<hbm>> -> memref<40x128xi32, #tpu.memory_space<hbm>>
      tpu.enqueue_dma source(%dma_start3A_63 : memref<40x128xi32, #tpu.memory_space<hbm>>) target(%arg8 : memref<40x128xi32, #tpu.memory_space<vmem>>) target_semaphore(%run_scoped3A : memref<!tpu.dma_semaphore, #tpu.memory_space<semaphore_mem>>)
      %dma_wait3A = arith.constant 0 : i32
      %dma_wait3A_64 = tpu.memref_slice %arg4[%add3A_10, %dma_wait3A] : memref<2560x128xi32, #tpu.memory_space<hbm>> -> memref<40x128xi32, #tpu.memory_space<hbm>>
      %dma_wait3A_65 = arith.constant 0 : i32
      %dma_wait3A_66 = tpu.memref_slice %arg4[%add3A_10, %dma_wait3A_65] : memref<2560x128xi32, #tpu.memory_space<hbm>> -> memref<40x128xi32, #tpu.memory_space<hbm>>
      tpu.wait_dma2 semaphore(%run_scoped3A : memref<!tpu.dma_semaphore, #tpu.memory_space<semaphore_mem>>) src(%dma_wait3A_66 : memref<40x128xi32, #tpu.memory_space<hbm>>) dst(%arg8 : memref<40x128xi32, #tpu.memory_space<vmem>>)
      tpu.yield
    }) : () -> ()
    %dma_start3A = arith.constant 0 : i32
    %dma_start3A_11 = arith.constant 0 : i32
    %dma_start3A_12 = arith.constant 0 : i32
    %dma_start3A_13 = arith.constant 0 : i32
    %dma_start3A_14 = tpu.memref_slice %arg9[%dma_start3A_11, %dma_start3A_12, %dma_start3A_13] : memref<2x128x128xf32, #tpu.memory_space<vmem>> -> memref<1x128x128xf32, #tpu.memory_space<vmem>>
    %dma_start3A_15 = tpu.memref_squeeze %dma_start3A_14 : memref<1x128x128xf32, #tpu.memory_space<vmem>> -> memref<128x128xf32, #tpu.memory_space<vmem>>
    %dma_start3A_16 = arith.constant 0 : i32
    %dma_start3A_17 = tpu.memref_slice %arg7[%dma_start3A, %dma_start3A_16] : memref<40x128xi32, #tpu.memory_space<vmem>> -> memref<1x128xi32, #tpu.memory_space<vmem>>
    %dma_start3A_18 = tpu.memref_squeeze %dma_start3A_17 : memref<1x128xi32, #tpu.memory_space<vmem>> -> memref<128xi32, #tpu.memory_space<vmem>>
    %dma_start3A_19 = arith.constant 0 : i32
    %dma_start3A_20 = arith.constant 0 : i32
    %dma_start3A_21 = tpu.memref_slice %arg2[%dma_start3A_19, %dma_start3A_20] : memref<10000x128xf32, #tpu.memory_space<hbm>> -> memref<10000x128xf32, #tpu.memory_space<hbm>>
    tpu.enqueue_indirect_dma source(%dma_start3A_21 : memref<10000x128xf32, #tpu.memory_space<hbm>>) target(%dma_start3A_15 : memref<128x128xf32, #tpu.memory_space<vmem>>) offsets(%dma_start3A_18 : memref<128xi32, #tpu.memory_space<vmem>>) semaphore(%arg11 : memref<!tpu.dma_semaphore, #tpu.memory_space<semaphore_mem>>)
    %scan3A = arith.constant 0 : i32
    %scan3A_22 = arith.constant 0 : i32
    %scan3A_23 = arith.constant 20 : i32
    %scan3A_24 = arith.addi %scan3A_22, %scan3A_23 : i32
    %scan3A_25 = arith.constant 1 : i32
    scf.for %scan3A_60 = %scan3A_22 to %scan3A_24 step %scan3A_25  : i32 {
      %mul3A_61 = arith.constant 2 : i32
      %mul3A_62 = arith.muli %scan3A_60, %mul3A_61 : i32
      %add3A_63 = arith.constant 1 : i32
      %add3A_64 = arith.addi %mul3A_62, %add3A_63 : i32
      %dma_start3A_65 = arith.constant 1 : i32
      %dma_start3A_66 = arith.constant 0 : i32
      %dma_start3A_67 = arith.constant 0 : i32
      %dma_start3A_68 = tpu.memref_slice %arg9[%dma_start3A_65, %dma_start3A_66, %dma_start3A_67] : memref<2x128x128xf32, #tpu.memory_space<vmem>> -> memref<1x128x128xf32, #tpu.memory_space<vmem>>
      %dma_start3A_69 = tpu.memref_squeeze %dma_start3A_68 : memref<1x128x128xf32, #tpu.memory_space<vmem>> -> memref<128x128xf32, #tpu.memory_space<vmem>>
      %dma_start3A_70 = arith.constant 0 : i32
      %dma_start3A_71 = tpu.memref_slice %arg7[%add3A_64, %dma_start3A_70] : memref<40x128xi32, #tpu.memory_space<vmem>> -> memref<1x128xi32, #tpu.memory_space<vmem>>
      %dma_start3A_72 = tpu.memref_squeeze %dma_start3A_71 : memref<1x128xi32, #tpu.memory_space<vmem>> -> memref<128xi32, #tpu.memory_space<vmem>>
      %dma_start3A_73 = arith.constant 0 : i32
      %dma_start3A_74 = arith.constant 0 : i32
      %dma_start3A_75 = tpu.memref_slice %arg2[%dma_start3A_73, %dma_start3A_74] : memref<10000x128xf32, #tpu.memory_space<hbm>> -> memref<10000x128xf32, #tpu.memory_space<hbm>>
      tpu.enqueue_indirect_dma source(%dma_start3A_75 : memref<10000x128xf32, #tpu.memory_space<hbm>>) target(%dma_start3A_69 : memref<128x128xf32, #tpu.memory_space<vmem>>) offsets(%dma_start3A_72 : memref<128xi32, #tpu.memory_space<vmem>>) semaphore(%arg12 : memref<!tpu.dma_semaphore, #tpu.memory_space<semaphore_mem>>)
      %dma_wait3A = arith.constant 0 : i32
      %dma_wait3A_76 = arith.constant 0 : i32
      %dma_wait3A_77 = arith.constant 0 : i32
      %dma_wait3A_78 = tpu.memref_slice %arg9[%dma_wait3A, %dma_wait3A_76, %dma_wait3A_77] : memref<2x128x128xf32, #tpu.memory_space<vmem>> -> memref<1x128x128xf32, #tpu.memory_space<vmem>>
      %dma_wait3A_79 = tpu.memref_squeeze %dma_wait3A_78 : memref<1x128x128xf32, #tpu.memory_space<vmem>> -> memref<128x128xf32, #tpu.memory_space<vmem>>
      %dma_wait3A_80 = arith.constant 0 : i32
      %dma_wait3A_81 = tpu.memref_slice %arg7[%mul3A_62, %dma_wait3A_80] : memref<40x128xi32, #tpu.memory_space<vmem>> -> memref<1x128xi32, #tpu.memory_space<vmem>>
      %dma_wait3A_82 = tpu.memref_squeeze %dma_wait3A_81 : memref<1x128xi32, #tpu.memory_space<vmem>> -> memref<128xi32, #tpu.memory_space<vmem>>
      %dma_wait3A_83 = arith.constant 0 : i32
      %dma_wait3A_84 = arith.constant 0 : i32
      %dma_wait3A_85 = tpu.memref_slice %arg2[%dma_wait3A_83, %dma_wait3A_84] : memref<10000x128xf32, #tpu.memory_space<hbm>> -> memref<10000x128xf32, #tpu.memory_space<hbm>>
      tpu.wait_indirect_dma semaphore(%arg11 : memref<!tpu.dma_semaphore, #tpu.memory_space<semaphore_mem>>) src(%dma_wait3A_85 : memref<10000x128xf32, #tpu.memory_space<hbm>>) dst(%dma_wait3A_79 : memref<128x128xf32, #tpu.memory_space<vmem>>)
      %run_scoped3A = arith.constant 0 : i32
      "tpu.region"() ({
        %run_scoped3A_105 = tpu.sem_alloc : memref<!tpu.dma_semaphore, #tpu.memory_space<semaphore_mem>>
        %dma_start3A_106 = arith.constant 0 : i32
        %dma_start3A_107 = arith.constant 0 : i32
        %dma_start3A_108 = tpu.memref_slice %arg9[%run_scoped3A, %dma_start3A_106, %dma_start3A_107] : memref<2x128x128xf32, #tpu.memory_space<vmem>> -> memref<1x128x128xf32, #tpu.memory_space<vmem>>
        %dma_start3A_109 = tpu.memref_squeeze %dma_start3A_108 : memref<1x128x128xf32, #tpu.memory_space<vmem>> -> memref<128x128xf32, #tpu.memory_space<vmem>>
        %dma_start3A_110 = arith.constant 0 : i32
        %dma_start3A_111 = tpu.memref_slice %arg8[%mul3A_62, %dma_start3A_110] : memref<40x128xi32, #tpu.memory_space<vmem>> -> memref<1x128xi32, #tpu.memory_space<vmem>>
        %dma_start3A_112 = tpu.memref_squeeze %dma_start3A_111 : memref<1x128xi32, #tpu.memory_space<vmem>> -> memref<128xi32, #tpu.memory_space<vmem>>
        %dma_start3A_113 = arith.constant 0 : i32
        %dma_start3A_114 = arith.constant 0 : i32
        %dma_start3A_115 = tpu.memref_slice %arg10[%dma_start3A_113, %dma_start3A_114] : memref<10112x128xf32, #tpu.memory_space<vmem_shared>> -> memref<10112x128xf32, #tpu.memory_space<vmem_shared>>
        tpu.enqueue_indirect_dma source(%dma_start3A_109 : memref<128x128xf32, #tpu.memory_space<vmem>>) target(%dma_start3A_115 : memref<10112x128xf32, #tpu.memory_space<vmem_shared>>) offsets(%dma_start3A_112 : memref<128xi32, #tpu.memory_space<vmem>>) semaphore(%run_scoped3A_105 : memref<!tpu.dma_semaphore, #tpu.memory_space<semaphore_mem>>) {add = true}
        %dma_wait3A_116 = arith.constant 0 : i32
        %dma_wait3A_117 = arith.constant 0 : i32
        %dma_wait3A_118 = tpu.memref_slice %arg9[%run_scoped3A, %dma_wait3A_116, %dma_wait3A_117] : memref<2x128x128xf32, #tpu.memory_space<vmem>> -> memref<1x128x128xf32, #tpu.memory_space<vmem>>
        %dma_wait3A_119 = tpu.memref_squeeze %dma_wait3A_118 : memref<1x128x128xf32, #tpu.memory_space<vmem>> -> memref<128x128xf32, #tpu.memory_space<vmem>>
        %dma_wait3A_120 = arith.constant 0 : i32
        %dma_wait3A_121 = tpu.memref_slice %arg8[%mul3A_62, %dma_wait3A_120] : memref<40x128xi32, #tpu.memory_space<vmem>> -> memref<1x128xi32, #tpu.memory_space<vmem>>
        %dma_wait3A_122 = tpu.memref_squeeze %dma_wait3A_121 : memref<1x128xi32, #tpu.memory_space<vmem>> -> memref<128xi32, #tpu.memory_space<vmem>>
        %dma_wait3A_123 = arith.constant 0 : i32
        %dma_wait3A_124 = arith.constant 0 : i32
        %dma_wait3A_125 = tpu.memref_slice %arg10[%dma_wait3A_123, %dma_wait3A_124] : memref<10112x128xf32, #tpu.memory_space<vmem_shared>> -> memref<10112x128xf32, #tpu.memory_space<vmem_shared>>
        tpu.wait_indirect_dma semaphore(%run_scoped3A_105 : memref<!tpu.dma_semaphore, #tpu.memory_space<semaphore_mem>>) src(%dma_wait3A_119 : memref<128x128xf32, #tpu.memory_space<vmem>>) dst(%dma_wait3A_125 : memref<10112x128xf32, #tpu.memory_space<vmem_shared>>)
        tpu.yield
      }) : () -> ()
      %lt3A_86 = arith.constant 19 : i32
      %lt3A_87 = arith.cmpi slt, %scan3A_60, %lt3A_86 : i32
      %convert_element_type3A_88 = arith.extui %lt3A_87 : i1 to i32
      %cond3A_89 = arith.constant 0 : i32
      %cond3A_90 = arith.cmpi ne, %convert_element_type3A_88, %cond3A_89 : i32
      scf.if %cond3A_90 {
        %add3A_105 = arith.constant 2 : i32
        %add3A_106 = arith.addi %mul3A_62, %add3A_105 : i32
        %dma_start3A_107 = arith.constant 0 : i32
        %dma_start3A_108 = arith.constant 0 : i32
        %dma_start3A_109 = arith.constant 0 : i32
        %dma_start3A_110 = tpu.memref_slice %arg9[%dma_start3A_107, %dma_start3A_108, %dma_start3A_109] : memref<2x128x128xf32, #tpu.memory_space<vmem>> -> memref<1x128x128xf32, #tpu.memory_space<vmem>>
        %dma_start3A_111 = tpu.memref_squeeze %dma_start3A_110 : memref<1x128x128xf32, #tpu.memory_space<vmem>> -> memref<128x128xf32, #tpu.memory_space<vmem>>
        %dma_start3A_112 = arith.constant 0 : i32
        %dma_start3A_113 = tpu.memref_slice %arg7[%add3A_106, %dma_start3A_112] : memref<40x128xi32, #tpu.memory_space<vmem>> -> memref<1x128xi32, #tpu.memory_space<vmem>>
        %dma_start3A_114 = tpu.memref_squeeze %dma_start3A_113 : memref<1x128xi32, #tpu.memory_space<vmem>> -> memref<128xi32, #tpu.memory_space<vmem>>
        %dma_start3A_115 = arith.constant 0 : i32
        %dma_start3A_116 = arith.constant 0 : i32
        %dma_start3A_117 = tpu.memref_slice %arg2[%dma_start3A_115, %dma_start3A_116] : memref<10000x128xf32, #tpu.memory_space<hbm>> -> memref<10000x128xf32, #tpu.memory_space<hbm>>
        tpu.enqueue_indirect_dma source(%dma_start3A_117 : memref<10000x128xf32, #tpu.memory_space<hbm>>) target(%dma_start3A_111 : memref<128x128xf32, #tpu.memory_space<vmem>>) offsets(%dma_start3A_114 : memref<128xi32, #tpu.memory_space<vmem>>) semaphore(%arg11 : memref<!tpu.dma_semaphore, #tpu.memory_space<semaphore_mem>>)
      } else {
      }
      %dma_wait3A_91 = arith.constant 1 : i32
      %dma_wait3A_92 = arith.constant 0 : i32
      %dma_wait3A_93 = arith.constant 0 : i32
      %dma_wait3A_94 = tpu.memref_slice %arg9[%dma_wait3A_91, %dma_wait3A_92, %dma_wait3A_93] : memref<2x128x128xf32, #tpu.memory_space<vmem>> -> memref<1x128x128xf32, #tpu.memory_space<vmem>>
      %dma_wait3A_95 = tpu.memref_squeeze %dma_wait3A_94 : memref<1x128x128xf32, #tpu.memory_space<vmem>> -> memref<128x128xf32, #tpu.memory_space<vmem>>
      %dma_wait3A_96 = arith.constant 0 : i32
      %dma_wait3A_97 = tpu.memref_slice %arg7[%mul3A_62, %dma_wait3A_96] : memref<40x128xi32, #tpu.memory_space<vmem>> -> memref<1x128xi32, #tpu.memory_space<vmem>>
      %dma_wait3A_98 = tpu.memref_squeeze %dma_wait3A_97 : memref<1x128xi32, #tpu.memory_space<vmem>> -> memref<128xi32, #tpu.memory_space<vmem>>
      %dma_wait3A_99 = arith.constant 0 : i32
      %dma_wait3A_100 = arith.constant 0 : i32
      %dma_wait3A_101 = tpu.memref_slice %arg2[%dma_wait3A_99, %dma_wait3A_100] : memref<10000x128xf32, #tpu.memory_space<hbm>> -> memref<10000x128xf32, #tpu.memory_space<hbm>>
      tpu.wait_indirect_dma semaphore(%arg12 : memref<!tpu.dma_semaphore, #tpu.memory_space<semaphore_mem>>) src(%dma_wait3A_101 : memref<10000x128xf32, #tpu.memory_space<hbm>>) dst(%dma_wait3A_95 : memref<128x128xf32, #tpu.memory_space<vmem>>)
      %add3A_102 = arith.constant 1 : i32
      %add3A_103 = arith.addi %mul3A_62, %add3A_102 : i32
      %run_scoped3A_104 = arith.constant 1 : i32
      "tpu.region"() ({
        %run_scoped3A_105 = tpu.sem_alloc : memref<!tpu.dma_semaphore, #tpu.memory_space<semaphore_mem>>
        %dma_start3A_106 = arith.constant 0 : i32
        %dma_start3A_107 = arith.constant 0 : i32
        %dma_start3A_108 = tpu.memref_slice %arg9[%run_scoped3A_104, %dma_start3A_106, %dma_start3A_107] : memref<2x128x128xf32, #tpu.memory_space<vmem>> -> memref<1x128x128xf32, #tpu.memory_space<vmem>>
        %dma_start3A_109 = tpu.memref_squeeze %dma_start3A_108 : memref<1x128x128xf32, #tpu.memory_space<vmem>> -> memref<128x128xf32, #tpu.memory_space<vmem>>
        %dma_start3A_110 = arith.constant 0 : i32
        %dma_start3A_111 = tpu.memref_slice %arg8[%add3A_103, %dma_start3A_110] : memref<40x128xi32, #tpu.memory_space<vmem>> -> memref<1x128xi32, #tpu.memory_space<vmem>>
        %dma_start3A_112 = tpu.memref_squeeze %dma_start3A_111 : memref<1x128xi32, #tpu.memory_space<vmem>> -> memref<128xi32, #tpu.memory_space<vmem>>
        %dma_start3A_113 = arith.constant 0 : i32
        %dma_start3A_114 = arith.constant 0 : i32
        %dma_start3A_115 = tpu.memref_slice %arg10[%dma_start3A_113, %dma_start3A_114] : memref<10112x128xf32, #tpu.memory_space<vmem_shared>> -> memref<10112x128xf32, #tpu.memory_space<vmem_shared>>
        tpu.enqueue_indirect_dma source(%dma_start3A_109 : memref<128x128xf32, #tpu.memory_space<vmem>>) target(%dma_start3A_115 : memref<10112x128xf32, #tpu.memory_space<vmem_shared>>) offsets(%dma_start3A_112 : memref<128xi32, #tpu.memory_space<vmem>>) semaphore(%run_scoped3A_105 : memref<!tpu.dma_semaphore, #tpu.memory_space<semaphore_mem>>) {add = true}
        %dma_wait3A_116 = arith.constant 0 : i32
        %dma_wait3A_117 = arith.constant 0 : i32
        %dma_wait3A_118 = tpu.memref_slice %arg9[%run_scoped3A_104, %dma_wait3A_116, %dma_wait3A_117] : memref<2x128x128xf32, #tpu.memory_space<vmem>> -> memref<1x128x128xf32, #tpu.memory_space<vmem>>
        %dma_wait3A_119 = tpu.memref_squeeze %dma_wait3A_118 : memref<1x128x128xf32, #tpu.memory_space<vmem>> -> memref<128x128xf32, #tpu.memory_space<vmem>>
        %dma_wait3A_120 = arith.constant 0 : i32
        %dma_wait3A_121 = tpu.memref_slice %arg8[%add3A_103, %dma_wait3A_120] : memref<40x128xi32, #tpu.memory_space<vmem>> -> memref<1x128xi32, #tpu.memory_space<vmem>>
        %dma_wait3A_122 = tpu.memref_squeeze %dma_wait3A_121 : memref<1x128xi32, #tpu.memory_space<vmem>> -> memref<128xi32, #tpu.memory_space<vmem>>
        %dma_wait3A_123 = arith.constant 0 : i32
        %dma_wait3A_124 = arith.constant 0 : i32
        %dma_wait3A_125 = tpu.memref_slice %arg10[%dma_wait3A_123, %dma_wait3A_124] : memref<10112x128xf32, #tpu.memory_space<vmem_shared>> -> memref<10112x128xf32, #tpu.memory_space<vmem_shared>>
        tpu.wait_indirect_dma semaphore(%run_scoped3A_105 : memref<!tpu.dma_semaphore, #tpu.memory_space<semaphore_mem>>) src(%dma_wait3A_119 : memref<128x128xf32, #tpu.memory_space<vmem>>) dst(%dma_wait3A_125 : memref<10112x128xf32, #tpu.memory_space<vmem_shared>>)
        tpu.yield
      }) : () -> ()
    }
    %scan3A_26 = arith.constant 20 : i32
    %mul3A_27 = arith.constant 80 : i32
    %mul3A_28 = arith.muli %add3A, %mul3A_27 : i32
    %add3A_29 = arith.constant 40 : i32
    %add3A_30 = arith.addi %mul3A_28, %add3A_29 : i32
    "tpu.region"() ({
      %run_scoped3A = tpu.sem_alloc : memref<!tpu.dma_semaphore, #tpu.memory_space<semaphore_mem>>
      %dma_start3A_60 = arith.constant 0 : i32
      %dma_start3A_61 = tpu.memref_slice %arg3[%add3A_30, %dma_start3A_60] : memref<2560x128xi32, #tpu.memory_space<hbm>> -> memref<40x128xi32, #tpu.memory_space<hbm>>
      %dma_start3A_62 = arith.constant 0 : i32
      %dma_start3A_63 = tpu.memref_slice %arg3[%add3A_30, %dma_start3A_62] : memref<2560x128xi32, #tpu.memory_space<hbm>> -> memref<40x128xi32, #tpu.memory_space<hbm>>
      tpu.enqueue_dma source(%dma_start3A_63 : memref<40x128xi32, #tpu.memory_space<hbm>>) target(%arg7 : memref<40x128xi32, #tpu.memory_space<vmem>>) target_semaphore(%run_scoped3A : memref<!tpu.dma_semaphore, #tpu.memory_space<semaphore_mem>>)
      %dma_wait3A = arith.constant 0 : i32
      %dma_wait3A_64 = tpu.memref_slice %arg3[%add3A_30, %dma_wait3A] : memref<2560x128xi32, #tpu.memory_space<hbm>> -> memref<40x128xi32, #tpu.memory_space<hbm>>
      %dma_wait3A_65 = arith.constant 0 : i32
      %dma_wait3A_66 = tpu.memref_slice %arg3[%add3A_30, %dma_wait3A_65] : memref<2560x128xi32, #tpu.memory_space<hbm>> -> memref<40x128xi32, #tpu.memory_space<hbm>>
      tpu.wait_dma2 semaphore(%run_scoped3A : memref<!tpu.dma_semaphore, #tpu.memory_space<semaphore_mem>>) src(%dma_wait3A_66 : memref<40x128xi32, #tpu.memory_space<hbm>>) dst(%arg7 : memref<40x128xi32, #tpu.memory_space<vmem>>)
      tpu.yield
    }) : () -> ()
    %mul3A_31 = arith.constant 80 : i32
    %mul3A_32 = arith.muli %add3A, %mul3A_31 : i32
    %add3A_33 = arith.constant 40 : i32
    %add3A_34 = arith.addi %mul3A_32, %add3A_33 : i32
    "tpu.region"() ({
      %run_scoped3A = tpu.sem_alloc : memref<!tpu.dma_semaphore, #tpu.memory_space<semaphore_mem>>
      %dma_start3A_60 = arith.constant 0 : i32
      %dma_start3A_61 = tpu.memref_slice %arg4[%add3A_34, %dma_start3A_60] : memref<2560x128xi32, #tpu.memory_space<hbm>> -> memref<40x128xi32, #tpu.memory_space<hbm>>
      %dma_start3A_62 = arith.constant 0 : i32
      %dma_start3A_63 = tpu.memref_slice %arg4[%add3A_34, %dma_start3A_62] : memref<2560x128xi32, #tpu.memory_space<hbm>> -> memref<40x128xi32, #tpu.memory_space<hbm>>
      tpu.enqueue_dma source(%dma_start3A_63 : memref<40x128xi32, #tpu.memory_space<hbm>>) target(%arg8 : memref<40x128xi32, #tpu.memory_space<vmem>>) target_semaphore(%run_scoped3A : memref<!tpu.dma_semaphore, #tpu.memory_space<semaphore_mem>>)
      %dma_wait3A = arith.constant 0 : i32
      %dma_wait3A_64 = tpu.memref_slice %arg4[%add3A_34, %dma_wait3A] : memref<2560x128xi32, #tpu.memory_space<hbm>> -> memref<40x128xi32, #tpu.memory_space<hbm>>
      %dma_wait3A_65 = arith.constant 0 : i32
      %dma_wait3A_66 = tpu.memref_slice %arg4[%add3A_34, %dma_wait3A_65] : memref<2560x128xi32, #tpu.memory_space<hbm>> -> memref<40x128xi32, #tpu.memory_space<hbm>>
      tpu.wait_dma2 semaphore(%run_scoped3A : memref<!tpu.dma_semaphore, #tpu.memory_space<semaphore_mem>>) src(%dma_wait3A_66 : memref<40x128xi32, #tpu.memory_space<hbm>>) dst(%arg8 : memref<40x128xi32, #tpu.memory_space<vmem>>)
      tpu.yield
    }) : () -> ()
    %dma_start3A_35 = arith.constant 0 : i32
    %dma_start3A_36 = arith.constant 0 : i32
    %dma_start3A_37 = arith.constant 0 : i32
    %dma_start3A_38 = arith.constant 0 : i32
    %dma_start3A_39 = tpu.memref_slice %arg9[%dma_start3A_36, %dma_start3A_37, %dma_start3A_38] : memref<2x128x128xf32, #tpu.memory_space<vmem>> -> memref<1x128x128xf32, #tpu.memory_space<vmem>>
    %dma_start3A_40 = tpu.memref_squeeze %dma_start3A_39 : memref<1x128x128xf32, #tpu.memory_space<vmem>> -> memref<128x128xf32, #tpu.memory_space<vmem>>
    %dma_start3A_41 = arith.constant 0 : i32
    %dma_start3A_42 = tpu.memref_slice %arg7[%dma_start3A_35, %dma_start3A_41] : memref<40x128xi32, #tpu.memory_space<vmem>> -> memref<1x128xi32, #tpu.memory_space<vmem>>
    %dma_start3A_43 = tpu.memref_squeeze %dma_start3A_42 : memref<1x128xi32, #tpu.memory_space<vmem>> -> memref<128xi32, #tpu.memory_space<vmem>>
    %dma_start3A_44 = arith.constant 0 : i32
    %dma_start3A_45 = arith.constant 0 : i32
    %dma_start3A_46 = tpu.memref_slice %arg2[%dma_start3A_44, %dma_start3A_45] : memref<10000x128xf32, #tpu.memory_space<hbm>> -> memref<10000x128xf32, #tpu.memory_space<hbm>>
    tpu.enqueue_indirect_dma source(%dma_start3A_46 : memref<10000x128xf32, #tpu.memory_space<hbm>>) target(%dma_start3A_40 : memref<128x128xf32, #tpu.memory_space<vmem>>) offsets(%dma_start3A_43 : memref<128xi32, #tpu.memory_space<vmem>>) semaphore(%arg11 : memref<!tpu.dma_semaphore, #tpu.memory_space<semaphore_mem>>)
    %scan3A_47 = arith.constant 0 : i32
    %scan3A_48 = arith.constant 0 : i32
    %scan3A_49 = arith.constant 20 : i32
    %scan3A_50 = arith.addi %scan3A_48, %scan3A_49 : i32
    %scan3A_51 = arith.constant 1 : i32
    scf.for %scan3A_60 = %scan3A_48 to %scan3A_50 step %scan3A_51  : i32 {
      %mul3A_61 = arith.constant 2 : i32
      %mul3A_62 = arith.muli %scan3A_60, %mul3A_61 : i32
      %add3A_63 = arith.constant 1 : i32
      %add3A_64 = arith.addi %mul3A_62, %add3A_63 : i32
      %dma_start3A_65 = arith.constant 1 : i32
      %dma_start3A_66 = arith.constant 0 : i32
      %dma_start3A_67 = arith.constant 0 : i32
      %dma_start3A_68 = tpu.memref_slice %arg9[%dma_start3A_65, %dma_start3A_66, %dma_start3A_67] : memref<2x128x128xf32, #tpu.memory_space<vmem>> -> memref<1x128x128xf32, #tpu.memory_space<vmem>>
      %dma_start3A_69 = tpu.memref_squeeze %dma_start3A_68 : memref<1x128x128xf32, #tpu.memory_space<vmem>> -> memref<128x128xf32, #tpu.memory_space<vmem>>
      %dma_start3A_70 = arith.constant 0 : i32
      %dma_start3A_71 = tpu.memref_slice %arg7[%add3A_64, %dma_start3A_70] : memref<40x128xi32, #tpu.memory_space<vmem>> -> memref<1x128xi32, #tpu.memory_space<vmem>>
      %dma_start3A_72 = tpu.memref_squeeze %dma_start3A_71 : memref<1x128xi32, #tpu.memory_space<vmem>> -> memref<128xi32, #tpu.memory_space<vmem>>
      %dma_start3A_73 = arith.constant 0 : i32
      %dma_start3A_74 = arith.constant 0 : i32
      %dma_start3A_75 = tpu.memref_slice %arg2[%dma_start3A_73, %dma_start3A_74] : memref<10000x128xf32, #tpu.memory_space<hbm>> -> memref<10000x128xf32, #tpu.memory_space<hbm>>
      tpu.enqueue_indirect_dma source(%dma_start3A_75 : memref<10000x128xf32, #tpu.memory_space<hbm>>) target(%dma_start3A_69 : memref<128x128xf32, #tpu.memory_space<vmem>>) offsets(%dma_start3A_72 : memref<128xi32, #tpu.memory_space<vmem>>) semaphore(%arg12 : memref<!tpu.dma_semaphore, #tpu.memory_space<semaphore_mem>>)
      %dma_wait3A = arith.constant 0 : i32
      %dma_wait3A_76 = arith.constant 0 : i32
      %dma_wait3A_77 = arith.constant 0 : i32
      %dma_wait3A_78 = tpu.memref_slice %arg9[%dma_wait3A, %dma_wait3A_76, %dma_wait3A_77] : memref<2x128x128xf32, #tpu.memory_space<vmem>> -> memref<1x128x128xf32, #tpu.memory_space<vmem>>
      %dma_wait3A_79 = tpu.memref_squeeze %dma_wait3A_78 : memref<1x128x128xf32, #tpu.memory_space<vmem>> -> memref<128x128xf32, #tpu.memory_space<vmem>>
      %dma_wait3A_80 = arith.constant 0 : i32
      %dma_wait3A_81 = tpu.memref_slice %arg7[%mul3A_62, %dma_wait3A_80] : memref<40x128xi32, #tpu.memory_space<vmem>> -> memref<1x128xi32, #tpu.memory_space<vmem>>
      %dma_wait3A_82 = tpu.memref_squeeze %dma_wait3A_81 : memref<1x128xi32, #tpu.memory_space<vmem>> -> memref<128xi32, #tpu.memory_space<vmem>>
      %dma_wait3A_83 = arith.constant 0 : i32
      %dma_wait3A_84 = arith.constant 0 : i32
      %dma_wait3A_85 = tpu.memref_slice %arg2[%dma_wait3A_83, %dma_wait3A_84] : memref<10000x128xf32, #tpu.memory_space<hbm>> -> memref<10000x128xf32, #tpu.memory_space<hbm>>
      tpu.wait_indirect_dma semaphore(%arg11 : memref<!tpu.dma_semaphore, #tpu.memory_space<semaphore_mem>>) src(%dma_wait3A_85 : memref<10000x128xf32, #tpu.memory_space<hbm>>) dst(%dma_wait3A_79 : memref<128x128xf32, #tpu.memory_space<vmem>>)
      %run_scoped3A = arith.constant 0 : i32
      "tpu.region"() ({
        %run_scoped3A_105 = tpu.sem_alloc : memref<!tpu.dma_semaphore, #tpu.memory_space<semaphore_mem>>
        %dma_start3A_106 = arith.constant 0 : i32
        %dma_start3A_107 = arith.constant 0 : i32
        %dma_start3A_108 = tpu.memref_slice %arg9[%run_scoped3A, %dma_start3A_106, %dma_start3A_107] : memref<2x128x128xf32, #tpu.memory_space<vmem>> -> memref<1x128x128xf32, #tpu.memory_space<vmem>>
        %dma_start3A_109 = tpu.memref_squeeze %dma_start3A_108 : memref<1x128x128xf32, #tpu.memory_space<vmem>> -> memref<128x128xf32, #tpu.memory_space<vmem>>
        %dma_start3A_110 = arith.constant 0 : i32
        %dma_start3A_111 = tpu.memref_slice %arg8[%mul3A_62, %dma_start3A_110] : memref<40x128xi32, #tpu.memory_space<vmem>> -> memref<1x128xi32, #tpu.memory_space<vmem>>
        %dma_start3A_112 = tpu.memref_squeeze %dma_start3A_111 : memref<1x128xi32, #tpu.memory_space<vmem>> -> memref<128xi32, #tpu.memory_space<vmem>>
        %dma_start3A_113 = arith.constant 0 : i32
        %dma_start3A_114 = arith.constant 0 : i32
        %dma_start3A_115 = tpu.memref_slice %arg10[%dma_start3A_113, %dma_start3A_114] : memref<10112x128xf32, #tpu.memory_space<vmem_shared>> -> memref<10112x128xf32, #tpu.memory_space<vmem_shared>>
        tpu.enqueue_indirect_dma source(%dma_start3A_109 : memref<128x128xf32, #tpu.memory_space<vmem>>) target(%dma_start3A_115 : memref<10112x128xf32, #tpu.memory_space<vmem_shared>>) offsets(%dma_start3A_112 : memref<128xi32, #tpu.memory_space<vmem>>) semaphore(%run_scoped3A_105 : memref<!tpu.dma_semaphore, #tpu.memory_space<semaphore_mem>>) {add = true}
        %dma_wait3A_116 = arith.constant 0 : i32
        %dma_wait3A_117 = arith.constant 0 : i32
        %dma_wait3A_118 = tpu.memref_slice %arg9[%run_scoped3A, %dma_wait3A_116, %dma_wait3A_117] : memref<2x128x128xf32, #tpu.memory_space<vmem>> -> memref<1x128x128xf32, #tpu.memory_space<vmem>>
        %dma_wait3A_119 = tpu.memref_squeeze %dma_wait3A_118 : memref<1x128x128xf32, #tpu.memory_space<vmem>> -> memref<128x128xf32, #tpu.memory_space<vmem>>
        %dma_wait3A_120 = arith.constant 0 : i32
        %dma_wait3A_121 = tpu.memref_slice %arg8[%mul3A_62, %dma_wait3A_120] : memref<40x128xi32, #tpu.memory_space<vmem>> -> memref<1x128xi32, #tpu.memory_space<vmem>>
        %dma_wait3A_122 = tpu.memref_squeeze %dma_wait3A_121 : memref<1x128xi32, #tpu.memory_space<vmem>> -> memref<128xi32, #tpu.memory_space<vmem>>
        %dma_wait3A_123 = arith.constant 0 : i32
        %dma_wait3A_124 = arith.constant 0 : i32
        %dma_wait3A_125 = tpu.memref_slice %arg10[%dma_wait3A_123, %dma_wait3A_124] : memref<10112x128xf32, #tpu.memory_space<vmem_shared>> -> memref<10112x128xf32, #tpu.memory_space<vmem_shared>>
        tpu.wait_indirect_dma semaphore(%run_scoped3A_105 : memref<!tpu.dma_semaphore, #tpu.memory_space<semaphore_mem>>) src(%dma_wait3A_119 : memref<128x128xf32, #tpu.memory_space<vmem>>) dst(%dma_wait3A_125 : memref<10112x128xf32, #tpu.memory_space<vmem_shared>>)
        tpu.yield
      }) : () -> ()
      %lt3A_86 = arith.constant 19 : i32
      %lt3A_87 = arith.cmpi slt, %scan3A_60, %lt3A_86 : i32
      %convert_element_type3A_88 = arith.extui %lt3A_87 : i1 to i32
      %cond3A_89 = arith.constant 0 : i32
      %cond3A_90 = arith.cmpi ne, %convert_element_type3A_88, %cond3A_89 : i32
      scf.if %cond3A_90 {
        %add3A_105 = arith.constant 2 : i32
        %add3A_106 = arith.addi %mul3A_62, %add3A_105 : i32
        %dma_start3A_107 = arith.constant 0 : i32
        %dma_start3A_108 = arith.constant 0 : i32
        %dma_start3A_109 = arith.constant 0 : i32
        %dma_start3A_110 = tpu.memref_slice %arg9[%dma_start3A_107, %dma_start3A_108, %dma_start3A_109] : memref<2x128x128xf32, #tpu.memory_space<vmem>> -> memref<1x128x128xf32, #tpu.memory_space<vmem>>
        %dma_start3A_111 = tpu.memref_squeeze %dma_start3A_110 : memref<1x128x128xf32, #tpu.memory_space<vmem>> -> memref<128x128xf32, #tpu.memory_space<vmem>>
        %dma_start3A_112 = arith.constant 0 : i32
        %dma_start3A_113 = tpu.memref_slice %arg7[%add3A_106, %dma_start3A_112] : memref<40x128xi32, #tpu.memory_space<vmem>> -> memref<1x128xi32, #tpu.memory_space<vmem>>
        %dma_start3A_114 = tpu.memref_squeeze %dma_start3A_113 : memref<1x128xi32, #tpu.memory_space<vmem>> -> memref<128xi32, #tpu.memory_space<vmem>>
        %dma_start3A_115 = arith.constant 0 : i32
        %dma_start3A_116 = arith.constant 0 : i32
        %dma_start3A_117 = tpu.memref_slice %arg2[%dma_start3A_115, %dma_start3A_116] : memref<10000x128xf32, #tpu.memory_space<hbm>> -> memref<10000x128xf32, #tpu.memory_space<hbm>>
        tpu.enqueue_indirect_dma source(%dma_start3A_117 : memref<10000x128xf32, #tpu.memory_space<hbm>>) target(%dma_start3A_111 : memref<128x128xf32, #tpu.memory_space<vmem>>) offsets(%dma_start3A_114 : memref<128xi32, #tpu.memory_space<vmem>>) semaphore(%arg11 : memref<!tpu.dma_semaphore, #tpu.memory_space<semaphore_mem>>)
      } else {
      }
      %dma_wait3A_91 = arith.constant 1 : i32
      %dma_wait3A_92 = arith.constant 0 : i32
      %dma_wait3A_93 = arith.constant 0 : i32
      %dma_wait3A_94 = tpu.memref_slice %arg9[%dma_wait3A_91, %dma_wait3A_92, %dma_wait3A_93] : memref<2x128x128xf32, #tpu.memory_space<vmem>> -> memref<1x128x128xf32, #tpu.memory_space<vmem>>
      %dma_wait3A_95 = tpu.memref_squeeze %dma_wait3A_94 : memref<1x128x128xf32, #tpu.memory_space<vmem>> -> memref<128x128xf32, #tpu.memory_space<vmem>>
      %dma_wait3A_96 = arith.constant 0 : i32
      %dma_wait3A_97 = tpu.memref_slice %arg7[%mul3A_62, %dma_wait3A_96] : memref<40x128xi32, #tpu.memory_space<vmem>> -> memref<1x128xi32, #tpu.memory_space<vmem>>
      %dma_wait3A_98 = tpu.memref_squeeze %dma_wait3A_97 : memref<1x128xi32, #tpu.memory_space<vmem>> -> memref<128xi32, #tpu.memory_space<vmem>>
      %dma_wait3A_99 = arith.constant 0 : i32
      %dma_wait3A_100 = arith.constant 0 : i32
      %dma_wait3A_101 = tpu.memref_slice %arg2[%dma_wait3A_99, %dma_wait3A_100] : memref<10000x128xf32, #tpu.memory_space<hbm>> -> memref<10000x128xf32, #tpu.memory_space<hbm>>
      tpu.wait_indirect_dma semaphore(%arg12 : memref<!tpu.dma_semaphore, #tpu.memory_space<semaphore_mem>>) src(%dma_wait3A_101 : memref<10000x128xf32, #tpu.memory_space<hbm>>) dst(%dma_wait3A_95 : memref<128x128xf32, #tpu.memory_space<vmem>>)
      %add3A_102 = arith.constant 1 : i32
      %add3A_103 = arith.addi %mul3A_62, %add3A_102 : i32
      %run_scoped3A_104 = arith.constant 1 : i32
      "tpu.region"() ({
        %run_scoped3A_105 = tpu.sem_alloc : memref<!tpu.dma_semaphore, #tpu.memory_space<semaphore_mem>>
        %dma_start3A_106 = arith.constant 0 : i32
        %dma_start3A_107 = arith.constant 0 : i32
        %dma_start3A_108 = tpu.memref_slice %arg9[%run_scoped3A_104, %dma_start3A_106, %dma_start3A_107] : memref<2x128x128xf32, #tpu.memory_space<vmem>> -> memref<1x128x128xf32, #tpu.memory_space<vmem>>
        %dma_start3A_109 = tpu.memref_squeeze %dma_start3A_108 : memref<1x128x128xf32, #tpu.memory_space<vmem>> -> memref<128x128xf32, #tpu.memory_space<vmem>>
        %dma_start3A_110 = arith.constant 0 : i32
        %dma_start3A_111 = tpu.memref_slice %arg8[%add3A_103, %dma_start3A_110] : memref<40x128xi32, #tpu.memory_space<vmem>> -> memref<1x128xi32, #tpu.memory_space<vmem>>
        %dma_start3A_112 = tpu.memref_squeeze %dma_start3A_111 : memref<1x128xi32, #tpu.memory_space<vmem>> -> memref<128xi32, #tpu.memory_space<vmem>>
        %dma_start3A_113 = arith.constant 0 : i32
        %dma_start3A_114 = arith.constant 0 : i32
        %dma_start3A_115 = tpu.memref_slice %arg10[%dma_start3A_113, %dma_start3A_114] : memref<10112x128xf32, #tpu.memory_space<vmem_shared>> -> memref<10112x128xf32, #tpu.memory_space<vmem_shared>>
        tpu.enqueue_indirect_dma source(%dma_start3A_109 : memref<128x128xf32, #tpu.memory_space<vmem>>) target(%dma_start3A_115 : memref<10112x128xf32, #tpu.memory_space<vmem_shared>>) offsets(%dma_start3A_112 : memref<128xi32, #tpu.memory_space<vmem>>) semaphore(%run_scoped3A_105 : memref<!tpu.dma_semaphore, #tpu.memory_space<semaphore_mem>>) {add = true}
        %dma_wait3A_116 = arith.constant 0 : i32
        %dma_wait3A_117 = arith.constant 0 : i32
        %dma_wait3A_118 = tpu.memref_slice %arg9[%run_scoped3A_104, %dma_wait3A_116, %dma_wait3A_117] : memref<2x128x128xf32, #tpu.memory_space<vmem>> -> memref<1x128x128xf32, #tpu.memory_space<vmem>>
        %dma_wait3A_119 = tpu.memref_squeeze %dma_wait3A_118 : memref<1x128x128xf32, #tpu.memory_space<vmem>> -> memref<128x128xf32, #tpu.memory_space<vmem>>
        %dma_wait3A_120 = arith.constant 0 : i32
        %dma_wait3A_121 = tpu.memref_slice %arg8[%add3A_103, %dma_wait3A_120] : memref<40x128xi32, #tpu.memory_space<vmem>> -> memref<1x128xi32, #tpu.memory_space<vmem>>
        %dma_wait3A_122 = tpu.memref_squeeze %dma_wait3A_121 : memref<1x128xi32, #tpu.memory_space<vmem>> -> memref<128xi32, #tpu.memory_space<vmem>>
        %dma_wait3A_123 = arith.constant 0 : i32
        %dma_wait3A_124 = arith.constant 0 : i32
        %dma_wait3A_125 = tpu.memref_slice %arg10[%dma_wait3A_123, %dma_wait3A_124] : memref<10112x128xf32, #tpu.memory_space<vmem_shared>> -> memref<10112x128xf32, #tpu.memory_space<vmem_shared>>
        tpu.wait_indirect_dma semaphore(%run_scoped3A_105 : memref<!tpu.dma_semaphore, #tpu.memory_space<semaphore_mem>>) src(%dma_wait3A_119 : memref<128x128xf32, #tpu.memory_space<vmem>>) dst(%dma_wait3A_125 : memref<10112x128xf32, #tpu.memory_space<vmem_shared>>)
        tpu.yield
      }) : () -> ()
    }
    %scan3A_52 = arith.constant 20 : i32
    %barrier3A_53 = arith.constant 0 : index
    tpu.barrier barrier_id(%barrier3A_53)
    %lt3A = arith.constant 15 : i32
    %lt3A_54 = arith.cmpi slt, %arg1, %lt3A : i32
    %convert_element_type3A = arith.extui %lt3A_54 : i1 to i32
    %cond3A = arith.constant 0 : i32
    %cond3A_55 = arith.cmpi ne, %convert_element_type3A, %cond3A : i32
    scf.if %cond3A_55 {
      %mul3A_60 = arith.constant 624 : i32
      %mul3A_61 = arith.muli %arg1, %mul3A_60 : i32
      %mul3A_62 = arith.constant 624 : i32
      %mul3A_63 = arith.muli %arg1, %mul3A_62 : i32
      "tpu.region"() ({
        %run_scoped3A = tpu.sem_alloc : memref<!tpu.dma_semaphore, #tpu.memory_space<semaphore_mem>>
        %dma_start3A_64 = arith.constant 0 : i32
        %dma_start3A_65 = arith.constant 0 : i32
        %dma_start3A_66 = tpu.memref_slice %arg6[%arg0, %dma_start3A_64, %dma_start3A_65] : memref<2x10000x128xf32, #tpu.memory_space<hbm>> -> memref<1x10000x128xf32, #tpu.memory_space<hbm>>
        %dma_start3A_67 = tpu.memref_squeeze %dma_start3A_66 : memref<1x10000x128xf32, #tpu.memory_space<hbm>> -> memref<10000x128xf32, #tpu.memory_space<hbm>>
        %dma_start3A_68 = arith.constant 0 : i32
        %dma_start3A_69 = tpu.memref_slice %dma_start3A_67[%mul3A_63, %dma_start3A_68] : memref<10000x128xf32, #tpu.memory_space<hbm>> -> memref<624x128xf32, #tpu.memory_space<hbm>>
        %dma_start3A_70 = arith.constant 0 : i32
        %dma_start3A_71 = tpu.memref_slice %arg10[%mul3A_61, %dma_start3A_70] : memref<10112x128xf32, #tpu.memory_space<vmem_shared>> -> memref<624x128xf32, #tpu.memory_space<vmem_shared>>
        tpu.enqueue_dma source(%dma_start3A_71 : memref<624x128xf32, #tpu.memory_space<vmem_shared>>) target(%dma_start3A_69 : memref<624x128xf32, #tpu.memory_space<hbm>>) target_semaphore(%run_scoped3A : memref<!tpu.dma_semaphore, #tpu.memory_space<semaphore_mem>>)
        %dma_wait3A = arith.constant 0 : i32
        %dma_wait3A_72 = arith.constant 0 : i32
        %dma_wait3A_73 = tpu.memref_slice %arg6[%arg0, %dma_wait3A, %dma_wait3A_72] : memref<2x10000x128xf32, #tpu.memory_space<hbm>> -> memref<1x10000x128xf32, #tpu.memory_space<hbm>>
        %dma_wait3A_74 = tpu.memref_squeeze %dma_wait3A_73 : memref<1x10000x128xf32, #tpu.memory_space<hbm>> -> memref<10000x128xf32, #tpu.memory_space<hbm>>
        %dma_wait3A_75 = arith.constant 0 : i32
        %dma_wait3A_76 = tpu.memref_slice %dma_wait3A_74[%mul3A_63, %dma_wait3A_75] : memref<10000x128xf32, #tpu.memory_space<hbm>> -> memref<624x128xf32, #tpu.memory_space<hbm>>
        %dma_wait3A_77 = arith.constant 0 : i32
        %dma_wait3A_78 = tpu.memref_slice %arg10[%mul3A_61, %dma_wait3A_77] : memref<10112x128xf32, #tpu.memory_space<vmem_shared>> -> memref<624x128xf32, #tpu.memory_space<vmem_shared>>
        tpu.wait_dma2 semaphore(%run_scoped3A : memref<!tpu.dma_semaphore, #tpu.memory_space<semaphore_mem>>) src(%dma_wait3A_78 : memref<624x128xf32, #tpu.memory_space<vmem_shared>>) dst(%dma_wait3A_76 : memref<624x128xf32, #tpu.memory_space<hbm>>)
        tpu.yield
      }) : () -> ()
    } else {
    }
    %eq3A = arith.constant 15 : i32
    %eq3A_56 = arith.cmpi eq, %arg1, %eq3A : i32
    %convert_element_type3A_57 = arith.extui %eq3A_56 : i1 to i32
    %cond3A_58 = arith.constant 0 : i32
    %cond3A_59 = arith.cmpi ne, %convert_element_type3A_57, %cond3A_58 : i32
    scf.if %cond3A_59 {
      "tpu.region"() ({
        %run_scoped3A = tpu.sem_alloc : memref<!tpu.dma_semaphore, #tpu.memory_space<semaphore_mem>>
        %dma_start3A_60 = arith.constant 0 : i32
        %dma_start3A_61 = arith.constant 0 : i32
        %dma_start3A_62 = tpu.memref_slice %arg6[%arg0, %dma_start3A_60, %dma_start3A_61] : memref<2x10000x128xf32, #tpu.memory_space<hbm>> -> memref<1x10000x128xf32, #tpu.memory_space<hbm>>
        %dma_start3A_63 = tpu.memref_squeeze %dma_start3A_62 : memref<1x10000x128xf32, #tpu.memory_space<hbm>> -> memref<10000x128xf32, #tpu.memory_space<hbm>>
        %dma_start3A_64 = arith.constant 9360 : i32
        %dma_start3A_65 = arith.constant 0 : i32
        %dma_start3A_66 = tpu.memref_slice %dma_start3A_63[%dma_start3A_64, %dma_start3A_65] : memref<10000x128xf32, #tpu.memory_space<hbm>> -> memref<640x128xf32, #tpu.memory_space<hbm>>
        %dma_start3A_67 = arith.constant 9360 : i32
        %dma_start3A_68 = arith.constant 0 : i32
        %dma_start3A_69 = tpu.memref_slice %arg10[%dma_start3A_67, %dma_start3A_68] : memref<10112x128xf32, #tpu.memory_space<vmem_shared>> -> memref<640x128xf32, #tpu.memory_space<vmem_shared>>
        tpu.enqueue_dma source(%dma_start3A_69 : memref<640x128xf32, #tpu.memory_space<vmem_shared>>) target(%dma_start3A_66 : memref<640x128xf32, #tpu.memory_space<hbm>>) target_semaphore(%run_scoped3A : memref<!tpu.dma_semaphore, #tpu.memory_space<semaphore_mem>>)
        %dma_wait3A = arith.constant 0 : i32
        %dma_wait3A_70 = arith.constant 0 : i32
        %dma_wait3A_71 = tpu.memref_slice %arg6[%arg0, %dma_wait3A, %dma_wait3A_70] : memref<2x10000x128xf32, #tpu.memory_space<hbm>> -> memref<1x10000x128xf32, #tpu.memory_space<hbm>>
        %dma_wait3A_72 = tpu.memref_squeeze %dma_wait3A_71 : memref<1x10000x128xf32, #tpu.memory_space<hbm>> -> memref<10000x128xf32, #tpu.memory_space<hbm>>
        %dma_wait3A_73 = arith.constant 9360 : i32
        %dma_wait3A_74 = arith.constant 0 : i32
        %dma_wait3A_75 = tpu.memref_slice %dma_wait3A_72[%dma_wait3A_73, %dma_wait3A_74] : memref<10000x128xf32, #tpu.memory_space<hbm>> -> memref<640x128xf32, #tpu.memory_space<hbm>>
        %dma_wait3A_76 = arith.constant 9360 : i32
        %dma_wait3A_77 = arith.constant 0 : i32
        %dma_wait3A_78 = tpu.memref_slice %arg10[%dma_wait3A_76, %dma_wait3A_77] : memref<10112x128xf32, #tpu.memory_space<vmem_shared>> -> memref<640x128xf32, #tpu.memory_space<vmem_shared>>
        tpu.wait_dma2 semaphore(%run_scoped3A : memref<!tpu.dma_semaphore, #tpu.memory_space<semaphore_mem>>) src(%dma_wait3A_78 : memref<640x128xf32, #tpu.memory_space<vmem_shared>>) dst(%dma_wait3A_75 : memref<640x128xf32, #tpu.memory_space<hbm>>)
        tpu.yield
      }) : () -> ()
    } else {
    }
    return
  }
}

#map = affine_map<(d0, d1) -> (0, 0)>
#map1 = affine_map<(d0, d1) -> (0, 0, 0)>
module attributes {stable_mosaic.version = 14 : i64} {
  func.func @_sc_agg_body(%arg0: i32, %arg1: i32, %arg2: memref<10000x128xf32, #tpu.memory_space<hbm>>, %arg3: memref<2560x128xi32, #tpu.memory_space<hbm>>, %arg4: memref<2560x128xi32, #tpu.memory_space<hbm>>, %arg5: memref<632x128xf32, #tpu.memory_space<hbm>>, %arg6: memref<2x10000x128xf32, #tpu.memory_space<hbm>>, %arg7: memref<40x128xi32, #tpu.memory_space<vmem>>, %arg8: memref<40x128xi32, #tpu.memory_space<vmem>>, %arg9: memref<2x128x128xf32, #tpu.memory_space<vmem>>, %arg10: memref<10112x128xf32, #tpu.memory_space<vmem_shared>>, %arg11: memref<!tpu.dma_semaphore, #tpu.memory_space<semaphore_mem>>, %arg12: memref<!tpu.dma_semaphore, #tpu.memory_space<semaphore_mem>>) attributes {dimension_semantics = [#tpu.dimension_semantics<core_parallel>, #tpu.dimension_semantics<subcore_parallel>], iteration_bounds = array<i64: 2, 16>, scalar_prefetch = 0 : i64, scratch_operands = 6 : i64, tpu.core_type = #tpu.core_type<sc_vector_subcore>, window_params = [{transform_indices = #map}, {transform_indices = #map}, {transform_indices = #map}, {transform_indices = #map}, {transform_indices = #map1}]} {
    %mul3A = arith.constant 16 : i32
    %mul3A_0 = arith.muli %arg0, %mul3A : i32
    %add3A = arith.addi %mul3A_0, %arg1 : i32
    %mul3A_1 = arith.constant 632 : i32
    %mul3A_2 = arith.muli %arg1, %mul3A_1 : i32
    "tpu.region"() ({
      %run_scoped3A = tpu.sem_alloc : memref<!tpu.dma_semaphore, #tpu.memory_space<semaphore_mem>>
      %dma_start3A_60 = arith.constant 0 : i32
      %dma_start3A_61 = tpu.memref_slice %arg10[%mul3A_2, %dma_start3A_60] : memref<10112x128xf32, #tpu.memory_space<vmem_shared>> -> memref<632x128xf32, #tpu.memory_space<vmem_shared>>
      tpu.enqueue_dma source(%arg5 : memref<632x128xf32, #tpu.memory_space<hbm>>) target(%dma_start3A_61 : memref<632x128xf32, #tpu.memory_space<vmem_shared>>) target_semaphore(%run_scoped3A : memref<!tpu.dma_semaphore, #tpu.memory_space<semaphore_mem>>)
      %dma_wait3A = arith.constant 0 : i32
      %dma_wait3A_62 = tpu.memref_slice %arg10[%mul3A_2, %dma_wait3A] : memref<10112x128xf32, #tpu.memory_space<vmem_shared>> -> memref<632x128xf32, #tpu.memory_space<vmem_shared>>
      tpu.wait_dma2 semaphore(%run_scoped3A : memref<!tpu.dma_semaphore, #tpu.memory_space<semaphore_mem>>) src(%arg5 : memref<632x128xf32, #tpu.memory_space<hbm>>) dst(%dma_wait3A_62 : memref<632x128xf32, #tpu.memory_space<vmem_shared>>)
      tpu.yield
    }) : () -> ()
    %barrier3A = arith.constant 0 : index
    tpu.barrier barrier_id(%barrier3A)
    %mul3A_3 = arith.constant 80 : i32
    %mul3A_4 = arith.muli %add3A, %mul3A_3 : i32
    %add3A_5 = arith.constant 0 : i32
    %add3A_6 = arith.addi %mul3A_4, %add3A_5 : i32
    "tpu.region"() ({
      %run_scoped3A = tpu.sem_alloc : memref<!tpu.dma_semaphore, #tpu.memory_space<semaphore_mem>>
      %dma_start3A_60 = arith.constant 0 : i32
      %dma_start3A_61 = tpu.memref_slice %arg3[%add3A_6, %dma_start3A_60] : memref<2560x128xi32, #tpu.memory_space<hbm>> -> memref<40x128xi32, #tpu.memory_space<hbm>>
      %dma_start3A_62 = arith.constant 0 : i32
      %dma_start3A_63 = tpu.memref_slice %arg3[%add3A_6, %dma_start3A_62] : memref<2560x128xi32, #tpu.memory_space<hbm>> -> memref<40x128xi32, #tpu.memory_space<hbm>>
      tpu.enqueue_dma source(%dma_start3A_63 : memref<40x128xi32, #tpu.memory_space<hbm>>) target(%arg7 : memref<40x128xi32, #tpu.memory_space<vmem>>) target_semaphore(%run_scoped3A : memref<!tpu.dma_semaphore, #tpu.memory_space<semaphore_mem>>)
      %dma_wait3A = arith.constant 0 : i32
      %dma_wait3A_64 = tpu.memref_slice %arg3[%add3A_6, %dma_wait3A] : memref<2560x128xi32, #tpu.memory_space<hbm>> -> memref<40x128xi32, #tpu.memory_space<hbm>>
      %dma_wait3A_65 = arith.constant 0 : i32
      %dma_wait3A_66 = tpu.memref_slice %arg3[%add3A_6, %dma_wait3A_65] : memref<2560x128xi32, #tpu.memory_space<hbm>> -> memref<40x128xi32, #tpu.memory_space<hbm>>
      tpu.wait_dma2 semaphore(%run_scoped3A : memref<!tpu.dma_semaphore, #tpu.memory_space<semaphore_mem>>) src(%dma_wait3A_66 : memref<40x128xi32, #tpu.memory_space<hbm>>) dst(%arg7 : memref<40x128xi32, #tpu.memory_space<vmem>>)
      tpu.yield
    }) : () -> ()
    %mul3A_7 = arith.constant 80 : i32
    %mul3A_8 = arith.muli %add3A, %mul3A_7 : i32
    %add3A_9 = arith.constant 0 : i32
    %add3A_10 = arith.addi %mul3A_8, %add3A_9 : i32
    "tpu.region"() ({
      %run_scoped3A = tpu.sem_alloc : memref<!tpu.dma_semaphore, #tpu.memory_space<semaphore_mem>>
      %dma_start3A_60 = arith.constant 0 : i32
      %dma_start3A_61 = tpu.memref_slice %arg4[%add3A_10, %dma_start3A_60] : memref<2560x128xi32, #tpu.memory_space<hbm>> -> memref<40x128xi32, #tpu.memory_space<hbm>>
      %dma_start3A_62 = arith.constant 0 : i32
      %dma_start3A_63 = tpu.memref_slice %arg4[%add3A_10, %dma_start3A_62] : memref<2560x128xi32, #tpu.memory_space<hbm>> -> memref<40x128xi32, #tpu.memory_space<hbm>>
      tpu.enqueue_dma source(%dma_start3A_63 : memref<40x128xi32, #tpu.memory_space<hbm>>) target(%arg8 : memref<40x128xi32, #tpu.memory_space<vmem>>) target_semaphore(%run_scoped3A : memref<!tpu.dma_semaphore, #tpu.memory_space<semaphore_mem>>)
      %dma_wait3A = arith.constant 0 : i32
      %dma_wait3A_64 = tpu.memref_slice %arg4[%add3A_10, %dma_wait3A] : memref<2560x128xi32, #tpu.memory_space<hbm>> -> memref<40x128xi32, #tpu.memory_space<hbm>>
      %dma_wait3A_65 = arith.constant 0 : i32
      %dma_wait3A_66 = tpu.memref_slice %arg4[%add3A_10, %dma_wait3A_65] : memref<2560x128xi32, #tpu.memory_space<hbm>> -> memref<40x128xi32, #tpu.memory_space<hbm>>
      tpu.wait_dma2 semaphore(%run_scoped3A : memref<!tpu.dma_semaphore, #tpu.memory_space<semaphore_mem>>) src(%dma_wait3A_66 : memref<40x128xi32, #tpu.memory_space<hbm>>) dst(%arg8 : memref<40x128xi32, #tpu.memory_space<vmem>>)
      tpu.yield
    }) : () -> ()
    %dma_start3A = arith.constant 0 : i32
    %dma_start3A_11 = arith.constant 0 : i32
    %dma_start3A_12 = arith.constant 0 : i32
    %dma_start3A_13 = arith.constant 0 : i32
    %dma_start3A_14 = tpu.memref_slice %arg9[%dma_start3A_11, %dma_start3A_12, %dma_start3A_13] : memref<2x128x128xf32, #tpu.memory_space<vmem>> -> memref<1x128x128xf32, #tpu.memory_space<vmem>>
    %dma_start3A_15 = tpu.memref_squeeze %dma_start3A_14 : memref<1x128x128xf32, #tpu.memory_space<vmem>> -> memref<128x128xf32, #tpu.memory_space<vmem>>
    %dma_start3A_16 = arith.constant 0 : i32
    %dma_start3A_17 = tpu.memref_slice %arg7[%dma_start3A, %dma_start3A_16] : memref<40x128xi32, #tpu.memory_space<vmem>> -> memref<1x128xi32, #tpu.memory_space<vmem>>
    %dma_start3A_18 = tpu.memref_squeeze %dma_start3A_17 : memref<1x128xi32, #tpu.memory_space<vmem>> -> memref<128xi32, #tpu.memory_space<vmem>>
    %dma_start3A_19 = arith.constant 0 : i32
    %dma_start3A_20 = arith.constant 0 : i32
    %dma_start3A_21 = tpu.memref_slice %arg2[%dma_start3A_19, %dma_start3A_20] : memref<10000x128xf32, #tpu.memory_space<hbm>> -> memref<10000x128xf32, #tpu.memory_space<hbm>>
    tpu.enqueue_indirect_dma source(%dma_start3A_21 : memref<10000x128xf32, #tpu.memory_space<hbm>>) target(%dma_start3A_15 : memref<128x128xf32, #tpu.memory_space<vmem>>) offsets(%dma_start3A_18 : memref<128xi32, #tpu.memory_space<vmem>>) semaphore(%arg11 : memref<!tpu.dma_semaphore, #tpu.memory_space<semaphore_mem>>)
    %scan3A = arith.constant 0 : i32
    %scan3A_22 = arith.constant 0 : i32
    %scan3A_23 = arith.constant 20 : i32
    %scan3A_24 = arith.addi %scan3A_22, %scan3A_23 : i32
    %scan3A_25 = arith.constant 1 : i32
    scf.for %scan3A_60 = %scan3A_22 to %scan3A_24 step %scan3A_25  : i32 {
      %mul3A_61 = arith.constant 2 : i32
      %mul3A_62 = arith.muli %scan3A_60, %mul3A_61 : i32
      %add3A_63 = arith.constant 1 : i32
      %add3A_64 = arith.addi %mul3A_62, %add3A_63 : i32
      %dma_start3A_65 = arith.constant 1 : i32
      %dma_start3A_66 = arith.constant 0 : i32
      %dma_start3A_67 = arith.constant 0 : i32
      %dma_start3A_68 = tpu.memref_slice %arg9[%dma_start3A_65, %dma_start3A_66, %dma_start3A_67] : memref<2x128x128xf32, #tpu.memory_space<vmem>> -> memref<1x128x128xf32, #tpu.memory_space<vmem>>
      %dma_start3A_69 = tpu.memref_squeeze %dma_start3A_68 : memref<1x128x128xf32, #tpu.memory_space<vmem>> -> memref<128x128xf32, #tpu.memory_space<vmem>>
      %dma_start3A_70 = arith.constant 0 : i32
      %dma_start3A_71 = tpu.memref_slice %arg7[%add3A_64, %dma_start3A_70] : memref<40x128xi32, #tpu.memory_space<vmem>> -> memref<1x128xi32, #tpu.memory_space<vmem>>
      %dma_start3A_72 = tpu.memref_squeeze %dma_start3A_71 : memref<1x128xi32, #tpu.memory_space<vmem>> -> memref<128xi32, #tpu.memory_space<vmem>>
      %dma_start3A_73 = arith.constant 0 : i32
      %dma_start3A_74 = arith.constant 0 : i32
      %dma_start3A_75 = tpu.memref_slice %arg2[%dma_start3A_73, %dma_start3A_74] : memref<10000x128xf32, #tpu.memory_space<hbm>> -> memref<10000x128xf32, #tpu.memory_space<hbm>>
      tpu.enqueue_indirect_dma source(%dma_start3A_75 : memref<10000x128xf32, #tpu.memory_space<hbm>>) target(%dma_start3A_69 : memref<128x128xf32, #tpu.memory_space<vmem>>) offsets(%dma_start3A_72 : memref<128xi32, #tpu.memory_space<vmem>>) semaphore(%arg12 : memref<!tpu.dma_semaphore, #tpu.memory_space<semaphore_mem>>)
      %dma_wait3A = arith.constant 0 : i32
      %dma_wait3A_76 = arith.constant 0 : i32
      %dma_wait3A_77 = arith.constant 0 : i32
      %dma_wait3A_78 = tpu.memref_slice %arg9[%dma_wait3A, %dma_wait3A_76, %dma_wait3A_77] : memref<2x128x128xf32, #tpu.memory_space<vmem>> -> memref<1x128x128xf32, #tpu.memory_space<vmem>>
      %dma_wait3A_79 = tpu.memref_squeeze %dma_wait3A_78 : memref<1x128x128xf32, #tpu.memory_space<vmem>> -> memref<128x128xf32, #tpu.memory_space<vmem>>
      %dma_wait3A_80 = arith.constant 0 : i32
      %dma_wait3A_81 = tpu.memref_slice %arg7[%mul3A_62, %dma_wait3A_80] : memref<40x128xi32, #tpu.memory_space<vmem>> -> memref<1x128xi32, #tpu.memory_space<vmem>>
      %dma_wait3A_82 = tpu.memref_squeeze %dma_wait3A_81 : memref<1x128xi32, #tpu.memory_space<vmem>> -> memref<128xi32, #tpu.memory_space<vmem>>
      %dma_wait3A_83 = arith.constant 0 : i32
      %dma_wait3A_84 = arith.constant 0 : i32
      %dma_wait3A_85 = tpu.memref_slice %arg2[%dma_wait3A_83, %dma_wait3A_84] : memref<10000x128xf32, #tpu.memory_space<hbm>> -> memref<10000x128xf32, #tpu.memory_space<hbm>>
      tpu.wait_indirect_dma semaphore(%arg11 : memref<!tpu.dma_semaphore, #tpu.memory_space<semaphore_mem>>) src(%dma_wait3A_85 : memref<10000x128xf32, #tpu.memory_space<hbm>>) dst(%dma_wait3A_79 : memref<128x128xf32, #tpu.memory_space<vmem>>)
      %run_scoped3A = arith.constant 0 : i32
      "tpu.region"() ({
        %run_scoped3A_105 = tpu.sem_alloc : memref<!tpu.dma_semaphore, #tpu.memory_space<semaphore_mem>>
        %dma_start3A_106 = arith.constant 0 : i32
        %dma_start3A_107 = arith.constant 0 : i32
        %dma_start3A_108 = tpu.memref_slice %arg9[%run_scoped3A, %dma_start3A_106, %dma_start3A_107] : memref<2x128x128xf32, #tpu.memory_space<vmem>> -> memref<1x128x128xf32, #tpu.memory_space<vmem>>
        %dma_start3A_109 = tpu.memref_squeeze %dma_start3A_108 : memref<1x128x128xf32, #tpu.memory_space<vmem>> -> memref<128x128xf32, #tpu.memory_space<vmem>>
        %dma_start3A_110 = arith.constant 0 : i32
        %dma_start3A_111 = tpu.memref_slice %arg8[%mul3A_62, %dma_start3A_110] : memref<40x128xi32, #tpu.memory_space<vmem>> -> memref<1x128xi32, #tpu.memory_space<vmem>>
        %dma_start3A_112 = tpu.memref_squeeze %dma_start3A_111 : memref<1x128xi32, #tpu.memory_space<vmem>> -> memref<128xi32, #tpu.memory_space<vmem>>
        %dma_start3A_113 = arith.constant 0 : i32
        %dma_start3A_114 = arith.constant 0 : i32
        %dma_start3A_115 = tpu.memref_slice %arg10[%dma_start3A_113, %dma_start3A_114] : memref<10112x128xf32, #tpu.memory_space<vmem_shared>> -> memref<10112x128xf32, #tpu.memory_space<vmem_shared>>
        tpu.enqueue_indirect_dma source(%dma_start3A_109 : memref<128x128xf32, #tpu.memory_space<vmem>>) target(%dma_start3A_115 : memref<10112x128xf32, #tpu.memory_space<vmem_shared>>) offsets(%dma_start3A_112 : memref<128xi32, #tpu.memory_space<vmem>>) semaphore(%run_scoped3A_105 : memref<!tpu.dma_semaphore, #tpu.memory_space<semaphore_mem>>) {add = true}
        %dma_wait3A_116 = arith.constant 0 : i32
        %dma_wait3A_117 = arith.constant 0 : i32
        %dma_wait3A_118 = tpu.memref_slice %arg9[%run_scoped3A, %dma_wait3A_116, %dma_wait3A_117] : memref<2x128x128xf32, #tpu.memory_space<vmem>> -> memref<1x128x128xf32, #tpu.memory_space<vmem>>
        %dma_wait3A_119 = tpu.memref_squeeze %dma_wait3A_118 : memref<1x128x128xf32, #tpu.memory_space<vmem>> -> memref<128x128xf32, #tpu.memory_space<vmem>>
        %dma_wait3A_120 = arith.constant 0 : i32
        %dma_wait3A_121 = tpu.memref_slice %arg8[%mul3A_62, %dma_wait3A_120] : memref<40x128xi32, #tpu.memory_space<vmem>> -> memref<1x128xi32, #tpu.memory_space<vmem>>
        %dma_wait3A_122 = tpu.memref_squeeze %dma_wait3A_121 : memref<1x128xi32, #tpu.memory_space<vmem>> -> memref<128xi32, #tpu.memory_space<vmem>>
        %dma_wait3A_123 = arith.constant 0 : i32
        %dma_wait3A_124 = arith.constant 0 : i32
        %dma_wait3A_125 = tpu.memref_slice %arg10[%dma_wait3A_123, %dma_wait3A_124] : memref<10112x128xf32, #tpu.memory_space<vmem_shared>> -> memref<10112x128xf32, #tpu.memory_space<vmem_shared>>
        tpu.wait_indirect_dma semaphore(%run_scoped3A_105 : memref<!tpu.dma_semaphore, #tpu.memory_space<semaphore_mem>>) src(%dma_wait3A_119 : memref<128x128xf32, #tpu.memory_space<vmem>>) dst(%dma_wait3A_125 : memref<10112x128xf32, #tpu.memory_space<vmem_shared>>)
        tpu.yield
      }) : () -> ()
      %lt3A_86 = arith.constant 19 : i32
      %lt3A_87 = arith.cmpi slt, %scan3A_60, %lt3A_86 : i32
      %convert_element_type3A_88 = arith.extui %lt3A_87 : i1 to i32
      %cond3A_89 = arith.constant 0 : i32
      %cond3A_90 = arith.cmpi ne, %convert_element_type3A_88, %cond3A_89 : i32
      scf.if %cond3A_90 {
        %add3A_105 = arith.constant 2 : i32
        %add3A_106 = arith.addi %mul3A_62, %add3A_105 : i32
        %dma_start3A_107 = arith.constant 0 : i32
        %dma_start3A_108 = arith.constant 0 : i32
        %dma_start3A_109 = arith.constant 0 : i32
        %dma_start3A_110 = tpu.memref_slice %arg9[%dma_start3A_107, %dma_start3A_108, %dma_start3A_109] : memref<2x128x128xf32, #tpu.memory_space<vmem>> -> memref<1x128x128xf32, #tpu.memory_space<vmem>>
        %dma_start3A_111 = tpu.memref_squeeze %dma_start3A_110 : memref<1x128x128xf32, #tpu.memory_space<vmem>> -> memref<128x128xf32, #tpu.memory_space<vmem>>
        %dma_start3A_112 = arith.constant 0 : i32
        %dma_start3A_113 = tpu.memref_slice %arg7[%add3A_106, %dma_start3A_112] : memref<40x128xi32, #tpu.memory_space<vmem>> -> memref<1x128xi32, #tpu.memory_space<vmem>>
        %dma_start3A_114 = tpu.memref_squeeze %dma_start3A_113 : memref<1x128xi32, #tpu.memory_space<vmem>> -> memref<128xi32, #tpu.memory_space<vmem>>
        %dma_start3A_115 = arith.constant 0 : i32
        %dma_start3A_116 = arith.constant 0 : i32
        %dma_start3A_117 = tpu.memref_slice %arg2[%dma_start3A_115, %dma_start3A_116] : memref<10000x128xf32, #tpu.memory_space<hbm>> -> memref<10000x128xf32, #tpu.memory_space<hbm>>
        tpu.enqueue_indirect_dma source(%dma_start3A_117 : memref<10000x128xf32, #tpu.memory_space<hbm>>) target(%dma_start3A_111 : memref<128x128xf32, #tpu.memory_space<vmem>>) offsets(%dma_start3A_114 : memref<128xi32, #tpu.memory_space<vmem>>) semaphore(%arg11 : memref<!tpu.dma_semaphore, #tpu.memory_space<semaphore_mem>>)
      } else {
      }
      %dma_wait3A_91 = arith.constant 1 : i32
      %dma_wait3A_92 = arith.constant 0 : i32
      %dma_wait3A_93 = arith.constant 0 : i32
      %dma_wait3A_94 = tpu.memref_slice %arg9[%dma_wait3A_91, %dma_wait3A_92, %dma_wait3A_93] : memref<2x128x128xf32, #tpu.memory_space<vmem>> -> memref<1x128x128xf32, #tpu.memory_space<vmem>>
      %dma_wait3A_95 = tpu.memref_squeeze %dma_wait3A_94 : memref<1x128x128xf32, #tpu.memory_space<vmem>> -> memref<128x128xf32, #tpu.memory_space<vmem>>
      %dma_wait3A_96 = arith.constant 0 : i32
      %dma_wait3A_97 = tpu.memref_slice %arg7[%mul3A_62, %dma_wait3A_96] : memref<40x128xi32, #tpu.memory_space<vmem>> -> memref<1x128xi32, #tpu.memory_space<vmem>>
      %dma_wait3A_98 = tpu.memref_squeeze %dma_wait3A_97 : memref<1x128xi32, #tpu.memory_space<vmem>> -> memref<128xi32, #tpu.memory_space<vmem>>
      %dma_wait3A_99 = arith.constant 0 : i32
      %dma_wait3A_100 = arith.constant 0 : i32
      %dma_wait3A_101 = tpu.memref_slice %arg2[%dma_wait3A_99, %dma_wait3A_100] : memref<10000x128xf32, #tpu.memory_space<hbm>> -> memref<10000x128xf32, #tpu.memory_space<hbm>>
      tpu.wait_indirect_dma semaphore(%arg12 : memref<!tpu.dma_semaphore, #tpu.memory_space<semaphore_mem>>) src(%dma_wait3A_101 : memref<10000x128xf32, #tpu.memory_space<hbm>>) dst(%dma_wait3A_95 : memref<128x128xf32, #tpu.memory_space<vmem>>)
      %add3A_102 = arith.constant 1 : i32
      %add3A_103 = arith.addi %mul3A_62, %add3A_102 : i32
      %run_scoped3A_104 = arith.constant 1 : i32
      "tpu.region"() ({
        %run_scoped3A_105 = tpu.sem_alloc : memref<!tpu.dma_semaphore, #tpu.memory_space<semaphore_mem>>
        %dma_start3A_106 = arith.constant 0 : i32
        %dma_start3A_107 = arith.constant 0 : i32
        %dma_start3A_108 = tpu.memref_slice %arg9[%run_scoped3A_104, %dma_start3A_106, %dma_start3A_107] : memref<2x128x128xf32, #tpu.memory_space<vmem>> -> memref<1x128x128xf32, #tpu.memory_space<vmem>>
        %dma_start3A_109 = tpu.memref_squeeze %dma_start3A_108 : memref<1x128x128xf32, #tpu.memory_space<vmem>> -> memref<128x128xf32, #tpu.memory_space<vmem>>
        %dma_start3A_110 = arith.constant 0 : i32
        %dma_start3A_111 = tpu.memref_slice %arg8[%add3A_103, %dma_start3A_110] : memref<40x128xi32, #tpu.memory_space<vmem>> -> memref<1x128xi32, #tpu.memory_space<vmem>>
        %dma_start3A_112 = tpu.memref_squeeze %dma_start3A_111 : memref<1x128xi32, #tpu.memory_space<vmem>> -> memref<128xi32, #tpu.memory_space<vmem>>
        %dma_start3A_113 = arith.constant 0 : i32
        %dma_start3A_114 = arith.constant 0 : i32
        %dma_start3A_115 = tpu.memref_slice %arg10[%dma_start3A_113, %dma_start3A_114] : memref<10112x128xf32, #tpu.memory_space<vmem_shared>> -> memref<10112x128xf32, #tpu.memory_space<vmem_shared>>
        tpu.enqueue_indirect_dma source(%dma_start3A_109 : memref<128x128xf32, #tpu.memory_space<vmem>>) target(%dma_start3A_115 : memref<10112x128xf32, #tpu.memory_space<vmem_shared>>) offsets(%dma_start3A_112 : memref<128xi32, #tpu.memory_space<vmem>>) semaphore(%run_scoped3A_105 : memref<!tpu.dma_semaphore, #tpu.memory_space<semaphore_mem>>) {add = true}
        %dma_wait3A_116 = arith.constant 0 : i32
        %dma_wait3A_117 = arith.constant 0 : i32
        %dma_wait3A_118 = tpu.memref_slice %arg9[%run_scoped3A_104, %dma_wait3A_116, %dma_wait3A_117] : memref<2x128x128xf32, #tpu.memory_space<vmem>> -> memref<1x128x128xf32, #tpu.memory_space<vmem>>
        %dma_wait3A_119 = tpu.memref_squeeze %dma_wait3A_118 : memref<1x128x128xf32, #tpu.memory_space<vmem>> -> memref<128x128xf32, #tpu.memory_space<vmem>>
        %dma_wait3A_120 = arith.constant 0 : i32
        %dma_wait3A_121 = tpu.memref_slice %arg8[%add3A_103, %dma_wait3A_120] : memref<40x128xi32, #tpu.memory_space<vmem>> -> memref<1x128xi32, #tpu.memory_space<vmem>>
        %dma_wait3A_122 = tpu.memref_squeeze %dma_wait3A_121 : memref<1x128xi32, #tpu.memory_space<vmem>> -> memref<128xi32, #tpu.memory_space<vmem>>
        %dma_wait3A_123 = arith.constant 0 : i32
        %dma_wait3A_124 = arith.constant 0 : i32
        %dma_wait3A_125 = tpu.memref_slice %arg10[%dma_wait3A_123, %dma_wait3A_124] : memref<10112x128xf32, #tpu.memory_space<vmem_shared>> -> memref<10112x128xf32, #tpu.memory_space<vmem_shared>>
        tpu.wait_indirect_dma semaphore(%run_scoped3A_105 : memref<!tpu.dma_semaphore, #tpu.memory_space<semaphore_mem>>) src(%dma_wait3A_119 : memref<128x128xf32, #tpu.memory_space<vmem>>) dst(%dma_wait3A_125 : memref<10112x128xf32, #tpu.memory_space<vmem_shared>>)
        tpu.yield
      }) : () -> ()
    }
    %scan3A_26 = arith.constant 20 : i32
    %mul3A_27 = arith.constant 80 : i32
    %mul3A_28 = arith.muli %add3A, %mul3A_27 : i32
    %add3A_29 = arith.constant 40 : i32
    %add3A_30 = arith.addi %mul3A_28, %add3A_29 : i32
    "tpu.region"() ({
      %run_scoped3A = tpu.sem_alloc : memref<!tpu.dma_semaphore, #tpu.memory_space<semaphore_mem>>
      %dma_start3A_60 = arith.constant 0 : i32
      %dma_start3A_61 = tpu.memref_slice %arg3[%add3A_30, %dma_start3A_60] : memref<2560x128xi32, #tpu.memory_space<hbm>> -> memref<40x128xi32, #tpu.memory_space<hbm>>
      %dma_start3A_62 = arith.constant 0 : i32
      %dma_start3A_63 = tpu.memref_slice %arg3[%add3A_30, %dma_start3A_62] : memref<2560x128xi32, #tpu.memory_space<hbm>> -> memref<40x128xi32, #tpu.memory_space<hbm>>
      tpu.enqueue_dma source(%dma_start3A_63 : memref<40x128xi32, #tpu.memory_space<hbm>>) target(%arg7 : memref<40x128xi32, #tpu.memory_space<vmem>>) target_semaphore(%run_scoped3A : memref<!tpu.dma_semaphore, #tpu.memory_space<semaphore_mem>>)
      %dma_wait3A = arith.constant 0 : i32
      %dma_wait3A_64 = tpu.memref_slice %arg3[%add3A_30, %dma_wait3A] : memref<2560x128xi32, #tpu.memory_space<hbm>> -> memref<40x128xi32, #tpu.memory_space<hbm>>
      %dma_wait3A_65 = arith.constant 0 : i32
      %dma_wait3A_66 = tpu.memref_slice %arg3[%add3A_30, %dma_wait3A_65] : memref<2560x128xi32, #tpu.memory_space<hbm>> -> memref<40x128xi32, #tpu.memory_space<hbm>>
      tpu.wait_dma2 semaphore(%run_scoped3A : memref<!tpu.dma_semaphore, #tpu.memory_space<semaphore_mem>>) src(%dma_wait3A_66 : memref<40x128xi32, #tpu.memory_space<hbm>>) dst(%arg7 : memref<40x128xi32, #tpu.memory_space<vmem>>)
      tpu.yield
    }) : () -> ()
    %mul3A_31 = arith.constant 80 : i32
    %mul3A_32 = arith.muli %add3A, %mul3A_31 : i32
    %add3A_33 = arith.constant 40 : i32
    %add3A_34 = arith.addi %mul3A_32, %add3A_33 : i32
    "tpu.region"() ({
      %run_scoped3A = tpu.sem_alloc : memref<!tpu.dma_semaphore, #tpu.memory_space<semaphore_mem>>
      %dma_start3A_60 = arith.constant 0 : i32
      %dma_start3A_61 = tpu.memref_slice %arg4[%add3A_34, %dma_start3A_60] : memref<2560x128xi32, #tpu.memory_space<hbm>> -> memref<40x128xi32, #tpu.memory_space<hbm>>
      %dma_start3A_62 = arith.constant 0 : i32
      %dma_start3A_63 = tpu.memref_slice %arg4[%add3A_34, %dma_start3A_62] : memref<2560x128xi32, #tpu.memory_space<hbm>> -> memref<40x128xi32, #tpu.memory_space<hbm>>
      tpu.enqueue_dma source(%dma_start3A_63 : memref<40x128xi32, #tpu.memory_space<hbm>>) target(%arg8 : memref<40x128xi32, #tpu.memory_space<vmem>>) target_semaphore(%run_scoped3A : memref<!tpu.dma_semaphore, #tpu.memory_space<semaphore_mem>>)
      %dma_wait3A = arith.constant 0 : i32
      %dma_wait3A_64 = tpu.memref_slice %arg4[%add3A_34, %dma_wait3A] : memref<2560x128xi32, #tpu.memory_space<hbm>> -> memref<40x128xi32, #tpu.memory_space<hbm>>
      %dma_wait3A_65 = arith.constant 0 : i32
      %dma_wait3A_66 = tpu.memref_slice %arg4[%add3A_34, %dma_wait3A_65] : memref<2560x128xi32, #tpu.memory_space<hbm>> -> memref<40x128xi32, #tpu.memory_space<hbm>>
      tpu.wait_dma2 semaphore(%run_scoped3A : memref<!tpu.dma_semaphore, #tpu.memory_space<semaphore_mem>>) src(%dma_wait3A_66 : memref<40x128xi32, #tpu.memory_space<hbm>>) dst(%arg8 : memref<40x128xi32, #tpu.memory_space<vmem>>)
      tpu.yield
    }) : () -> ()
    %dma_start3A_35 = arith.constant 0 : i32
    %dma_start3A_36 = arith.constant 0 : i32
    %dma_start3A_37 = arith.constant 0 : i32
    %dma_start3A_38 = arith.constant 0 : i32
    %dma_start3A_39 = tpu.memref_slice %arg9[%dma_start3A_36, %dma_start3A_37, %dma_start3A_38] : memref<2x128x128xf32, #tpu.memory_space<vmem>> -> memref<1x128x128xf32, #tpu.memory_space<vmem>>
    %dma_start3A_40 = tpu.memref_squeeze %dma_start3A_39 : memref<1x128x128xf32, #tpu.memory_space<vmem>> -> memref<128x128xf32, #tpu.memory_space<vmem>>
    %dma_start3A_41 = arith.constant 0 : i32
    %dma_start3A_42 = tpu.memref_slice %arg7[%dma_start3A_35, %dma_start3A_41] : memref<40x128xi32, #tpu.memory_space<vmem>> -> memref<1x128xi32, #tpu.memory_space<vmem>>
    %dma_start3A_43 = tpu.memref_squeeze %dma_start3A_42 : memref<1x128xi32, #tpu.memory_space<vmem>> -> memref<128xi32, #tpu.memory_space<vmem>>
    %dma_start3A_44 = arith.constant 0 : i32
    %dma_start3A_45 = arith.constant 0 : i32
    %dma_start3A_46 = tpu.memref_slice %arg2[%dma_start3A_44, %dma_start3A_45] : memref<10000x128xf32, #tpu.memory_space<hbm>> -> memref<10000x128xf32, #tpu.memory_space<hbm>>
    tpu.enqueue_indirect_dma source(%dma_start3A_46 : memref<10000x128xf32, #tpu.memory_space<hbm>>) target(%dma_start3A_40 : memref<128x128xf32, #tpu.memory_space<vmem>>) offsets(%dma_start3A_43 : memref<128xi32, #tpu.memory_space<vmem>>) semaphore(%arg11 : memref<!tpu.dma_semaphore, #tpu.memory_space<semaphore_mem>>)
    %scan3A_47 = arith.constant 0 : i32
    %scan3A_48 = arith.constant 0 : i32
    %scan3A_49 = arith.constant 20 : i32
    %scan3A_50 = arith.addi %scan3A_48, %scan3A_49 : i32
    %scan3A_51 = arith.constant 1 : i32
    scf.for %scan3A_60 = %scan3A_48 to %scan3A_50 step %scan3A_51  : i32 {
      %mul3A_61 = arith.constant 2 : i32
      %mul3A_62 = arith.muli %scan3A_60, %mul3A_61 : i32
      %add3A_63 = arith.constant 1 : i32
      %add3A_64 = arith.addi %mul3A_62, %add3A_63 : i32
      %dma_start3A_65 = arith.constant 1 : i32
      %dma_start3A_66 = arith.constant 0 : i32
      %dma_start3A_67 = arith.constant 0 : i32
      %dma_start3A_68 = tpu.memref_slice %arg9[%dma_start3A_65, %dma_start3A_66, %dma_start3A_67] : memref<2x128x128xf32, #tpu.memory_space<vmem>> -> memref<1x128x128xf32, #tpu.memory_space<vmem>>
      %dma_start3A_69 = tpu.memref_squeeze %dma_start3A_68 : memref<1x128x128xf32, #tpu.memory_space<vmem>> -> memref<128x128xf32, #tpu.memory_space<vmem>>
      %dma_start3A_70 = arith.constant 0 : i32
      %dma_start3A_71 = tpu.memref_slice %arg7[%add3A_64, %dma_start3A_70] : memref<40x128xi32, #tpu.memory_space<vmem>> -> memref<1x128xi32, #tpu.memory_space<vmem>>
      %dma_start3A_72 = tpu.memref_squeeze %dma_start3A_71 : memref<1x128xi32, #tpu.memory_space<vmem>> -> memref<128xi32, #tpu.memory_space<vmem>>
      %dma_start3A_73 = arith.constant 0 : i32
      %dma_start3A_74 = arith.constant 0 : i32
      %dma_start3A_75 = tpu.memref_slice %arg2[%dma_start3A_73, %dma_start3A_74] : memref<10000x128xf32, #tpu.memory_space<hbm>> -> memref<10000x128xf32, #tpu.memory_space<hbm>>
      tpu.enqueue_indirect_dma source(%dma_start3A_75 : memref<10000x128xf32, #tpu.memory_space<hbm>>) target(%dma_start3A_69 : memref<128x128xf32, #tpu.memory_space<vmem>>) offsets(%dma_start3A_72 : memref<128xi32, #tpu.memory_space<vmem>>) semaphore(%arg12 : memref<!tpu.dma_semaphore, #tpu.memory_space<semaphore_mem>>)
      %dma_wait3A = arith.constant 0 : i32
      %dma_wait3A_76 = arith.constant 0 : i32
      %dma_wait3A_77 = arith.constant 0 : i32
      %dma_wait3A_78 = tpu.memref_slice %arg9[%dma_wait3A, %dma_wait3A_76, %dma_wait3A_77] : memref<2x128x128xf32, #tpu.memory_space<vmem>> -> memref<1x128x128xf32, #tpu.memory_space<vmem>>
      %dma_wait3A_79 = tpu.memref_squeeze %dma_wait3A_78 : memref<1x128x128xf32, #tpu.memory_space<vmem>> -> memref<128x128xf32, #tpu.memory_space<vmem>>
      %dma_wait3A_80 = arith.constant 0 : i32
      %dma_wait3A_81 = tpu.memref_slice %arg7[%mul3A_62, %dma_wait3A_80] : memref<40x128xi32, #tpu.memory_space<vmem>> -> memref<1x128xi32, #tpu.memory_space<vmem>>
      %dma_wait3A_82 = tpu.memref_squeeze %dma_wait3A_81 : memref<1x128xi32, #tpu.memory_space<vmem>> -> memref<128xi32, #tpu.memory_space<vmem>>
      %dma_wait3A_83 = arith.constant 0 : i32
      %dma_wait3A_84 = arith.constant 0 : i32
      %dma_wait3A_85 = tpu.memref_slice %arg2[%dma_wait3A_83, %dma_wait3A_84] : memref<10000x128xf32, #tpu.memory_space<hbm>> -> memref<10000x128xf32, #tpu.memory_space<hbm>>
      tpu.wait_indirect_dma semaphore(%arg11 : memref<!tpu.dma_semaphore, #tpu.memory_space<semaphore_mem>>) src(%dma_wait3A_85 : memref<10000x128xf32, #tpu.memory_space<hbm>>) dst(%dma_wait3A_79 : memref<128x128xf32, #tpu.memory_space<vmem>>)
      %run_scoped3A = arith.constant 0 : i32
      "tpu.region"() ({
        %run_scoped3A_105 = tpu.sem_alloc : memref<!tpu.dma_semaphore, #tpu.memory_space<semaphore_mem>>
        %dma_start3A_106 = arith.constant 0 : i32
        %dma_start3A_107 = arith.constant 0 : i32
        %dma_start3A_108 = tpu.memref_slice %arg9[%run_scoped3A, %dma_start3A_106, %dma_start3A_107] : memref<2x128x128xf32, #tpu.memory_space<vmem>> -> memref<1x128x128xf32, #tpu.memory_space<vmem>>
        %dma_start3A_109 = tpu.memref_squeeze %dma_start3A_108 : memref<1x128x128xf32, #tpu.memory_space<vmem>> -> memref<128x128xf32, #tpu.memory_space<vmem>>
        %dma_start3A_110 = arith.constant 0 : i32
        %dma_start3A_111 = tpu.memref_slice %arg8[%mul3A_62, %dma_start3A_110] : memref<40x128xi32, #tpu.memory_space<vmem>> -> memref<1x128xi32, #tpu.memory_space<vmem>>
        %dma_start3A_112 = tpu.memref_squeeze %dma_start3A_111 : memref<1x128xi32, #tpu.memory_space<vmem>> -> memref<128xi32, #tpu.memory_space<vmem>>
        %dma_start3A_113 = arith.constant 0 : i32
        %dma_start3A_114 = arith.constant 0 : i32
        %dma_start3A_115 = tpu.memref_slice %arg10[%dma_start3A_113, %dma_start3A_114] : memref<10112x128xf32, #tpu.memory_space<vmem_shared>> -> memref<10112x128xf32, #tpu.memory_space<vmem_shared>>
        tpu.enqueue_indirect_dma source(%dma_start3A_109 : memref<128x128xf32, #tpu.memory_space<vmem>>) target(%dma_start3A_115 : memref<10112x128xf32, #tpu.memory_space<vmem_shared>>) offsets(%dma_start3A_112 : memref<128xi32, #tpu.memory_space<vmem>>) semaphore(%run_scoped3A_105 : memref<!tpu.dma_semaphore, #tpu.memory_space<semaphore_mem>>) {add = true}
        %dma_wait3A_116 = arith.constant 0 : i32
        %dma_wait3A_117 = arith.constant 0 : i32
        %dma_wait3A_118 = tpu.memref_slice %arg9[%run_scoped3A, %dma_wait3A_116, %dma_wait3A_117] : memref<2x128x128xf32, #tpu.memory_space<vmem>> -> memref<1x128x128xf32, #tpu.memory_space<vmem>>
        %dma_wait3A_119 = tpu.memref_squeeze %dma_wait3A_118 : memref<1x128x128xf32, #tpu.memory_space<vmem>> -> memref<128x128xf32, #tpu.memory_space<vmem>>
        %dma_wait3A_120 = arith.constant 0 : i32
        %dma_wait3A_121 = tpu.memref_slice %arg8[%mul3A_62, %dma_wait3A_120] : memref<40x128xi32, #tpu.memory_space<vmem>> -> memref<1x128xi32, #tpu.memory_space<vmem>>
        %dma_wait3A_122 = tpu.memref_squeeze %dma_wait3A_121 : memref<1x128xi32, #tpu.memory_space<vmem>> -> memref<128xi32, #tpu.memory_space<vmem>>
        %dma_wait3A_123 = arith.constant 0 : i32
        %dma_wait3A_124 = arith.constant 0 : i32
        %dma_wait3A_125 = tpu.memref_slice %arg10[%dma_wait3A_123, %dma_wait3A_124] : memref<10112x128xf32, #tpu.memory_space<vmem_shared>> -> memref<10112x128xf32, #tpu.memory_space<vmem_shared>>
        tpu.wait_indirect_dma semaphore(%run_scoped3A_105 : memref<!tpu.dma_semaphore, #tpu.memory_space<semaphore_mem>>) src(%dma_wait3A_119 : memref<128x128xf32, #tpu.memory_space<vmem>>) dst(%dma_wait3A_125 : memref<10112x128xf32, #tpu.memory_space<vmem_shared>>)
        tpu.yield
      }) : () -> ()
      %lt3A_86 = arith.constant 19 : i32
      %lt3A_87 = arith.cmpi slt, %scan3A_60, %lt3A_86 : i32
      %convert_element_type3A_88 = arith.extui %lt3A_87 : i1 to i32
      %cond3A_89 = arith.constant 0 : i32
      %cond3A_90 = arith.cmpi ne, %convert_element_type3A_88, %cond3A_89 : i32
      scf.if %cond3A_90 {
        %add3A_105 = arith.constant 2 : i32
        %add3A_106 = arith.addi %mul3A_62, %add3A_105 : i32
        %dma_start3A_107 = arith.constant 0 : i32
        %dma_start3A_108 = arith.constant 0 : i32
        %dma_start3A_109 = arith.constant 0 : i32
        %dma_start3A_110 = tpu.memref_slice %arg9[%dma_start3A_107, %dma_start3A_108, %dma_start3A_109] : memref<2x128x128xf32, #tpu.memory_space<vmem>> -> memref<1x128x128xf32, #tpu.memory_space<vmem>>
        %dma_start3A_111 = tpu.memref_squeeze %dma_start3A_110 : memref<1x128x128xf32, #tpu.memory_space<vmem>> -> memref<128x128xf32, #tpu.memory_space<vmem>>
        %dma_start3A_112 = arith.constant 0 : i32
        %dma_start3A_113 = tpu.memref_slice %arg7[%add3A_106, %dma_start3A_112] : memref<40x128xi32, #tpu.memory_space<vmem>> -> memref<1x128xi32, #tpu.memory_space<vmem>>
        %dma_start3A_114 = tpu.memref_squeeze %dma_start3A_113 : memref<1x128xi32, #tpu.memory_space<vmem>> -> memref<128xi32, #tpu.memory_space<vmem>>
        %dma_start3A_115 = arith.constant 0 : i32
        %dma_start3A_116 = arith.constant 0 : i32
        %dma_start3A_117 = tpu.memref_slice %arg2[%dma_start3A_115, %dma_start3A_116] : memref<10000x128xf32, #tpu.memory_space<hbm>> -> memref<10000x128xf32, #tpu.memory_space<hbm>>
        tpu.enqueue_indirect_dma source(%dma_start3A_117 : memref<10000x128xf32, #tpu.memory_space<hbm>>) target(%dma_start3A_111 : memref<128x128xf32, #tpu.memory_space<vmem>>) offsets(%dma_start3A_114 : memref<128xi32, #tpu.memory_space<vmem>>) semaphore(%arg11 : memref<!tpu.dma_semaphore, #tpu.memory_space<semaphore_mem>>)
      } else {
      }
      %dma_wait3A_91 = arith.constant 1 : i32
      %dma_wait3A_92 = arith.constant 0 : i32
      %dma_wait3A_93 = arith.constant 0 : i32
      %dma_wait3A_94 = tpu.memref_slice %arg9[%dma_wait3A_91, %dma_wait3A_92, %dma_wait3A_93] : memref<2x128x128xf32, #tpu.memory_space<vmem>> -> memref<1x128x128xf32, #tpu.memory_space<vmem>>
      %dma_wait3A_95 = tpu.memref_squeeze %dma_wait3A_94 : memref<1x128x128xf32, #tpu.memory_space<vmem>> -> memref<128x128xf32, #tpu.memory_space<vmem>>
      %dma_wait3A_96 = arith.constant 0 : i32
      %dma_wait3A_97 = tpu.memref_slice %arg7[%mul3A_62, %dma_wait3A_96] : memref<40x128xi32, #tpu.memory_space<vmem>> -> memref<1x128xi32, #tpu.memory_space<vmem>>
      %dma_wait3A_98 = tpu.memref_squeeze %dma_wait3A_97 : memref<1x128xi32, #tpu.memory_space<vmem>> -> memref<128xi32, #tpu.memory_space<vmem>>
      %dma_wait3A_99 = arith.constant 0 : i32
      %dma_wait3A_100 = arith.constant 0 : i32
      %dma_wait3A_101 = tpu.memref_slice %arg2[%dma_wait3A_99, %dma_wait3A_100] : memref<10000x128xf32, #tpu.memory_space<hbm>> -> memref<10000x128xf32, #tpu.memory_space<hbm>>
      tpu.wait_indirect_dma semaphore(%arg12 : memref<!tpu.dma_semaphore, #tpu.memory_space<semaphore_mem>>) src(%dma_wait3A_101 : memref<10000x128xf32, #tpu.memory_space<hbm>>) dst(%dma_wait3A_95 : memref<128x128xf32, #tpu.memory_space<vmem>>)
      %add3A_102 = arith.constant 1 : i32
      %add3A_103 = arith.addi %mul3A_62, %add3A_102 : i32
      %run_scoped3A_104 = arith.constant 1 : i32
      "tpu.region"() ({
        %run_scoped3A_105 = tpu.sem_alloc : memref<!tpu.dma_semaphore, #tpu.memory_space<semaphore_mem>>
        %dma_start3A_106 = arith.constant 0 : i32
        %dma_start3A_107 = arith.constant 0 : i32
        %dma_start3A_108 = tpu.memref_slice %arg9[%run_scoped3A_104, %dma_start3A_106, %dma_start3A_107] : memref<2x128x128xf32, #tpu.memory_space<vmem>> -> memref<1x128x128xf32, #tpu.memory_space<vmem>>
        %dma_start3A_109 = tpu.memref_squeeze %dma_start3A_108 : memref<1x128x128xf32, #tpu.memory_space<vmem>> -> memref<128x128xf32, #tpu.memory_space<vmem>>
        %dma_start3A_110 = arith.constant 0 : i32
        %dma_start3A_111 = tpu.memref_slice %arg8[%add3A_103, %dma_start3A_110] : memref<40x128xi32, #tpu.memory_space<vmem>> -> memref<1x128xi32, #tpu.memory_space<vmem>>
        %dma_start3A_112 = tpu.memref_squeeze %dma_start3A_111 : memref<1x128xi32, #tpu.memory_space<vmem>> -> memref<128xi32, #tpu.memory_space<vmem>>
        %dma_start3A_113 = arith.constant 0 : i32
        %dma_start3A_114 = arith.constant 0 : i32
        %dma_start3A_115 = tpu.memref_slice %arg10[%dma_start3A_113, %dma_start3A_114] : memref<10112x128xf32, #tpu.memory_space<vmem_shared>> -> memref<10112x128xf32, #tpu.memory_space<vmem_shared>>
        tpu.enqueue_indirect_dma source(%dma_start3A_109 : memref<128x128xf32, #tpu.memory_space<vmem>>) target(%dma_start3A_115 : memref<10112x128xf32, #tpu.memory_space<vmem_shared>>) offsets(%dma_start3A_112 : memref<128xi32, #tpu.memory_space<vmem>>) semaphore(%run_scoped3A_105 : memref<!tpu.dma_semaphore, #tpu.memory_space<semaphore_mem>>) {add = true}
        %dma_wait3A_116 = arith.constant 0 : i32
        %dma_wait3A_117 = arith.constant 0 : i32
        %dma_wait3A_118 = tpu.memref_slice %arg9[%run_scoped3A_104, %dma_wait3A_116, %dma_wait3A_117] : memref<2x128x128xf32, #tpu.memory_space<vmem>> -> memref<1x128x128xf32, #tpu.memory_space<vmem>>
        %dma_wait3A_119 = tpu.memref_squeeze %dma_wait3A_118 : memref<1x128x128xf32, #tpu.memory_space<vmem>> -> memref<128x128xf32, #tpu.memory_space<vmem>>
        %dma_wait3A_120 = arith.constant 0 : i32
        %dma_wait3A_121 = tpu.memref_slice %arg8[%add3A_103, %dma_wait3A_120] : memref<40x128xi32, #tpu.memory_space<vmem>> -> memref<1x128xi32, #tpu.memory_space<vmem>>
        %dma_wait3A_122 = tpu.memref_squeeze %dma_wait3A_121 : memref<1x128xi32, #tpu.memory_space<vmem>> -> memref<128xi32, #tpu.memory_space<vmem>>
        %dma_wait3A_123 = arith.constant 0 : i32
        %dma_wait3A_124 = arith.constant 0 : i32
        %dma_wait3A_125 = tpu.memref_slice %arg10[%dma_wait3A_123, %dma_wait3A_124] : memref<10112x128xf32, #tpu.memory_space<vmem_shared>> -> memref<10112x128xf32, #tpu.memory_space<vmem_shared>>
        tpu.wait_indirect_dma semaphore(%run_scoped3A_105 : memref<!tpu.dma_semaphore, #tpu.memory_space<semaphore_mem>>) src(%dma_wait3A_119 : memref<128x128xf32, #tpu.memory_space<vmem>>) dst(%dma_wait3A_125 : memref<10112x128xf32, #tpu.memory_space<vmem_shared>>)
        tpu.yield
      }) : () -> ()
    }
    %scan3A_52 = arith.constant 20 : i32
    %barrier3A_53 = arith.constant 0 : index
    tpu.barrier barrier_id(%barrier3A_53)
    %lt3A = arith.constant 15 : i32
    %lt3A_54 = arith.cmpi slt, %arg1, %lt3A : i32
    %convert_element_type3A = arith.extui %lt3A_54 : i1 to i32
    %cond3A = arith.constant 0 : i32
    %cond3A_55 = arith.cmpi ne, %convert_element_type3A, %cond3A : i32
    scf.if %cond3A_55 {
      %mul3A_60 = arith.constant 624 : i32
      %mul3A_61 = arith.muli %arg1, %mul3A_60 : i32
      %mul3A_62 = arith.constant 624 : i32
      %mul3A_63 = arith.muli %arg1, %mul3A_62 : i32
      "tpu.region"() ({
        %run_scoped3A = tpu.sem_alloc : memref<!tpu.dma_semaphore, #tpu.memory_space<semaphore_mem>>
        %dma_start3A_64 = arith.constant 0 : i32
        %dma_start3A_65 = arith.constant 0 : i32
        %dma_start3A_66 = tpu.memref_slice %arg6[%arg0, %dma_start3A_64, %dma_start3A_65] : memref<2x10000x128xf32, #tpu.memory_space<hbm>> -> memref<1x10000x128xf32, #tpu.memory_space<hbm>>
        %dma_start3A_67 = tpu.memref_squeeze %dma_start3A_66 : memref<1x10000x128xf32, #tpu.memory_space<hbm>> -> memref<10000x128xf32, #tpu.memory_space<hbm>>
        %dma_start3A_68 = arith.constant 0 : i32
        %dma_start3A_69 = tpu.memref_slice %dma_start3A_67[%mul3A_63, %dma_start3A_68] : memref<10000x128xf32, #tpu.memory_space<hbm>> -> memref<624x128xf32, #tpu.memory_space<hbm>>
        %dma_start3A_70 = arith.constant 0 : i32
        %dma_start3A_71 = tpu.memref_slice %arg10[%mul3A_61, %dma_start3A_70] : memref<10112x128xf32, #tpu.memory_space<vmem_shared>> -> memref<624x128xf32, #tpu.memory_space<vmem_shared>>
        tpu.enqueue_dma source(%dma_start3A_71 : memref<624x128xf32, #tpu.memory_space<vmem_shared>>) target(%dma_start3A_69 : memref<624x128xf32, #tpu.memory_space<hbm>>) target_semaphore(%run_scoped3A : memref<!tpu.dma_semaphore, #tpu.memory_space<semaphore_mem>>)
        %dma_wait3A = arith.constant 0 : i32
        %dma_wait3A_72 = arith.constant 0 : i32
        %dma_wait3A_73 = tpu.memref_slice %arg6[%arg0, %dma_wait3A, %dma_wait3A_72] : memref<2x10000x128xf32, #tpu.memory_space<hbm>> -> memref<1x10000x128xf32, #tpu.memory_space<hbm>>
        %dma_wait3A_74 = tpu.memref_squeeze %dma_wait3A_73 : memref<1x10000x128xf32, #tpu.memory_space<hbm>> -> memref<10000x128xf32, #tpu.memory_space<hbm>>
        %dma_wait3A_75 = arith.constant 0 : i32
        %dma_wait3A_76 = tpu.memref_slice %dma_wait3A_74[%mul3A_63, %dma_wait3A_75] : memref<10000x128xf32, #tpu.memory_space<hbm>> -> memref<624x128xf32, #tpu.memory_space<hbm>>
        %dma_wait3A_77 = arith.constant 0 : i32
        %dma_wait3A_78 = tpu.memref_slice %arg10[%mul3A_61, %dma_wait3A_77] : memref<10112x128xf32, #tpu.memory_space<vmem_shared>> -> memref<624x128xf32, #tpu.memory_space<vmem_shared>>
        tpu.wait_dma2 semaphore(%run_scoped3A : memref<!tpu.dma_semaphore, #tpu.memory_space<semaphore_mem>>) src(%dma_wait3A_78 : memref<624x128xf32, #tpu.memory_space<vmem_shared>>) dst(%dma_wait3A_76 : memref<624x128xf32, #tpu.memory_space<hbm>>)
        tpu.yield
      }) : () -> ()
    } else {
    }
    %eq3A = arith.constant 15 : i32
    %eq3A_56 = arith.cmpi eq, %arg1, %eq3A : i32
    %convert_element_type3A_57 = arith.extui %eq3A_56 : i1 to i32
    %cond3A_58 = arith.constant 0 : i32
    %cond3A_59 = arith.cmpi ne, %convert_element_type3A_57, %cond3A_58 : i32
    scf.if %cond3A_59 {
      "tpu.region"() ({
        %run_scoped3A = tpu.sem_alloc : memref<!tpu.dma_semaphore, #tpu.memory_space<semaphore_mem>>
        %dma_start3A_60 = arith.constant 0 : i32
        %dma_start3A_61 = arith.constant 0 : i32
        %dma_start3A_62 = tpu.memref_slice %arg6[%arg0, %dma_start3A_60, %dma_start3A_61] : memref<2x10000x128xf32, #tpu.memory_space<hbm>> -> memref<1x10000x128xf32, #tpu.memory_space<hbm>>
        %dma_start3A_63 = tpu.memref_squeeze %dma_start3A_62 : memref<1x10000x128xf32, #tpu.memory_space<hbm>> -> memref<10000x128xf32, #tpu.memory_space<hbm>>
        %dma_start3A_64 = arith.constant 9360 : i32
        %dma_start3A_65 = arith.constant 0 : i32
        %dma_start3A_66 = tpu.memref_slice %dma_start3A_63[%dma_start3A_64, %dma_start3A_65] : memref<10000x128xf32, #tpu.memory_space<hbm>> -> memref<640x128xf32, #tpu.memory_space<hbm>>
        %dma_start3A_67 = arith.constant 9360 : i32
        %dma_start3A_68 = arith.constant 0 : i32
        %dma_start3A_69 = tpu.memref_slice %arg10[%dma_start3A_67, %dma_start3A_68] : memref<10112x128xf32, #tpu.memory_space<vmem_shared>> -> memref<640x128xf32, #tpu.memory_space<vmem_shared>>
        tpu.enqueue_dma source(%dma_start3A_69 : memref<640x128xf32, #tpu.memory_space<vmem_shared>>) target(%dma_start3A_66 : memref<640x128xf32, #tpu.memory_space<hbm>>) target_semaphore(%run_scoped3A : memref<!tpu.dma_semaphore, #tpu.memory_space<semaphore_mem>>)
        %dma_wait3A = arith.constant 0 : i32
        %dma_wait3A_70 = arith.constant 0 : i32
        %dma_wait3A_71 = tpu.memref_slice %arg6[%arg0, %dma_wait3A, %dma_wait3A_70] : memref<2x10000x128xf32, #tpu.memory_space<hbm>> -> memref<1x10000x128xf32, #tpu.memory_space<hbm>>
        %dma_wait3A_72 = tpu.memref_squeeze %dma_wait3A_71 : memref<1x10000x128xf32, #tpu.memory_space<hbm>> -> memref<10000x128xf32, #tpu.memory_space<hbm>>
        %dma_wait3A_73 = arith.constant 9360 : i32
        %dma_wait3A_74 = arith.constant 0 : i32
        %dma_wait3A_75 = tpu.memref_slice %dma_wait3A_72[%dma_wait3A_73, %dma_wait3A_74] : memref<10000x128xf32, #tpu.memory_space<hbm>> -> memref<640x128xf32, #tpu.memory_space<hbm>>
        %dma_wait3A_76 = arith.constant 9360 : i32
        %dma_wait3A_77 = arith.constant 0 : i32
        %dma_wait3A_78 = tpu.memref_slice %arg10[%dma_wait3A_76, %dma_wait3A_77] : memref<10112x128xf32, #tpu.memory_space<vmem_shared>> -> memref<640x128xf32, #tpu.memory_space<vmem_shared>>
        tpu.wait_dma2 semaphore(%run_scoped3A : memref<!tpu.dma_semaphore, #tpu.memory_space<semaphore_mem>>) src(%dma_wait3A_78 : memref<640x128xf32, #tpu.memory_space<vmem_shared>>) dst(%dma_wait3A_75 : memref<640x128xf32, #tpu.memory_space<hbm>>)
        tpu.yield
      }) : () -> ()
    } else {
    }
    return
  }
}

module attributes {stable_mosaic.version = 14 : i64} {
  func.func @_feat_body(%arg0: memref<10000x128xf32, #tpu.memory_space<vmem>>, %arg1: memref<1x128xf32, #tpu.memory_space<vmem>>, %arg2: memref<1x128xf32, #tpu.memory_space<vmem>>, %arg3: memref<128x128xf32, #tpu.memory_space<vmem>>, %arg4: memref<10000x128xf32, #tpu.memory_space<vmem>>) attributes {dimension_semantics = [], scalar_prefetch = 0 : i64, scratch_operands = 0 : i64, tpu.core_type = #tpu.core_type<tc>} {
    %get3A = arith.constant 0 : index
    %get3A_0 = arith.constant 0 : index
    %get3A_1 = vector.load %arg0[%get3A, %get3A_0] : memref<10000x128xf32, #tpu.memory_space<vmem>>, vector<10000x128xf32>
    %get3A_2 = arith.constant 0 : index
    %get3A_3 = arith.constant 0 : index
    %get3A_4 = vector.load %arg1[%get3A_2, %get3A_3] : memref<1x128xf32, #tpu.memory_space<vmem>>, vector<1x128xf32>
    %get3A_5 = arith.constant 0 : index
    %get3A_6 = arith.constant 0 : index
    %get3A_7 = vector.load %arg2[%get3A_5, %get3A_6] : memref<1x128xf32, #tpu.memory_space<vmem>>, vector<1x128xf32>
    %reduce_sum3A = arith.constant dense<0.000000e+00> : vector<128xf32>
    %reduce_sum3A_8 = vector.multi_reduction <add>, %get3A_1, %reduce_sum3A [0] : vector<10000x128xf32> to vector<128xf32>
    %broadcast_in_dim3A = vector.shape_cast %reduce_sum3A_8 : vector<128xf32> to vector<1x128xf32>
    %div3A = arith.constant 1.000000e+04 : f32
    %div3A_9 = vector.broadcast %div3A : f32 to vector<1x128xf32>
    %div3A_10 = arith.divf %broadcast_in_dim3A, %div3A_9 : vector<1x128xf32>
    %sub3A = vector.broadcast %div3A_10 : vector<1x128xf32> to vector<10000x128xf32>
    %sub3A_11 = arith.subf %get3A_1, %sub3A : vector<10000x128xf32>
    %integer_pow3A = arith.mulf %sub3A_11, %sub3A_11 : vector<10000x128xf32>
    %reduce_sum3A_12 = arith.constant dense<0.000000e+00> : vector<128xf32>
    %reduce_sum3A_13 = vector.multi_reduction <add>, %integer_pow3A, %reduce_sum3A_12 [0] : vector<10000x128xf32> to vector<128xf32>
    %broadcast_in_dim3A_14 = vector.shape_cast %reduce_sum3A_13 : vector<128xf32> to vector<1x128xf32>
    %div3A_15 = arith.constant 1.000000e+04 : f32
    %div3A_16 = vector.broadcast %div3A_15 : f32 to vector<1x128xf32>
    %div3A_17 = arith.divf %broadcast_in_dim3A_14, %div3A_16 : vector<1x128xf32>
    %sub3A_18 = vector.broadcast %div3A_10 : vector<1x128xf32> to vector<10000x128xf32>
    %sub3A_19 = arith.subf %get3A_1, %sub3A_18 : vector<10000x128xf32>
    %add3A = arith.constant 9.99999974E-6 : f32
    %add3A_20 = vector.broadcast %add3A : f32 to vector<1x128xf32>
    %add3A_21 = arith.addf %div3A_17, %add3A_20 : vector<1x128xf32>
    %rsqrt3A = math.rsqrt %add3A_21 : vector<1x128xf32>
    %mul3A = vector.broadcast %rsqrt3A : vector<1x128xf32> to vector<10000x128xf32>
    %mul3A_22 = arith.mulf %sub3A_19, %mul3A : vector<10000x128xf32>
    %mul3A_23 = vector.broadcast %get3A_4 : vector<1x128xf32> to vector<10000x128xf32>
    %mul3A_24 = arith.mulf %mul3A_22, %mul3A_23 : vector<10000x128xf32>
    %add3A_25 = vector.broadcast %get3A_7 : vector<1x128xf32> to vector<10000x128xf32>
    %add3A_26 = arith.addf %mul3A_24, %add3A_25 : vector<10000x128xf32>
    %get3A_27 = arith.constant 0 : index
    %get3A_28 = arith.constant 0 : index
    %get3A_29 = vector.load %arg3[%get3A_27, %get3A_28] : memref<128x128xf32, #tpu.memory_space<vmem>>, vector<128x128xf32>
    %dot_general3A = arith.constant dense<0.000000e+00> : vector<10000x128xf32>
    %dot_general3A_30 = tpu.matmul %add3A_26, %get3A_29, %dot_general3A {dimension_numbers = #tpu.dot_dimension_numbers<[1], [0], [0], [1], [0, 0, 1, 1], [], []>, transpose_lhs_hint = false} : vector<10000x128xf32>, vector<128x128xf32>, vector<10000x128xf32> -> vector<10000x128xf32>
    %max3A = arith.constant 0.000000e+00 : f32
    %max3A_31 = vector.broadcast %max3A : f32 to vector<10000x128xf32>
    %max3A_32 = arith.maximumf %dot_general3A_30, %max3A_31 : vector<10000x128xf32>
    %swap3A = arith.constant 0 : index
    %swap3A_33 = arith.constant 0 : index
    %swap3A_34 = vector.load %arg4[%swap3A, %swap3A_33] : memref<10000x128xf32, #tpu.memory_space<vmem>>, vector<10000x128xf32>
    tpu.vector_store %arg4[%swap3A, %swap3A_33], %max3A_32 {strides = array<i32>} : memref<10000x128xf32, #tpu.memory_space<vmem>>, vector<10000x128xf32>,
    return
  }
}

module attributes {stable_mosaic.version = 14 : i64} {
  func.func @_gin_body(%arg0: memref<10000x128xf32, #tpu.memory_space<vmem>>, %arg1: memref<2x10000x128xf32, #tpu.memory_space<vmem>>, %arg2: memref<128x128xf32, #tpu.memory_space<vmem>>, %arg3: memref<1x128xf32, #tpu.memory_space<vmem>>, %arg4: memref<1x128xf32, #tpu.memory_space<vmem>>, %arg5: memref<1x128xf32, #tpu.memory_space<vmem>>, %arg6: memref<128x128xf32, #tpu.memory_space<vmem>>, %arg7: memref<1x128xf32, #tpu.memory_space<vmem>>, %arg8: memref<10000x128xf32, #tpu.memory_space<vmem>>) attributes {dimension_semantics = [], scalar_prefetch = 0 : i64, scratch_operands = 0 : i64, tpu.core_type = #tpu.core_type<tc>} {
    %get3A = arith.constant 0 : index
    %get3A_0 = arith.constant 0 : index
    %get3A_1 = arith.constant 0 : index
    %get3A_2 = vector.load %arg1[%get3A, %get3A_0, %get3A_1] : memref<2x10000x128xf32, #tpu.memory_space<vmem>>, vector<2x10000x128xf32>
    %get3A_3 = arith.constant 0 : index
    %get3A_4 = arith.constant 0 : index
    %get3A_5 = vector.load %arg0[%get3A_3, %get3A_4] : memref<10000x128xf32, #tpu.memory_space<vmem>>, vector<10000x128xf32>
    %slice3A = vector.extract_strided_slice %get3A_2 {offsets = [0, 0, 0], sizes = [1, 10000, 128], strides = [1, 1, 1]} : vector<2x10000x128xf32> to vector<1x10000x128xf32>
    %squeeze3A = vector.shape_cast %slice3A : vector<1x10000x128xf32> to vector<10000x128xf32>
    %add3A = arith.addf %get3A_5, %squeeze3A : vector<10000x128xf32>
    %slice3A_6 = vector.extract_strided_slice %get3A_2 {offsets = [1, 0, 0], sizes = [1, 10000, 128], strides = [1, 1, 1]} : vector<2x10000x128xf32> to vector<1x10000x128xf32>
    %squeeze3A_7 = vector.shape_cast %slice3A_6 : vector<1x10000x128xf32> to vector<10000x128xf32>
    %add3A_8 = arith.addf %add3A, %squeeze3A_7 : vector<10000x128xf32>
    %get3A_9 = arith.constant 0 : index
    %get3A_10 = arith.constant 0 : index
    %get3A_11 = vector.load %arg2[%get3A_9, %get3A_10] : memref<128x128xf32, #tpu.memory_space<vmem>>, vector<128x128xf32>
    %dot_general3A = arith.constant dense<0.000000e+00> : vector<10000x128xf32>
    %dot_general3A_12 = tpu.matmul %add3A_8, %get3A_11, %dot_general3A {dimension_numbers = #tpu.dot_dimension_numbers<[1], [0], [0], [1], [0, 0, 1, 1], [], []>, transpose_lhs_hint = false} : vector<10000x128xf32>, vector<128x128xf32>, vector<10000x128xf32> -> vector<10000x128xf32>
    %get3A_13 = arith.constant 0 : index
    %get3A_14 = arith.constant 0 : index
    %get3A_15 = vector.load %arg3[%get3A_13, %get3A_14] : memref<1x128xf32, #tpu.memory_space<vmem>>, vector<1x128xf32>
    %add3A_16 = vector.broadcast %get3A_15 : vector<1x128xf32> to vector<10000x128xf32>
    %add3A_17 = arith.addf %dot_general3A_12, %add3A_16 : vector<10000x128xf32>
    %get3A_18 = arith.constant 0 : index
    %get3A_19 = arith.constant 0 : index
    %get3A_20 = vector.load %arg4[%get3A_18, %get3A_19] : memref<1x128xf32, #tpu.memory_space<vmem>>, vector<1x128xf32>
    %get3A_21 = arith.constant 0 : index
    %get3A_22 = arith.constant 0 : index
    %get3A_23 = vector.load %arg5[%get3A_21, %get3A_22] : memref<1x128xf32, #tpu.memory_space<vmem>>, vector<1x128xf32>
    %reduce_sum3A = arith.constant dense<0.000000e+00> : vector<128xf32>
    %reduce_sum3A_24 = vector.multi_reduction <add>, %add3A_17, %reduce_sum3A [0] : vector<10000x128xf32> to vector<128xf32>
    %broadcast_in_dim3A = vector.shape_cast %reduce_sum3A_24 : vector<128xf32> to vector<1x128xf32>
    %div3A = arith.constant 1.000000e+04 : f32
    %div3A_25 = vector.broadcast %div3A : f32 to vector<1x128xf32>
    %div3A_26 = arith.divf %broadcast_in_dim3A, %div3A_25 : vector<1x128xf32>
    %sub3A = vector.broadcast %div3A_26 : vector<1x128xf32> to vector<10000x128xf32>
    %sub3A_27 = arith.subf %add3A_17, %sub3A : vector<10000x128xf32>
    %integer_pow3A = arith.mulf %sub3A_27, %sub3A_27 : vector<10000x128xf32>
    %reduce_sum3A_28 = arith.constant dense<0.000000e+00> : vector<128xf32>
    %reduce_sum3A_29 = vector.multi_reduction <add>, %integer_pow3A, %reduce_sum3A_28 [0] : vector<10000x128xf32> to vector<128xf32>
    %broadcast_in_dim3A_30 = vector.shape_cast %reduce_sum3A_29 : vector<128xf32> to vector<1x128xf32>
    %div3A_31 = arith.constant 1.000000e+04 : f32
    %div3A_32 = vector.broadcast %div3A_31 : f32 to vector<1x128xf32>
    %div3A_33 = arith.divf %broadcast_in_dim3A_30, %div3A_32 : vector<1x128xf32>
    %sub3A_34 = vector.broadcast %div3A_26 : vector<1x128xf32> to vector<10000x128xf32>
    %sub3A_35 = arith.subf %add3A_17, %sub3A_34 : vector<10000x128xf32>
    %add3A_36 = arith.constant 9.99999974E-6 : f32
    %add3A_37 = vector.broadcast %add3A_36 : f32 to vector<1x128xf32>
    %add3A_38 = arith.addf %div3A_33, %add3A_37 : vector<1x128xf32>
    %rsqrt3A = math.rsqrt %add3A_38 : vector<1x128xf32>
    %mul3A = vector.broadcast %rsqrt3A : vector<1x128xf32> to vector<10000x128xf32>
    %mul3A_39 = arith.mulf %sub3A_35, %mul3A : vector<10000x128xf32>
    %mul3A_40 = vector.broadcast %get3A_20 : vector<1x128xf32> to vector<10000x128xf32>
    %mul3A_41 = arith.mulf %mul3A_39, %mul3A_40 : vector<10000x128xf32>
    %add3A_42 = vector.broadcast %get3A_23 : vector<1x128xf32> to vector<10000x128xf32>
    %add3A_43 = arith.addf %mul3A_41, %add3A_42 : vector<10000x128xf32>
    %max3A = arith.constant 0.000000e+00 : f32
    %max3A_44 = vector.broadcast %max3A : f32 to vector<10000x128xf32>
    %max3A_45 = arith.maximumf %add3A_43, %max3A_44 : vector<10000x128xf32>
    %get3A_46 = arith.constant 0 : index
    %get3A_47 = arith.constant 0 : index
    %get3A_48 = vector.load %arg6[%get3A_46, %get3A_47] : memref<128x128xf32, #tpu.memory_space<vmem>>, vector<128x128xf32>
    %dot_general3A_49 = arith.constant dense<0.000000e+00> : vector<10000x128xf32>
    %dot_general3A_50 = tpu.matmul %max3A_45, %get3A_48, %dot_general3A_49 {dimension_numbers = #tpu.dot_dimension_numbers<[1], [0], [0], [1], [0, 0, 1, 1], [], []>, transpose_lhs_hint = false} : vector<10000x128xf32>, vector<128x128xf32>, vector<10000x128xf32> -> vector<10000x128xf32>
    %get3A_51 = arith.constant 0 : index
    %get3A_52 = arith.constant 0 : index
    %get3A_53 = vector.load %arg7[%get3A_51, %get3A_52] : memref<1x128xf32, #tpu.memory_space<vmem>>, vector<1x128xf32>
    %add3A_54 = vector.broadcast %get3A_53 : vector<1x128xf32> to vector<10000x128xf32>
    %add3A_55 = arith.addf %dot_general3A_50, %add3A_54 : vector<10000x128xf32>
    %max3A_56 = arith.constant 0.000000e+00 : f32
    %max3A_57 = vector.broadcast %max3A_56 : f32 to vector<10000x128xf32>
    %max3A_58 = arith.maximumf %add3A_55, %max3A_57 : vector<10000x128xf32>
    %swap3A = arith.constant 0 : index
    %swap3A_59 = arith.constant 0 : index
    %swap3A_60 = vector.load %arg8[%swap3A, %swap3A_59] : memref<10000x128xf32, #tpu.memory_space<vmem>>, vector<10000x128xf32>
    tpu.vector_store %arg8[%swap3A, %swap3A_59], %max3A_58 {strides = array<i32>} : memref<10000x128xf32, #tpu.memory_space<vmem>>, vector<10000x128xf32>,
    return
  }
}

module attributes {stable_mosaic.version = 14 : i64} {
  func.func @_head_body(%arg0: memref<10000x128xf32, #tpu.memory_space<vmem>>, %arg1: memref<1x10000xi32, #tpu.memory_space<vmem>>, %arg2: memref<1x128xf32, #tpu.memory_space<vmem>>, %arg3: memref<1x128xf32, #tpu.memory_space<vmem>>, %arg4: memref<128x128xf32, #tpu.memory_space<vmem>>, %arg5: memref<1x128xf32, #tpu.memory_space<vmem>>, %arg6: memref<1x128xf32, #tpu.memory_space<vmem>>, %arg7: memref<1x128xf32, #tpu.memory_space<vmem>>, %arg8: memref<128x10xf32, #tpu.memory_space<vmem>>, %arg9: memref<1x10xf32, #tpu.memory_space<vmem>>, %arg10: memref<64x10xf32, #tpu.memory_space<vmem>>) attributes {dimension_semantics = [], scalar_prefetch = 0 : i64, scratch_operands = 0 : i64, tpu.core_type = #tpu.core_type<tc>} {
    %iota3A = tpu.iota {dimensions = array<i32: 0>} : vector<64x1xi32>
    %get3A = arith.constant 0 : index
    %get3A_0 = arith.constant 0 : index
    %get3A_1 = vector.load %arg1[%get3A, %get3A_0] : memref<1x10000xi32, #tpu.memory_space<vmem>>, vector<1x10000xi32>
    %eq3A = vector.broadcast %get3A_1 : vector<1x10000xi32> to vector<64x10000xi32>
    %eq3A_2 = vector.broadcast %iota3A : vector<64x1xi32> to vector<64x10000xi32>
    %eq3A_3 = arith.cmpi eq, %eq3A, %eq3A_2 : vector<64x10000xi32>
    %convert_element_type3A = arith.extui %eq3A_3 : vector<64x10000xi1> to vector<64x10000xi32>
    %convert_element_type3A_4 = arith.sitofp %convert_element_type3A : vector<64x10000xi32> to vector<64x10000xf32>
    %get3A_5 = arith.constant 0 : index
    %get3A_6 = arith.constant 0 : index
    %get3A_7 = vector.load %arg0[%get3A_5, %get3A_6] : memref<10000x128xf32, #tpu.memory_space<vmem>>, vector<10000x128xf32>
    %dot_general3A = arith.constant dense<0.000000e+00> : vector<64x128xf32>
    %dot_general3A_8 = tpu.matmul %convert_element_type3A_4, %get3A_7, %dot_general3A {dimension_numbers = #tpu.dot_dimension_numbers<[1], [0], [0], [1], [0, 0, 1, 1], [], []>, transpose_lhs_hint = false} : vector<64x10000xf32>, vector<10000x128xf32>, vector<64x128xf32> -> vector<64x128xf32>
    %get3A_9 = arith.constant 0 : index
    %get3A_10 = arith.constant 0 : index
    %get3A_11 = vector.load %arg2[%get3A_9, %get3A_10] : memref<1x128xf32, #tpu.memory_space<vmem>>, vector<1x128xf32>
    %get3A_12 = arith.constant 0 : index
    %get3A_13 = arith.constant 0 : index
    %get3A_14 = vector.load %arg3[%get3A_12, %get3A_13] : memref<1x128xf32, #tpu.memory_space<vmem>>, vector<1x128xf32>
    %reduce_sum3A = arith.constant dense<0.000000e+00> : vector<128xf32>
    %reduce_sum3A_15 = vector.multi_reduction <add>, %dot_general3A_8, %reduce_sum3A [0] : vector<64x128xf32> to vector<128xf32>
    %broadcast_in_dim3A = vector.shape_cast %reduce_sum3A_15 : vector<128xf32> to vector<1x128xf32>
    %div3A = arith.constant 6.400000e+01 : f32
    %div3A_16 = vector.broadcast %div3A : f32 to vector<1x128xf32>
    %div3A_17 = arith.divf %broadcast_in_dim3A, %div3A_16 : vector<1x128xf32>
    %sub3A = vector.broadcast %div3A_17 : vector<1x128xf32> to vector<64x128xf32>
    %sub3A_18 = arith.subf %dot_general3A_8, %sub3A : vector<64x128xf32>
    %integer_pow3A = arith.mulf %sub3A_18, %sub3A_18 : vector<64x128xf32>
    %reduce_sum3A_19 = arith.constant dense<0.000000e+00> : vector<128xf32>
    %reduce_sum3A_20 = vector.multi_reduction <add>, %integer_pow3A, %reduce_sum3A_19 [0] : vector<64x128xf32> to vector<128xf32>
    %broadcast_in_dim3A_21 = vector.shape_cast %reduce_sum3A_20 : vector<128xf32> to vector<1x128xf32>
    %div3A_22 = arith.constant 6.400000e+01 : f32
    %div3A_23 = vector.broadcast %div3A_22 : f32 to vector<1x128xf32>
    %div3A_24 = arith.divf %broadcast_in_dim3A_21, %div3A_23 : vector<1x128xf32>
    %sub3A_25 = vector.broadcast %div3A_17 : vector<1x128xf32> to vector<64x128xf32>
    %sub3A_26 = arith.subf %dot_general3A_8, %sub3A_25 : vector<64x128xf32>
    %add3A = arith.constant 9.99999974E-6 : f32
    %add3A_27 = vector.broadcast %add3A : f32 to vector<1x128xf32>
    %add3A_28 = arith.addf %div3A_24, %add3A_27 : vector<1x128xf32>
    %rsqrt3A = math.rsqrt %add3A_28 : vector<1x128xf32>
    %mul3A = vector.broadcast %rsqrt3A : vector<1x128xf32> to vector<64x128xf32>
    %mul3A_29 = arith.mulf %sub3A_26, %mul3A : vector<64x128xf32>
    %mul3A_30 = vector.broadcast %get3A_11 : vector<1x128xf32> to vector<64x128xf32>
    %mul3A_31 = arith.mulf %mul3A_29, %mul3A_30 : vector<64x128xf32>
    %add3A_32 = vector.broadcast %get3A_14 : vector<1x128xf32> to vector<64x128xf32>
    %add3A_33 = arith.addf %mul3A_31, %add3A_32 : vector<64x128xf32>
    %get3A_34 = arith.constant 0 : index
    %get3A_35 = arith.constant 0 : index
    %get3A_36 = vector.load %arg4[%get3A_34, %get3A_35] : memref<128x128xf32, #tpu.memory_space<vmem>>, vector<128x128xf32>
    %dot_general3A_37 = arith.constant dense<0.000000e+00> : vector<64x128xf32>
    %dot_general3A_38 = tpu.matmul %add3A_33, %get3A_36, %dot_general3A_37 {dimension_numbers = #tpu.dot_dimension_numbers<[1], [0], [0], [1], [0, 0, 1, 1], [], []>, transpose_lhs_hint = false} : vector<64x128xf32>, vector<128x128xf32>, vector<64x128xf32> -> vector<64x128xf32>
    %get3A_39 = arith.constant 0 : index
    %get3A_40 = arith.constant 0 : index
    %get3A_41 = vector.load %arg5[%get3A_39, %get3A_40] : memref<1x128xf32, #tpu.memory_space<vmem>>, vector<1x128xf32>
    %add3A_42 = vector.broadcast %get3A_41 : vector<1x128xf32> to vector<64x128xf32>
    %add3A_43 = arith.addf %dot_general3A_38, %add3A_42 : vector<64x128xf32>
    %max3A = arith.constant 0.000000e+00 : f32
    %max3A_44 = vector.broadcast %max3A : f32 to vector<64x128xf32>
    %max3A_45 = arith.maximumf %add3A_43, %max3A_44 : vector<64x128xf32>
    %get3A_46 = arith.constant 0 : index
    %get3A_47 = arith.constant 0 : index
    %get3A_48 = vector.load %arg6[%get3A_46, %get3A_47] : memref<1x128xf32, #tpu.memory_space<vmem>>, vector<1x128xf32>
    %get3A_49 = arith.constant 0 : index
    %get3A_50 = arith.constant 0 : index
    %get3A_51 = vector.load %arg7[%get3A_49, %get3A_50] : memref<1x128xf32, #tpu.memory_space<vmem>>, vector<1x128xf32>
    %reduce_sum3A_52 = arith.constant dense<0.000000e+00> : vector<128xf32>
    %reduce_sum3A_53 = vector.multi_reduction <add>, %max3A_45, %reduce_sum3A_52 [0] : vector<64x128xf32> to vector<128xf32>
    %broadcast_in_dim3A_54 = vector.shape_cast %reduce_sum3A_53 : vector<128xf32> to vector<1x128xf32>
    %div3A_55 = arith.constant 6.400000e+01 : f32
    %div3A_56 = vector.broadcast %div3A_55 : f32 to vector<1x128xf32>
    %div3A_57 = arith.divf %broadcast_in_dim3A_54, %div3A_56 : vector<1x128xf32>
    %sub3A_58 = vector.broadcast %div3A_57 : vector<1x128xf32> to vector<64x128xf32>
    %sub3A_59 = arith.subf %max3A_45, %sub3A_58 : vector<64x128xf32>
    %integer_pow3A_60 = arith.mulf %sub3A_59, %sub3A_59 : vector<64x128xf32>
    %reduce_sum3A_61 = arith.constant dense<0.000000e+00> : vector<128xf32>
    %reduce_sum3A_62 = vector.multi_reduction <add>, %integer_pow3A_60, %reduce_sum3A_61 [0] : vector<64x128xf32> to vector<128xf32>
    %broadcast_in_dim3A_63 = vector.shape_cast %reduce_sum3A_62 : vector<128xf32> to vector<1x128xf32>
    %div3A_64 = arith.constant 6.400000e+01 : f32
    %div3A_65 = vector.broadcast %div3A_64 : f32 to vector<1x128xf32>
    %div3A_66 = arith.divf %broadcast_in_dim3A_63, %div3A_65 : vector<1x128xf32>
    %sub3A_67 = vector.broadcast %div3A_57 : vector<1x128xf32> to vector<64x128xf32>
    %sub3A_68 = arith.subf %max3A_45, %sub3A_67 : vector<64x128xf32>
    %add3A_69 = arith.constant 9.99999974E-6 : f32
    %add3A_70 = vector.broadcast %add3A_69 : f32 to vector<1x128xf32>
    %add3A_71 = arith.addf %div3A_66, %add3A_70 : vector<1x128xf32>
    %rsqrt3A_72 = math.rsqrt %add3A_71 : vector<1x128xf32>
    %mul3A_73 = vector.broadcast %rsqrt3A_72 : vector<1x128xf32> to vector<64x128xf32>
    %mul3A_74 = arith.mulf %sub3A_68, %mul3A_73 : vector<64x128xf32>
    %mul3A_75 = vector.broadcast %get3A_48 : vector<1x128xf32> to vector<64x128xf32>
    %mul3A_76 = arith.mulf %mul3A_74, %mul3A_75 : vector<64x128xf32>
    %add3A_77 = vector.broadcast %get3A_51 : vector<1x128xf32> to vector<64x128xf32>
    %add3A_78 = arith.addf %mul3A_76, %add3A_77 : vector<64x128xf32>
    %get3A_79 = arith.constant 0 : index
    %get3A_80 = arith.constant 0 : index
    %get3A_81 = vector.load %arg8[%get3A_79, %get3A_80] : memref<128x10xf32, #tpu.memory_space<vmem>>, vector<128x10xf32>
    %dot_general3A_82 = arith.constant dense<0.000000e+00> : vector<64x10xf32>
    %dot_general3A_83 = tpu.matmul %add3A_78, %get3A_81, %dot_general3A_82 {dimension_numbers = #tpu.dot_dimension_numbers<[1], [0], [0], [1], [0, 0, 1, 1], [], []>, transpose_lhs_hint = false} : vector<64x128xf32>, vector<128x10xf32>, vector<64x10xf32> -> vector<64x10xf32>
    %get3A_84 = arith.constant 0 : index
    %get3A_85 = arith.constant 0 : index
    %get3A_86 = vector.load %arg9[%get3A_84, %get3A_85] : memref<1x10xf32, #tpu.memory_space<vmem>>, vector<1x10xf32>
    %add3A_87 = vector.broadcast %get3A_86 : vector<1x10xf32> to vector<64x10xf32>
    %add3A_88 = arith.addf %dot_general3A_83, %add3A_87 : vector<64x10xf32>
    %reduce_max3A = arith.constant dense<0xFF800000> : vector<64xf32>
    %reduce_max3A_89 = vector.multi_reduction <maximumf>, %add3A_88, %reduce_max3A [1] : vector<64x10xf32> to vector<64xf32>
    %broadcast_in_dim3A_90 = vector.shape_cast %reduce_max3A_89 : vector<64xf32> to vector<64x1xf32>
    %sub3A_91 = vector.broadcast %broadcast_in_dim3A_90 : vector<64x1xf32> to vector<64x10xf32>
    %sub3A_92 = arith.subf %add3A_88, %sub3A_91 : vector<64x10xf32>
    %exp3A = math.exp %sub3A_92 : vector<64x10xf32>
    %reduce_sum3A_93 = arith.constant dense<0.000000e+00> : vector<64xf32>
    %reduce_sum3A_94 = vector.multi_reduction <add>, %exp3A, %reduce_sum3A_93 [1] : vector<64x10xf32> to vector<64xf32>
    %broadcast_in_dim3A_95 = vector.shape_cast %reduce_sum3A_94 : vector<64xf32> to vector<64x1xf32>
    %log3A = math.log %broadcast_in_dim3A_95 : vector<64x1xf32>
    %add3A_96 = arith.addf %broadcast_in_dim3A_90, %log3A : vector<64x1xf32>
    %sub3A_97 = vector.broadcast %add3A_96 : vector<64x1xf32> to vector<64x10xf32>
    %sub3A_98 = arith.subf %add3A_88, %sub3A_97 : vector<64x10xf32>
    %swap3A = arith.constant 0 : index
    %swap3A_99 = arith.constant 0 : index
    %swap3A_100 = vector.load %arg10[%swap3A, %swap3A_99] : memref<64x10xf32, #tpu.memory_space<vmem>>, vector<64x10xf32>
    tpu.vector_store %arg10[%swap3A, %swap3A_99], %sub3A_98 {strides = array<i32>} : memref<64x10xf32, #tpu.memory_space<vmem>>, vector<64x10xf32>,
    return
  }
}

</mosaic_0001>

<sc_bundles>
// kernel: kernel.10.cloned.1.call-start
scs
__scs_entry_jumppad:
0x0: {  	(pc) =	sbr.rel $0x88, $3  }
0x1: {  	(tag) =	ssettag $0x0;
	lr =	simm.s32 $0x1  }
0x2: {  	[smem:$0x3F8D] =	sst lr;
	_ =	strace $0xD0000000  }
0x3: {  	_ = 	snop  }
0x4: {  	_ = 	snop  }
0x5: {  	_ = 	snop  }
0x6: {  	_ = 	snop  }
0x7: {  	_ = 	snop  }
__scs_overlays_trampoline_lowered:
0x8: {  	[smem:$0x3F9C] =	sst s0  }
0x9: {  	[smem:$0x3F9D] =	sst s1  }
0xa: {  	[smem:$0x3F9E] =	sst s2  }
0xb: {  	[smem:$0x3F9F] =	sst s3  }
0xc: {  	[smem:$0x3FA0] =	sst s4  }
0xd: {  	[smem:$0x3FA1] =	sst s5  }
0xe: {  	[smem:$0x3FA2] =	sst s6  }
0xf: {  	[smem:$0x3FA3] =	sst s7  }
0x10: {  	[smem:$0x3FA4] =	sst s8  }
0x11: {  	[smem:$0x3FA5] =	sst s9;
	s0 =	simm.s32 @!p0 $0x0  }
0x12: {  	s1 =	sld [smem:$0x3F8B];
	s0 =	simm.s32 @p0 $0x1  }
0x13: {  	[smem:$0x3FA6] =	sst s0;
	s0 =	simm.s32 @!p1 $0x0  }
0x14: {  	s2 =	sld [smem:$0x3F8A];
	s0 =	simm.s32 @p1 $0x1  }
0x15: {  	[smem:$0x3FA7] =	sst s0;
	s0 =	simm.s32 @!p2 $0x0  }
0x16: {  	s3 =	sld [smem:$0x3FDB];
	s0 =	simm.s32 @p2 $0x1  }
0x17: {  	s4 =	simm.s32 $0x1BF5;
	[smem:$0x3FA9] =	sst s0  }
0x18: {  	s0 =	sld [smem:$0x3F8C];
	_ =	swait.ge [sflag:s4], $0x0  }
0x19: {  	s7 =	sld [smem:$0x3F8D]  }
0x1a: {  	s8 =	sadd.s32 $0xFFFFE003, lr  }
0x1b: {  	s9 =	sadd.s32 $0xFFFFFEF7, lr;
	s5 =	simm.s32 $0xFFFFFFFF;
	p2 =	slt.u32 s8, $0xFFFFF086  }
0x1c: {  	p1 =	slt.u32 s9, $0xF7A;
	s5 =	simm.s32 @!p2 $0x0  }
0x1d: {  	s5 =	simm.s32 @p1 $0x1;
	p0 =	seq.s32 s7, s2  }
0x1e: {  	s7 =	smul.u32 @!p0 $0xF7A, s2;
	p2 =	seq.s32 @!p0 s5, $0x0  }
0x1f: {  	s9 =	smul.u32 $0xF7A, s1;
	s8 =	simm.s32 @!p0 $0x1BF5;
	p2 =	por !p2, p0  }
0x20: {  	[sflag:s8] =	ssyncset.s32 @!p0 $0xFFFFF086;
	s6 =	sadd.s32 @!p0 s3, s7;
	s7 =	simm.s32 @!p0 $0x108  }
0x21: {  	s3 =	sadd.s32 s3, s9;
	s6 =	sadd.s32 @!p0 $0x88, s6;
	s7 =	simm.s32 @p2 $0x1082  }
0x22: {  	[simem:s7], [sflag:s8] =	dma.local @!p0 [hbm:s6], $0xF7A  }
0x23: {  	s9 =	sor.u32 $0xD0000000, s2;
	s6 =	simm.s32 $0x108;
	_ =	swait.ge @!p0 [sflag:s8], $0x0  }
0x24: {  	s3 =	sadd.s32 $0x88, s3;
	s6 =	simm.s32 @!p1 $0x1082;
	[sflag:s4] =	ssyncset.s32 $0xFFFFF086  }
0x25: {  	[simem:s6], [sflag:s4] =	dma.local [hbm:s3], $0xF7A  }
0x26: {  	[smem:$0x3F8D] =	sst s1;
	(tag) =	ssettag s2;
	_ =	strace s9  }
0x27: {  	s1 =	sld [smem:$0x3F9D]  }
0x28: {  	s2 =	sld [smem:$0x3F9E]  }
0x29: {  	s4 =	sld [smem:$0x3FA0]  }
0x2a: {  	p0 =	seq.s32 s5, $0x0;
	s5 =	sld [smem:$0x3FA1]  }
0x2b: {  	s6 =	sld [smem:$0x3FA2]  }
0x2c: {  	s7 =	sld [smem:$0x3FA3]  }
0x2d: {  	s3 =	simm.s32 $0x108;
	s8 =	sld [smem:$0x3FA4]  }
0x2e: {  	s3 =	simm.s32 @!p0 $0x1082;
	s9 =	sld [smem:$0x3FA5]  }
0x2f: {  	lr =	sadd.s32 s0, s3;
	s0 =	sld [smem:$0x3F9C]  }
0x30: {  	s3 =	sld [smem:$0x3F9F]  }
0x31: {  	[smem:$0x3FA8] =	sst s10  }
0x32: {  	s10 =	sld [smem:$0x3FA6];
	_ =	sdelay $0x3  }
0x33: {  	p0 =	seq.s32 s10, $0x1;
	s10 =	sld [smem:$0x3FA8];
	_ =	sdelay $0x3  }
0x34: {  	[smem:$0x3FA8] =	sst s10  }
0x35: {  	s10 =	sld [smem:$0x3FA7];
	_ =	sdelay $0x3  }
0x36: {  	p1 =	seq.s32 s10, $0x1;
	s10 =	sld [smem:$0x3FA8];
	_ =	sdelay $0x3  }
0x37: {  	[smem:$0x3FA8] =	sst s10  }
0x38: {  	s10 =	sld [smem:$0x3FA9]  }
0x39: {  	_ = 	snop;
	(pc) =	sbr.ind lr, $3  }
0x3a: {  	_ = 	snop  }
0x3b: {  	_ = 	snop  }
0x3c: {  	p2 =	seq.s32 s10, $0x1;
	s10 =	sld [smem:$0x3FA8]  }
0x3d: {  	_ =	shalt  }
0x3e: {  	_ =	shalt  }
0x3f: {  	_ =	shalt  }
0x40: {  	_ =	shalt  }
0x41: {  	_ =	shalt  }
0x42: {  	_ =	shalt  }
0x43: {  	_ =	shalt  }
0x44: {  	_ =	shalt  }
0x45: {  	_ =	shalt  }
0x46: {  	_ =	shalt  }
0x47: {  	_ =	shalt  }
0x48: {  	_ =	shalt  }
0x49: {  	_ =	shalt  }
0x4a: {  	_ =	shalt  }
0x4b: {  	_ =	shalt  }
0x4c: {  	_ =	shalt  }
0x4d: {  	_ =	shalt  }
0x4e: {  	_ =	shalt  }
0x4f: {  	_ =	shalt  }
0x50: {  	_ =	shalt  }
0x51: {  	_ =	shalt  }
0x52: {  	_ =	shalt  }
0x53: {  	_ =	shalt  }
0x54: {  	_ =	shalt  }
0x55: {  	_ =	shalt  }
0x56: {  	_ =	shalt  }
0x57: {  	_ =	shalt  }
0x58: {  	_ =	shalt  }
0x59: {  	_ =	shalt  }
0x5a: {  	_ =	shalt  }
0x5b: {  	_ =	shalt  }
0x5c: {  	_ =	shalt  }
0x5d: {  	_ =	shalt  }
0x5e: {  	_ =	shalt  }
0x5f: {  	_ =	shalt  }
0x60: {  	_ =	shalt  }
0x61: {  	_ =	shalt  }
0x62: {  	_ =	shalt  }
0x63: {  	_ =	shalt  }
0x64: {  	_ =	shalt  }
0x65: {  	_ =	shalt  }
0x66: {  	_ =	shalt  }
0x67: {  	_ =	shalt  }
0x68: {  	_ =	shalt  }
0x69: {  	_ =	shalt  }
0x6a: {  	_ =	shalt  }
0x6b: {  	_ =	shalt  }
0x6c: {  	_ =	shalt  }
0x6d: {  	_ =	shalt  }
0x6e: {  	_ =	shalt  }
0x6f: {  	_ =	shalt  }
0x70: {  	_ =	shalt  }
0x71: {  	_ =	shalt  }
0x72: {  	_ =	shalt  }
0x73: {  	_ =	shalt  }
0x74: {  	_ =	shalt  }
0x75: {  	_ =	shalt  }
0x76: {  	_ =	shalt  }
0x77: {  	_ =	shalt  }
0x78: {  	_ =	shalt  }
0x79: {  	_ =	shalt  }
0x7a: {  	_ =	shalt  }
0x7b: {  	_ =	shalt  }
0x7c: {  	_ =	shalt  }
0x7d: {  	_ =	shalt  }
0x7e: {  	_ =	shalt  }
0x7f: {  	_ =	shalt  }
0x80: {  	_ =	shalt  }
0x81: {  	_ =	shalt  }
0x82: {  	_ =	shalt  }
0x83: {  	_ =	shalt  }
0x84: {  	_ =	shalt  }
0x85: {  	_ =	shalt  }
0x86: {  	_ =	shalt  }
0x87: {  	_ =	shalt  }
.Lfunc_end0:
.L_simem_size_0:
called_computation_lowered:
.L_overlay_start_0:
0x88: {  	s2 =	sld [smem:$0x3FD9]  }
0x89: {  	s3 =	sld [smem:$0x3FFE];
	_ =	sdelay $0x1  }
0x8a: {  	s1 =	srdreg.scid  }
0x8b: {  	s0 =	sand.u32 $0x1, s1  }
0x8c: {  	s16 =	sshll.u32 s0, $0xA;
	s2 =	sadd.s32 s3, s2  }
0x8d: {  	s2 =	sadd.s32 s2, s16  }
0x8e: {  	[smem:$0x3FB4] =	sst s2  }
0x8f: {  	_ = 	snop  }
0x90: {  	(tm) =	ssettm $0x1  }
0x91: {  	s17 =	sld [smem:$0x3FFB];
	_ =	sdelay $0x3  }
0x92: {  	_ =	strace s17  }
0x93: {  	s2 =	sld [smem:$0x3FFC];
	_ =	sdelay $0x3  }
0x94: {  	_ =	strace s2  }
0x95: {  	s2 =	sld [smem:$0x3FFD];
	_ =	sdelay $0x3  }
0x96: {  	_ =	strace s2  }
0x97: {  	_ =	strace $0x8FFFFFFF  }
0x98: {  	s18 =	sld [smem:$0x3FDB];
	_ =	sdelay $0x1  }
0x99: {  	s19 =	simm.s32 $_scs_section_size  }
0x9a: {  	s4 =	simm.s32 $_size__tile_overlayer_lowered;
	s5 =	simm.s32 $_tile_overlayer_lowered  }
0x9b: {  	s22 =	simm.s32 $0x1BFF;
	s21 =	sshll.u32 s5, $0x1;
	s2 =	sadd.s32 s19, s18  }
0x9c: {  	s6 =	simm.s32 $0x0;
	s20 =	sshll.u32 s4, $0x1;
	s4 =	sadd.s32 s21, s2  }
0x9d: {  	[timem:s6], [sflag:s22] =	dma.local [hbm:s4], s20  }
0x9e: {  	_ =	swait.ge [sflag:s22], s20  }
0x9f: {  	s3 =	ssub.s32 $0x0, s20;
	[sflag:s22] =	ssyncset.done $0x0  }
0xa0: {  	[sflag:s22] =	ssyncadd.s32 s3;
	_ =	sdelay $0x1  }
0xa1: {  	s23 =	simm.s32 $0x1B8B  }
0xa2: {  	_ =	swait.ge [sflag:s23], $0x1  }
0xa3: {  	[sflag:s23] =	ssyncset.done $0x0  }
0xa4: {  	s25 =	simm.s32 $0x1B8E;
	s24 =	sld [smem:$0x3FFE];
	[sflag:s23] =	ssyncadd.s32 $0xFFFFFFFF  }
0xa5: {  	s26 =	simm.s32 $execute0_lowered;
	[smem:$0x3FD2] =	sst s25  }
0xa6: {  	s4 =	sshll.u32 s26, $0x1;
	_ =	strace $0x80000046;
	[dreg:$0x1] =	wrdreg $0xFFFFFFFF  }
0xa7: {  	s28 =	simm.s32 $_size_execute0_lowered;
	s2 =	sadd.s32 s2, s4;
	[dreg:$0x0] =	wrdreg $0x0  }
0xa8: {  	s4 =	sshll.u32 s28, $0x1;
	[dreg:$0x2] =	wrdreg s2  }
0xa9: {  	[dreg:$0x3] =	wrdreg s4  }
0xaa: {  	[dreg:$0x4] =	wrdreg $0xC0  }
0xab: {  	_ =	task [dreg:s6], $0x5FFFF  }
0xac: {  	[dreg:$0x1] =	wrdreg $0xFFFFFFFF  }
0xad: {  	[dreg:$0x0] =	wrdreg $0x60  }
0xae: {  	[dreg:$0x2] =	wrdreg s24  }
0xaf: {  	[dreg:$0x3] =	wrdreg $0xA8000  }
0xb0: {  	[dreg:$0x4] =	wrdreg $0x9  }
0xb1: {  	_ =	task.clear_ibuf [dreg:s6], $0x5FFFF;
	_ =	strace $0x90000046  }
0xb2: {  	s29 =	simm.s32 $0x9;
	_ =	strace $0x80000048  }
0xb3: {  	_ =	swait.ge [sflag:s29], $0x1  }
0xb4: {  	[sflag:s29] =	ssyncadd.s32 $0xFFFFFFFF  }
0xb5: {  	_ =	strace $0x90000048  }
0xb6: {  	_ =	sfence  }
0xb7: {  	s30 =	sld [smem:$0x0];
	_ =	sdelay $0x2  }
0xb8: {  	s31 =	sshll.u32 s1, $0xD;
	s1 =	sshrl.u32 s1, $0x2  }
0xb9: {  	s3 =	sand.u32 $0x4000, s31;
	s1 =	sadd.s32 s1, s30  }
0xba: {  	s0 =	sor.u32 s3, s0;
	s1 =	sshll.u32 s1, $0x11  }
0xbb: {  	s0 =	sor.u32 s1, s0  }
0xbc: {  	s0 =	sadd.s32 $0x8F2B, s0  }
0xbd: {  	[sflag:s0] =	ssyncadd.remote.s32 $0x1  }
0xbe: {  	_ =	sfence.sel $0xFFFF  }
0xbf: {  	[dreg:$0x0] =	wrdreg $0xFFFFFFFF;
	(pc) =	sbr.abs _section_cstart, $3  }
0xc0: {  	[dreg:$0x1] =	wrdreg $0xFFFFFFFF  }
0xc1: {  	_ =	task.clear_ibuf [dreg:s6], $0x2FFFF;
	_ =	strace $0x9FFFFFFF  }
0xc2: {  	(tm) =	ssettm $0x7FFFFFFF  }
0xc3: {  	_ =	shalt  }
tec
execute0_lowered:
.L_overlay_start_1:
0x0: {  	(tag) =	ssettag $0x1  }
0x1: {  	s6 =	rddreg [dreg:$0x0]  }
0x2: {  	s1 =	rddreg [dreg:$0x1];
	s2 =	simm.s32 $0x0;
	s4 =	srdreg.scid  }
0x3: {  	s0 =	stileid.u32;
	s17 =	simm.s32 $0x2800;
	s18 =	simm.s32 $0x6800  }
0x4: {  	s19 =	simm.s32 $0x1;
	s20 =	simm.s32 $0x2;
	s21 =	simm.s32 $0x1380  }
0x5: {  	s28 =	simm.s32 $0x0;
	[smem:$0x7FF] =	sst s2;
	s3 =	sadd.s32 $0x18A00, s6  }
0x6: {  	s9 =	sadd.s32 $0xEA00, s6;
	s10 =	sadd.s32 $0x4A00, s6;
	s7 =	sand.u32 $0x1, s4  }
0x7: {  	s5 =	sadd.s32 $0x3FC00, s6;
	s12 =	smul.u32 $0x4F000, s0;
	s25 =	sshll.u32 s0, $0x6  }
0x8: {  	s16 =	smul.u32 $0x4E000, s0;
	p0 =	seq.s32 s0, $0xF;
	_ =	strace $0x80000047  }
0x9: {  	s8 =	smul.u32 $0x27100, s7;
	s11 =	ssub.s32 $0x2, s7;
	s7 =	sshll.u32 s7, $0x4  }
0xa: {  	s22 =	sshrl.u32 s11, $0x1;
	s7 =	sor.u32 s0, s7;
	s23 =	sshrl.u32 s12, $0x2  }
0xb: {  	s31 =	sshrl.u32 s16, $0x2;
	s16 =	simm.s32 $0x80;
	s13 =	sadd.s32 s8, s6  }
0xc: {  	s14 =	ssub.s32 s11, s22;
	s24 =	smul.u32 $0x2800, s7;
	s15 =	sadd.s32 s23, s1  }
0xd: {  	s26 =	smul.u32 $0x500, s7;
	s6 =	sor.u32 $0x1C03, s25;
	s25 =	sadd.s32 s31, s1  }
0xe: {  	s23 =	sadd.s32 $0x124800, s1;
	s22 =	simm.s32 $0x2700;
	s11 =	sadd.s32 $0x42400, s13  }
0xf: {  	s12 =	smax.u32 s14, $0x1;
	s13 =	sshrl.u32 s15, $0x3;
	s14 =	simm.s32 $0x3  }
0x10: {  	s15 =	simm.s32 $0x1400;
	s23 =	sshrl.u32 @p0 s23, $0x3;
	s25 =	sshrl.u32 @!p0 s25, $0x3  }
0x11: {  	s29 =	sshrl.u32 s24, $0x3;
	s7 =	sadd.s32 s9, s26;
	s24 =	smul.u32 $0x2700, s0  }
0x12: {  	s8 =	sadd.s32 s10, s26;
	s26 =	simm.s32 $0x2780;
	s30 =	sadd.s32 $0x280, s29  }
0x13: {  	s9 =	sadd.s32 s9, s30;
	s10 =	sadd.s32 s10, s30;
	s24 =	sadd.s32 @!p0 s24, s11  }
.LBB2_1:
0x14: {  	[spmem:s13], [sflag:s6] =	dma.local [hbm:s5], $0x2780  }
0x15: {  	_ =	swait.ge [sflag:s14], $0x2780  }
0x16: {  	[sflag:s14] =	ssyncset.done $0x0  }
0x17: {  	[sflag:s14] =	ssyncadd.s32 $0xFFFFD880  }
0x18: {  	[bflag:$0x0] =	sbarrier.arrive $0xFFFF  }
0x19: {  	[tilespmem:s2], [sflag:$0x3] =	stream.linear.gather [hbm4b:s7+s2], $0x1400, $0x38;
	[tilespmem:$0x1E400] =	vst v63  }
0x1a: {  	_ =	swait.ge [sflag:s14], $0x1400  }
0x1b: {  	[sflag:s14] =	ssyncset.done $0x0  }
0x1c: {  	[sflag:s14] =	ssyncadd.s32 $0xFFFFEC00  }
0x1d: {  	[tilespmem:s15], [sflag:$0x3] =	stream.linear.gather [hbm4b:s8+s2], $0x1400, $0x38;
	[tilespmem:$0x1E400] =	vst v63  }
0x1e: {  	_ =	swait.ge [sflag:s14], $0x1400  }
0x1f: {  	[sflag:s14] =	ssyncset.done $0x0  }
0x20: {  	[sflag:s14] =	ssyncadd.s32 $0xFFFFEC00  }
0x21: {  	[tilespmem:s17], [sflag:$0x1] =	stream.indirect.gather [hbm4b:s3+s16], $0x80, s2, s16, $0xb8;
	[tilespmem:$0x1E400] =	vst v63  }
0x22: {  	s29 =	simm.s32 $0x80  }
0x23: {  	[tilespmem:s18], [sflag:$0x2] =	stream.indirect.gather [hbm4b:s3+s16], $0x80, s29, s16, $0xb8;
	[tilespmem:$0x1E400] =	vst v63  }
0x24: {  	_ =	swait.ge [sflag:s19], $0x4000  }
0x25: {  	[sflag:s19] =	ssyncset.done $0x0  }
0x26: {  	s29 =	simm.s32 $0x1400;
	[sflag:s19] =	ssyncadd.s32 $0xFFFFC000  }
0x27: {  	[spmem:s1] =	stream.indirect.scatter.add.f32 [tilespmem:s17], [sflag:$0x3], $0x80, s29, s16, $0xb8;
	[tilespmem:$0x1E400] =	vst v63  }
0x28: {  	_ =	swait.ge [sflag:s14], $0x4000  }
0x29: {  	[sflag:s14] =	ssyncset.done $0x0  }
0x2a: {  	s29 =	simm.s32 $0x100;
	[sflag:s14] =	ssyncadd.s32 $0xFFFFC000  }
0x2b: {  	[tilespmem:s17], [sflag:$0x1] =	stream.indirect.gather [hbm4b:s3+s16], $0x80, s29, s16, $0xb8;
	[tilespmem:$0x1E400] =	vst v63  }
0x2c: {  	_ =	swait.ge [sflag:s20], $0x4000  }
0x2d: {  	[sflag:s20] =	ssyncset.done $0x0  }
0x2e: {  	s29 =	simm.s32 $0x1480;
	[sflag:s20] =	ssyncadd.s32 $0xFFFFC000  }
0x2f: {  	[spmem:s1] =	stream.indirect.scatter.add.f32 [tilespmem:s18], [sflag:$0x3], $0x80, s29, s16, $0xb8;
	[tilespmem:$0x1E400] =	vst v63  }
0x30: {  	_ =	swait.ge [sflag:s14], $0x4000  }
0x31: {  	s30 =	simm.s32 $0x800;
	s29 =	simm.s32 $0x100;
	[sflag:s14] =	ssyncset.done $0x0  }
.LBB2_2:
0x32: {  	s31 =	sadd.s32 $0x80, s29  }
0x33: {  	[sflag:s14] =	ssyncadd.s32 $0xFFFFC000;
	s0 =	smov.u32 s30;
	s4 =	sadd.s32 $0x400, s30  }
0x34: {  	[tilespmem:s18], [sflag:$0x2] =	stream.indirect.gather [hbm4b:s3+s16], $0x80, s31, s16, $0xb8;
	[tilespmem:$0x1E400] =	vst v63  }
0x35: {  	p1 =	sne.s32 s30, $0x4800;
	_ =	swait.ge [sflag:s19], $0x4000  }
0x36: {  	[sflag:s19] =	ssyncset.done $0x0  }
0x37: {  	s30 =	sadd.s32 $0x1400, s29;
	[sflag:s19] =	ssyncadd.s32 $0xFFFFC000  }
0x38: {  	[spmem:s1] =	stream.indirect.scatter.add.f32 [tilespmem:s17], [sflag:$0x3], $0x80, s30, s16, $0xb8;
	[tilespmem:$0x1E400] =	vst v63  }
0x39: {  	_ =	swait.ge [sflag:s14], $0x4000  }
0x3a: {  	[sflag:s14] =	ssyncset.done $0x0  }
0x3b: {  	s30 =	sadd.s32 $0x100, s29;
	[sflag:s14] =	ssyncadd.s32 $0xFFFFC000  }
0x3c: {  	[tilespmem:s17], [sflag:$0x1] =	stream.indirect.gather [hbm4b:s3+s16], $0x80, s30, s16, $0xb8;
	[tilespmem:$0x1E400] =	vst v63  }
0x3d: {  	_ =	swait.ge [sflag:s20], $0x4000  }
.Ltmp0:
0x3e: {  	[sflag:s20] =	ssyncset.done $0x0;
	(pc) =	sbr.rel @p1 .LBB2_2-.Ltmp0, $4  }
0x3f: {  	s29 =	sadd.s32 $0x1480, s29;
	[sflag:s20] =	ssyncadd.s32 $0xFFFFC000  }
0x40: {  	[spmem:s1] =	stream.indirect.scatter.add.f32 [tilespmem:s18], [sflag:$0x3], $0x80, s29, s16, $0xb8;
	[tilespmem:$0x1E400] =	vst v63  }
0x41: {  	_ =	swait.ge [sflag:s14], $0x4000  }
0x42: {  	s30 =	smov.u32 s4;
	s29 =	sshra.s32 s0, $0x2;
	[sflag:s14] =	ssyncset.done $0x0  }
0x43: {  	s0 =	sadd.s32 $0x80, s29;
	[sflag:s14] =	ssyncadd.s32 $0xFFFFC000  }
0x44: {  	[tilespmem:s18], [sflag:$0x2] =	stream.indirect.gather [hbm4b:s3+s16], $0x80, s0, s16, $0xb8;
	[tilespmem:$0x1E400] =	vst v63  }
0x45: {  	_ =	swait.ge [sflag:s19], $0x4000  }
0x46: {  	[sflag:s19] =	ssyncset.done $0x0  }
0x47: {  	s4 =	sadd.s32 $0x1400, s29;
	[sflag:s19] =	ssyncadd.s32 $0xFFFFC000  }
0x48: {  	[spmem:s1] =	stream.indirect.scatter.add.f32 [tilespmem:s17], [sflag:$0x3], $0x80, s4, s16, $0xb8;
	[tilespmem:$0x1E400] =	vst v63  }
0x49: {  	_ =	swait.ge [sflag:s14], $0x4000  }
0x4a: {  	[sflag:s14] =	ssyncset.done $0x0  }
0x4b: {  	s31 =	sadd.s32 $0x100, s29;
	[sflag:s14] =	ssyncadd.s32 $0xFFFFC000  }
0x4c: {  	[tilespmem:s17], [sflag:$0x1] =	stream.indirect.gather [hbm4b:s3+s16], $0x80, s31, s16, $0xb8;
	[tilespmem:$0x1E400] =	vst v63  }
0x4d: {  	_ =	swait.ge [sflag:s20], $0x4000  }
0x4e: {  	[sflag:s20] =	ssyncset.done $0x0  }
0x4f: {  	s4 =	sadd.s32 $0x1480, s29;
	[sflag:s20] =	ssyncadd.s32 $0xFFFFC000  }
0x50: {  	[spmem:s1] =	stream.indirect.scatter.add.f32 [tilespmem:s18], [sflag:$0x3], $0x80, s4, s16, $0xb8;
	[tilespmem:$0x1E400] =	vst v63  }
0x51: {  	_ =	swait.ge [sflag:s14], $0x4000  }
0x52: {  	[sflag:s14] =	ssyncset.done $0x0  }
0x53: {  	[sflag:s14] =	ssyncadd.s32 $0xFFFFC000  }
0x54: {  	[tilespmem:s18], [sflag:$0x2] =	stream.indirect.gather [hbm4b:s3+s16], $0x80, s21, s16, $0xb8;
	[tilespmem:$0x1E400] =	vst v63  }
0x55: {  	_ =	swait.ge [sflag:s19], $0x4000  }
0x56: {  	[sflag:s19] =	ssyncset.done $0x0  }
0x57: {  	[sflag:s19] =	ssyncadd.s32 $0xFFFFC000  }
0x58: {  	[spmem:s1] =	stream.indirect.scatter.add.f32 [tilespmem:s17], [sflag:$0x3], $0x80, s22, s16, $0xb8;
	[tilespmem:$0x1E400] =	vst v63  }
0x59: {  	_ =	swait.ge [sflag:s14], $0x4000  }
0x5a: {  	[sflag:s14] =	ssyncset.done $0x0  }
0x5b: {  	[sflag:s14] =	ssyncadd.s32 $0xFFFFC000  }
0x5c: {  	_ =	swait.ge [sflag:s20], $0x4000  }
0x5d: {  	[sflag:s20] =	ssyncset.done $0x0  }
0x5e: {  	[sflag:s20] =	ssyncadd.s32 $0xFFFFC000  }
0x5f: {  	[spmem:s1] =	stream.indirect.scatter.add.f32 [tilespmem:s18], [sflag:$0x3], $0x80, s26, s16, $0xb8;
	[tilespmem:$0x1E400] =	vst v63  }
0x60: {  	_ =	swait.ge [sflag:s14], $0x4000  }
0x61: {  	[sflag:s14] =	ssyncset.done $0x0  }
0x62: {  	s31 =	simm.s32 $0x0;
	[sflag:s14] =	ssyncadd.s32 $0xFFFFC000  }
0x63: {  	[tilespmem:s31], [sflag:$0x3] =	stream.linear.gather [hbm4b:s9+s31], $0x1400, $0x38;
	[tilespmem:$0x1E400] =	vst v63  }
0x64: {  	_ =	swait.ge [sflag:s14], $0x1400  }
0x65: {  	[sflag:s14] =	ssyncset.done $0x0  }
0x66: {  	[sflag:s14] =	ssyncadd.s32 $0xFFFFEC00  }
0x67: {  	[tilespmem:s15], [sflag:$0x3] =	stream.linear.gather [hbm4b:s10+s31], $0x1400, $0x38;
	[tilespmem:$0x1E400] =	vst v63  }
0x68: {  	_ =	swait.ge [sflag:s14], $0x1400  }
0x69: {  	[sflag:s14] =	ssyncset.done $0x0  }
0x6a: {  	[sflag:s14] =	ssyncadd.s32 $0xFFFFEC00  }
0x6b: {  	[tilespmem:s17], [sflag:$0x1] =	stream.indirect.gather [hbm4b:s3+s16], $0x80, s31, s16, $0xb8;
	[tilespmem:$0x1E400] =	vst v63  }
0x6c: {  	s4 =	simm.s32 $0x80  }
0x6d: {  	[tilespmem:s18], [sflag:$0x2] =	stream.indirect.gather [hbm4b:s3+s16], $0x80, s4, s16, $0xb8;
	[tilespmem:$0x1E400] =	vst v63  }
0x6e: {  	_ =	swait.ge [sflag:s19], $0x4000  }
0x6f: {  	[sflag:s19] =	ssyncset.done $0x0  }
0x70: {  	s31 =	simm.s32 $0x1400;
	[sflag:s19] =	ssyncadd.s32 $0xFFFFC000  }
0x71: {  	[spmem:s1] =	stream.indirect.scatter.add.f32 [tilespmem:s17], [sflag:$0x3], $0x80, s31, s16, $0xb8;
	[tilespmem:$0x1E400] =	vst v63  }
0x72: {  	_ =	swait.ge [sflag:s14], $0x4000  }
0x73: {  	[sflag:s14] =	ssyncset.done $0x0  }
0x74: {  	s4 =	simm.s32 $0x100;
	[sflag:s14] =	ssyncadd.s32 $0xFFFFC000  }
0x75: {  	[tilespmem:s17], [sflag:$0x1] =	stream.indirect.gather [hbm4b:s3+s16], $0x80, s4, s16, $0xb8;
	[tilespmem:$0x1E400] =	vst v63  }
0x76: {  	_ =	swait.ge [sflag:s20], $0x4000  }
0x77: {  	[sflag:s20] =	ssyncset.done $0x0  }
0x78: {  	s31 =	simm.s32 $0x1480;
	[sflag:s20] =	ssyncadd.s32 $0xFFFFC000  }
0x79: {  	[spmem:s1] =	stream.indirect.scatter.add.f32 [tilespmem:s18], [sflag:$0x3], $0x80, s31, s16, $0xb8;
	[tilespmem:$0x1E400] =	vst v63  }
0x7a: {  	_ =	swait.ge [sflag:s14], $0x4000  }
0x7b: {  	s30 =	simm.s32 $0x800;
	s29 =	simm.s32 $0x100;
	[sflag:s14] =	ssyncset.done $0x0  }
.LBB2_4:
0x7c: {  	s0 =	sadd.s32 $0x80, s29  }
0x7d: {  	[sflag:s14] =	ssyncadd.s32 $0xFFFFC000;
	s4 =	smov.u32 s30;
	s31 =	sadd.s32 $0x400, s30  }
0x7e: {  	[tilespmem:s18], [sflag:$0x2] =	stream.indirect.gather [hbm4b:s3+s16], $0x80, s0, s16, $0xb8;
	[tilespmem:$0x1E400] =	vst v63  }
0x7f: {  	p1 =	sne.s32 s30, $0x4800;
	_ =	swait.ge [sflag:s19], $0x4000  }
0x80: {  	[sflag:s19] =	ssyncset.done $0x0  }
0x81: {  	s0 =	sadd.s32 $0x1400, s29;
	[sflag:s19] =	ssyncadd.s32 $0xFFFFC000  }
0x82: {  	[spmem:s1] =	stream.indirect.scatter.add.f32 [tilespmem:s17], [sflag:$0x3], $0x80, s0, s16, $0xb8;
	[tilespmem:$0x1E400] =	vst v63  }
0x83: {  	_ =	swait.ge [sflag:s14], $0x4000  }
0x84: {  	[sflag:s14] =	ssyncset.done $0x0  }
0x85: {  	s0 =	sadd.s32 $0x100, s29;
	[sflag:s14] =	ssyncadd.s32 $0xFFFFC000  }
0x86: {  	[tilespmem:s17], [sflag:$0x1] =	stream.indirect.gather [hbm4b:s3+s16], $0x80, s0, s16, $0xb8;
	[tilespmem:$0x1E400] =	vst v63  }
0x87: {  	_ =	swait.ge [sflag:s20], $0x4000  }
.Ltmp1:
0x88: {  	[sflag:s20] =	ssyncset.done $0x0;
	(pc) =	sbr.rel @p1 .LBB2_4-.Ltmp1, $4  }
0x89: {  	s0 =	sadd.s32 $0x1480, s29;
	[sflag:s20] =	ssyncadd.s32 $0xFFFFC000  }
0x8a: {  	[spmem:s1] =	stream.indirect.scatter.add.f32 [tilespmem:s18], [sflag:$0x3], $0x80, s0, s16, $0xb8;
	[tilespmem:$0x1E400] =	vst v63  }
0x8b: {  	_ =	swait.ge [sflag:s14], $0x4000  }
0x8c: {  	s30 =	smov.u32 s31;
	s29 =	sshra.s32 s4, $0x2;
	[sflag:s14] =	ssyncset.done $0x0  }
0x8d: {  	s0 =	sadd.s32 $0x80, s29;
	[sflag:s14] =	ssyncadd.s32 $0xFFFFC000  }
0x8e: {  	[tilespmem:s18], [sflag:$0x2] =	stream.indirect.gather [hbm4b:s3+s16], $0x80, s0, s16, $0xb8;
	[tilespmem:$0x1E400] =	vst v63  }
0x8f: {  	_ =	swait.ge [sflag:s19], $0x4000  }
0x90: {  	[sflag:s19] =	ssyncset.done $0x0  }
0x91: {  	s4 =	sadd.s32 $0x1400, s29;
	[sflag:s19] =	ssyncadd.s32 $0xFFFFC000  }
0x92: {  	[spmem:s1] =	stream.indirect.scatter.add.f32 [tilespmem:s17], [sflag:$0x3], $0x80, s4, s16, $0xb8;
	[tilespmem:$0x1E400] =	vst v63  }
0x93: {  	_ =	swait.ge [sflag:s14], $0x4000  }
0x94: {  	[sflag:s14] =	ssyncset.done $0x0  }
0x95: {  	s30 =	sadd.s32 $0x100, s29;
	[sflag:s14] =	ssyncadd.s32 $0xFFFFC000  }
0x96: {  	[tilespmem:s17], [sflag:$0x1] =	stream.indirect.gather [hbm4b:s3+s16], $0x80, s30, s16, $0xb8;
	[tilespmem:$0x1E400] =	vst v63  }
0x97: {  	_ =	swait.ge [sflag:s20], $0x4000  }
0x98: {  	[sflag:s20] =	ssyncset.done $0x0  }
0x99: {  	s31 =	sadd.s32 $0x1480, s29;
	[sflag:s20] =	ssyncadd.s32 $0xFFFFC000  }
0x9a: {  	[spmem:s1] =	stream.indirect.scatter.add.f32 [tilespmem:s18], [sflag:$0x3], $0x80, s31, s16, $0xb8;
	[tilespmem:$0x1E400] =	vst v63  }
0x9b: {  	_ =	swait.ge [sflag:s14], $0x4000  }
0x9c: {  	[sflag:s14] =	ssyncset.done $0x0  }
0x9d: {  	[sflag:s14] =	ssyncadd.s32 $0xFFFFC000  }
0x9e: {  	[tilespmem:s18], [sflag:$0x2] =	stream.indirect.gather [hbm4b:s3+s16], $0x80, s21, s16, $0xb8;
	[tilespmem:$0x1E400] =	vst v63  }
0x9f: {  	_ =	swait.ge [sflag:s19], $0x4000  }
0xa0: {  	[sflag:s19] =	ssyncset.done $0x0  }
0xa1: {  	[sflag:s19] =	ssyncadd.s32 $0xFFFFC000  }
0xa2: {  	[spmem:s1] =	stream.indirect.scatter.add.f32 [tilespmem:s17], [sflag:$0x3], $0x80, s22, s16, $0xb8;
	[tilespmem:$0x1E400] =	vst v63  }
0xa3: {  	_ =	swait.ge [sflag:s14], $0x4000  }
0xa4: {  	[sflag:s14] =	ssyncset.done $0x0  }
0xa5: {  	[sflag:s14] =	ssyncadd.s32 $0xFFFFC000  }
0xa6: {  	_ =	swait.ge [sflag:s20], $0x4000  }
0xa7: {  	[sflag:s20] =	ssyncset.done $0x0  }
0xa8: {  	[sflag:s20] =	ssyncadd.s32 $0xFFFFC000  }
0xa9: {  	[spmem:s1] =	stream.indirect.scatter.add.f32 [tilespmem:s18], [sflag:$0x3], $0x80, s26, s16, $0xb8;
	[tilespmem:$0x1E400] =	vst v63  }
0xaa: {  	_ =	swait.ge [sflag:s14], $0x4000  }
0xab: {  	[sflag:s14] =	ssyncset.done $0x0  }
0xac: {  	[sflag:s14] =	ssyncadd.s32 $0xFFFFC000  }
0xad: {  	s0 =	sadd.s32 @p0 $0x24900, s11;
	[bflag:$0x0] =	sbarrier.arrive $0xFFFF  }
0xae: {  	[hbm:s0], [sflag:s6] =	dma.local @p0 [spmem:s23], $0x2800  }
0xaf: {  	s0 =	simm.s32 @p0 $0x3  }
0xb0: {  	s28 =	sadd.s32 $0x1, s28;
	_ =	swait.ge @p0 [sflag:s0], $0x2800  }
0xb1: {  	p1 =	sne.s32 s28, s12;
	[sflag:s0] =	ssyncset.done @p0 $0x0  }
.Ltmp2:
0xb2: {  	[sflag:s0] =	ssyncadd.s32 @p0 $0xFFFFD800;
	s0 =	simm.s32 @!p0 $0x3;
	(pc) =	sbr.rel @p1 .LBB2_1-.Ltmp2, $4  }
0xb3: {  	[hbm:s24], [sflag:s6] =	dma.local @!p0 [spmem:s25], $0x2700  }
0xb4: {  	_ =	swait.ge @!p0 [sflag:s0], $0x2700  }
0xb5: {  	[sflag:s0] =	ssyncset.done @!p0 $0x0  }
0xb6: {  	[sflag:s0] =	ssyncadd.s32 @!p0 $0xFFFFD900  }
0xb7: {  	_ =	sfence.sel $0x180000  }
0xb8: {  	[bflag:$0x0] =	sbarrier.arrive $0xFFFF  }
0xb9: {  	_ =	strace $0x90000047  }
0xba: {  	s0 =	stileid.u32;
	[bflag:$0x2] =	sbarrier.arrive $0xFFFF  }
0xbb: {  	p0 =	sne.s32 s0, $0x0;
	s0 =	rddreg [dreg:$0x2]  }
0xbc: {  	s0 =	sadd.s32 @!p0 $0x100000, s0  }
0xbd: {  	[sflag:s0] =	ssyncadd.tile.s32 @!p0 $0x1;
	_ =	shalt  }
.Lfunc_end2:
_tile_overlayer_lowered:
.L_overlay_start_2:
0xbe: {  	(tag) =	ssettag $0x2  }
0xbf: {  	s0 =	rddreg [dreg:$0x0];
	s2 =	stileid.u32  }
0xc0: {  	s1 =	rddreg [dreg:$0x1];
	p0 =	sne.s32 s2, $0x0  }
0xc1: {  	s3 =	rddreg [dreg:$0x2];
	[bflag:$0x3] =	sbarrier.arrive $0xFFFF;
	s2 =	simm.s32 @!p0 $0x1C03  }
0xc2: {  	[timem:s3], [sflag:s2] =	dma.local @!p0 [hbm:s0], s1  }
0xc3: {  	s0 =	simm.s32 @!p0 $0x3  }
0xc4: {  	_ =	swait.ge @!p0 [sflag:s0], s1  }
0xc5: {  	s1 =	ssub.s32 @!p0 $0x0, s1;
	[sflag:s0] =	ssyncset.done @!p0 $0x0  }
0xc6: {  	[sflag:s0] =	ssyncadd.s32 @!p0 s1  }
0xc7: {  	[bflag:$0x3] =	sbarrier.arrive $0xFFFF  }
0xc8: {  	_ =	shalt  }

// kernel: kernel.13.cloned.1.call-start
scs
__scs_entry_jumppad:
0x0: {  	(pc) =	sbr.rel $0x88, $3  }
0x1: {  	(tag) =	ssettag $0x0;
	lr =	simm.s32 $0x1  }
0x2: {  	[smem:$0x3F8D] =	sst lr;
	_ =	strace $0xD0000000  }
0x3: {  	_ = 	snop  }
0x4: {  	_ = 	snop  }
0x5: {  	_ = 	snop  }
0x6: {  	_ = 	snop  }
0x7: {  	_ = 	snop  }
__scs_overlays_trampoline_lowered:
0x8: {  	[smem:$0x3F9C] =	sst s0  }
0x9: {  	[smem:$0x3F9D] =	sst s1  }
0xa: {  	[smem:$0x3F9E] =	sst s2  }
0xb: {  	[smem:$0x3F9F] =	sst s3  }
0xc: {  	[smem:$0x3FA0] =	sst s4  }
0xd: {  	[smem:$0x3FA1] =	sst s5  }
0xe: {  	[smem:$0x3FA2] =	sst s6  }
0xf: {  	[smem:$0x3FA3] =	sst s7  }
0x10: {  	[smem:$0x3FA4] =	sst s8  }
0x11: {  	[smem:$0x3FA5] =	sst s9;
	s0 =	simm.s32 @!p0 $0x0  }
0x12: {  	s1 =	sld [smem:$0x3F8B];
	s0 =	simm.s32 @p0 $0x1  }
0x13: {  	[smem:$0x3FA6] =	sst s0;
	s0 =	simm.s32 @!p1 $0x0  }
0x14: {  	s2 =	sld [smem:$0x3F8A];
	s0 =	simm.s32 @p1 $0x1  }
0x15: {  	[smem:$0x3FA7] =	sst s0;
	s0 =	simm.s32 @!p2 $0x0  }
0x16: {  	s3 =	sld [smem:$0x3FDB];
	s0 =	simm.s32 @p2 $0x1  }
0x17: {  	s4 =	simm.s32 $0x1BF5;
	[smem:$0x3FA9] =	sst s0  }
0x18: {  	s0 =	sld [smem:$0x3F8C];
	_ =	swait.ge [sflag:s4], $0x0  }
0x19: {  	s7 =	sld [smem:$0x3F8D]  }
0x1a: {  	s8 =	sadd.s32 $0xFFFFE003, lr  }
0x1b: {  	s9 =	sadd.s32 $0xFFFFFEF7, lr;
	s5 =	simm.s32 $0xFFFFFFFF;
	p2 =	slt.u32 s8, $0xFFFFF086  }
0x1c: {  	p1 =	slt.u32 s9, $0xF7A;
	s5 =	simm.s32 @!p2 $0x0  }
0x1d: {  	s5 =	simm.s32 @p1 $0x1;
	p0 =	seq.s32 s7, s2  }
0x1e: {  	s7 =	smul.u32 @!p0 $0xF7A, s2;
	p2 =	seq.s32 @!p0 s5, $0x0  }
0x1f: {  	s9 =	smul.u32 $0xF7A, s1;
	s8 =	simm.s32 @!p0 $0x1BF5;
	p2 =	por !p2, p0  }
0x20: {  	[sflag:s8] =	ssyncset.s32 @!p0 $0xFFFFF086;
	s6 =	sadd.s32 @!p0 s3, s7;
	s7 =	simm.s32 @!p0 $0x108  }
0x21: {  	s3 =	sadd.s32 s3, s9;
	s6 =	sadd.s32 @!p0 $0x88, s6;
	s7 =	simm.s32 @p2 $0x1082  }
0x22: {  	[simem:s7], [sflag:s8] =	dma.local @!p0 [hbm:s6], $0xF7A  }
0x23: {  	s9 =	sor.u32 $0xD0000000, s2;
	s6 =	simm.s32 $0x108;
	_ =	swait.ge @!p0 [sflag:s8], $0x0  }
0x24: {  	s3 =	sadd.s32 $0x88, s3;
	s6 =	simm.s32 @!p1 $0x1082;
	[sflag:s4] =	ssyncset.s32 $0xFFFFF086  }
0x25: {  	[simem:s6], [sflag:s4] =	dma.local [hbm:s3], $0xF7A  }
0x26: {  	[smem:$0x3F8D] =	sst s1;
	(tag) =	ssettag s2;
	_ =	strace s9  }
0x27: {  	s1 =	sld [smem:$0x3F9D]  }
0x28: {  	s2 =	sld [smem:$0x3F9E]  }
0x29: {  	s4 =	sld [smem:$0x3FA0]  }
0x2a: {  	p0 =	seq.s32 s5, $0x0;
	s5 =	sld [smem:$0x3FA1]  }
0x2b: {  	s6 =	sld [smem:$0x3FA2]  }
0x2c: {  	s7 =	sld [smem:$0x3FA3]  }
0x2d: {  	s3 =	simm.s32 $0x108;
	s8 =	sld [smem:$0x3FA4]  }
0x2e: {  	s3 =	simm.s32 @!p0 $0x1082;
	s9 =	sld [smem:$0x3FA5]  }
0x2f: {  	lr =	sadd.s32 s0, s3;
	s0 =	sld [smem:$0x3F9C]  }
0x30: {  	s3 =	sld [smem:$0x3F9F]  }
0x31: {  	[smem:$0x3FA8] =	sst s10  }
0x32: {  	s10 =	sld [smem:$0x3FA6];
	_ =	sdelay $0x3  }
0x33: {  	p0 =	seq.s32 s10, $0x1;
	s10 =	sld [smem:$0x3FA8];
	_ =	sdelay $0x3  }
0x34: {  	[smem:$0x3FA8] =	sst s10  }
0x35: {  	s10 =	sld [smem:$0x3FA7];
	_ =	sdelay $0x3  }
0x36: {  	p1 =	seq.s32 s10, $0x1;
	s10 =	sld [smem:$0x3FA8];
	_ =	sdelay $0x3  }
0x37: {  	[smem:$0x3FA8] =	sst s10  }
0x38: {  	s10 =	sld [smem:$0x3FA9]  }
0x39: {  	_ = 	snop;
	(pc) =	sbr.ind lr, $3  }
0x3a: {  	_ = 	snop  }
0x3b: {  	_ = 	snop  }
0x3c: {  	p2 =	seq.s32 s10, $0x1;
	s10 =	sld [smem:$0x3FA8]  }
0x3d: {  	_ =	shalt  }
0x3e: {  	_ =	shalt  }
0x3f: {  	_ =	shalt  }
0x40: {  	_ =	shalt  }
0x41: {  	_ =	shalt  }
0x42: {  	_ =	shalt  }
0x43: {  	_ =	shalt  }
0x44: {  	_ =	shalt  }
0x45: {  	_ =	shalt  }
0x46: {  	_ =	shalt  }
0x47: {  	_ =	shalt  }
0x48: {  	_ =	shalt  }
0x49: {  	_ =	shalt  }
0x4a: {  	_ =	shalt  }
0x4b: {  	_ =	shalt  }
0x4c: {  	_ =	shalt  }
0x4d: {  	_ =	shalt  }
0x4e: {  	_ =	shalt  }
0x4f: {  	_ =	shalt  }
0x50: {  	_ =	shalt  }
0x51: {  	_ =	shalt  }
0x52: {  	_ =	shalt  }
0x53: {  	_ =	shalt  }
0x54: {  	_ =	shalt  }
0x55: {  	_ =	shalt  }
0x56: {  	_ =	shalt  }
0x57: {  	_ =	shalt  }
0x58: {  	_ =	shalt  }
0x59: {  	_ =	shalt  }
0x5a: {  	_ =	shalt  }
0x5b: {  	_ =	shalt  }
0x5c: {  	_ =	shalt  }
0x5d: {  	_ =	shalt  }
0x5e: {  	_ =	shalt  }
0x5f: {  	_ =	shalt  }
0x60: {  	_ =	shalt  }
0x61: {  	_ =	shalt  }
0x62: {  	_ =	shalt  }
0x63: {  	_ =	shalt  }
0x64: {  	_ =	shalt  }
0x65: {  	_ =	shalt  }
0x66: {  	_ =	shalt  }
0x67: {  	_ =	shalt  }
0x68: {  	_ =	shalt  }
0x69: {  	_ =	shalt  }
0x6a: {  	_ =	shalt  }
0x6b: {  	_ =	shalt  }
0x6c: {  	_ =	shalt  }
0x6d: {  	_ =	shalt  }
0x6e: {  	_ =	shalt  }
0x6f: {  	_ =	shalt  }
0x70: {  	_ =	shalt  }
0x71: {  	_ =	shalt  }
0x72: {  	_ =	shalt  }
0x73: {  	_ =	shalt  }
0x74: {  	_ =	shalt  }
0x75: {  	_ =	shalt  }
0x76: {  	_ =	shalt  }
0x77: {  	_ =	shalt  }
0x78: {  	_ =	shalt  }
0x79: {  	_ =	shalt  }
0x7a: {  	_ =	shalt  }
0x7b: {  	_ =	shalt  }
0x7c: {  	_ =	shalt  }
0x7d: {  	_ =	shalt  }
0x7e: {  	_ =	shalt  }
0x7f: {  	_ =	shalt  }
0x80: {  	_ =	shalt  }
0x81: {  	_ =	shalt  }
0x82: {  	_ =	shalt  }
0x83: {  	_ =	shalt  }
0x84: {  	_ =	shalt  }
0x85: {  	_ =	shalt  }
0x86: {  	_ =	shalt  }
0x87: {  	_ =	shalt  }
.Lfunc_end0:
.L_simem_size_0:
called_computation.1_lowered:
.L_overlay_start_0:
0x88: {  	s2 =	sld [smem:$0x3FD9]  }
0x89: {  	s3 =	sld [smem:$0x3FFE];
	_ =	sdelay $0x1  }
0x8a: {  	s1 =	srdreg.scid  }
0x8b: {  	s0 =	sand.u32 $0x1, s1  }
0x8c: {  	s16 =	sshll.u32 s0, $0xA;
	s2 =	sadd.s32 s3, s2  }
0x8d: {  	s2 =	sadd.s32 s2, s16  }
0x8e: {  	[smem:$0x3FB4] =	sst s2  }
0x8f: {  	_ = 	snop  }
0x90: {  	(tm) =	ssettm $0x1  }
0x91: {  	s17 =	sld [smem:$0x3FFB];
	_ =	sdelay $0x3  }
0x92: {  	_ =	strace s17  }
0x93: {  	s2 =	sld [smem:$0x3FFC];
	_ =	sdelay $0x3  }
0x94: {  	_ =	strace s2  }
0x95: {  	s2 =	sld [smem:$0x3FFD];
	_ =	sdelay $0x3  }
0x96: {  	_ =	strace s2  }
0x97: {  	_ =	strace $0x8FFFFFFF  }
0x98: {  	s18 =	sld [smem:$0x3FDB];
	_ =	sdelay $0x1  }
0x99: {  	s19 =	simm.s32 $_scs_section_size  }
0x9a: {  	s4 =	simm.s32 $_size__tile_overlayer_lowered;
	s5 =	simm.s32 $_tile_overlayer_lowered  }
0x9b: {  	s22 =	simm.s32 $0x1BFF;
	s21 =	sshll.u32 s5, $0x1;
	s2 =	sadd.s32 s19, s18  }
0x9c: {  	s6 =	simm.s32 $0x0;
	s20 =	sshll.u32 s4, $0x1;
	s4 =	sadd.s32 s21, s2  }
0x9d: {  	[timem:s6], [sflag:s22] =	dma.local [hbm:s4], s20  }
0x9e: {  	_ =	swait.ge [sflag:s22], s20  }
0x9f: {  	s3 =	ssub.s32 $0x0, s20;
	[sflag:s22] =	ssyncset.done $0x0  }
0xa0: {  	[sflag:s22] =	ssyncadd.s32 s3;
	_ =	sdelay $0x1  }
0xa1: {  	s23 =	simm.s32 $0x1B8B  }
0xa2: {  	_ =	swait.ge [sflag:s23], $0x1  }
0xa3: {  	[sflag:s23] =	ssyncset.done $0x0  }
0xa4: {  	s25 =	simm.s32 $0x1B8E;
	s24 =	sld [smem:$0x3FFE];
	[sflag:s23] =	ssyncadd.s32 $0xFFFFFFFF  }
0xa5: {  	s26 =	simm.s32 $execute0_lowered;
	[smem:$0x3FD2] =	sst s25  }
0xa6: {  	s4 =	sshll.u32 s26, $0x1;
	_ =	strace $0x80000049;
	[dreg:$0x1] =	wrdreg $0xFFFFFFFF  }
0xa7: {  	s28 =	simm.s32 $_size_execute0_lowered;
	s2 =	sadd.s32 s2, s4;
	[dreg:$0x0] =	wrdreg $0x0  }
0xa8: {  	s4 =	sshll.u32 s28, $0x1;
	[dreg:$0x2] =	wrdreg s2  }
0xa9: {  	[dreg:$0x3] =	wrdreg s4  }
0xaa: {  	[dreg:$0x4] =	wrdreg $0xC0  }
0xab: {  	_ =	task [dreg:s6], $0x5FFFF  }
0xac: {  	[dreg:$0x1] =	wrdreg $0xFFFFFFFF  }
0xad: {  	[dreg:$0x0] =	wrdreg $0x60  }
0xae: {  	[dreg:$0x2] =	wrdreg s24  }
0xaf: {  	[dreg:$0x3] =	wrdreg $0xA8000  }
0xb0: {  	[dreg:$0x4] =	wrdreg $0x9  }
0xb1: {  	_ =	task.clear_ibuf [dreg:s6], $0x5FFFF;
	_ =	strace $0x90000049  }
0xb2: {  	s29 =	simm.s32 $0x9;
	_ =	strace $0x8000004B  }
0xb3: {  	_ =	swait.ge [sflag:s29], $0x1  }
0xb4: {  	[sflag:s29] =	ssyncadd.s32 $0xFFFFFFFF  }
0xb5: {  	_ =	strace $0x9000004B  }
0xb6: {  	_ =	sfence  }
0xb7: {  	s30 =	sld [smem:$0x0];
	_ =	sdelay $0x2  }
0xb8: {  	s31 =	sshll.u32 s1, $0xD;
	s1 =	sshrl.u32 s1, $0x2  }
0xb9: {  	s3 =	sand.u32 $0x4000, s31;
	s1 =	sadd.s32 s1, s30  }
0xba: {  	s0 =	sor.u32 s3, s0;
	s1 =	sshll.u32 s1, $0x11  }
0xbb: {  	s0 =	sor.u32 s1, s0  }
0xbc: {  	s0 =	sadd.s32 $0x8F2B, s0  }
0xbd: {  	[sflag:s0] =	ssyncadd.remote.s32 $0x1  }
0xbe: {  	_ =	sfence.sel $0xFFFF  }
0xbf: {  	[dreg:$0x0] =	wrdreg $0xFFFFFFFF;
	(pc) =	sbr.abs _section_cstart, $3  }
0xc0: {  	[dreg:$0x1] =	wrdreg $0xFFFFFFFF  }
0xc1: {  	_ =	task.clear_ibuf [dreg:s6], $0x2FFFF;
	_ =	strace $0x9FFFFFFF  }
0xc2: {  	(tm) =	ssettm $0x7FFFFFFF  }
0xc3: {  	_ =	shalt  }
tec
execute0_lowered:
.L_overlay_start_1:
0x0: {  	(tag) =	ssettag $0x1  }
0x1: {  	s6 =	rddreg [dreg:$0x0]  }
0x2: {  	s1 =	rddreg [dreg:$0x1];
	s2 =	simm.s32 $0x0;
	s4 =	srdreg.scid  }
0x3: {  	s0 =	stileid.u32;
	s17 =	simm.s32 $0x2800;
	s18 =	simm.s32 $0x6800  }
0x4: {  	s19 =	simm.s32 $0x1;
	s20 =	simm.s32 $0x2;
	s21 =	simm.s32 $0x1380  }
0x5: {  	s28 =	simm.s32 $0x0;
	[smem:$0x7FF] =	sst s2;
	s3 =	sadd.s32 $0x18A00, s6  }
0x6: {  	s9 =	sadd.s32 $0xEA00, s6;
	s10 =	sadd.s32 $0x4A00, s6;
	s7 =	sand.u32 $0x1, s4  }
0x7: {  	s5 =	sadd.s32 $0x3FC00, s6;
	s12 =	smul.u32 $0x4F000, s0;
	s25 =	sshll.u32 s0, $0x6  }
0x8: {  	s16 =	smul.u32 $0x4E000, s0;
	p0 =	seq.s32 s0, $0xF;
	_ =	strace $0x8000004A  }
0x9: {  	s8 =	smul.u32 $0x27100, s7;
	s11 =	ssub.s32 $0x2, s7;
	s7 =	sshll.u32 s7, $0x4  }
0xa: {  	s22 =	sshrl.u32 s11, $0x1;
	s7 =	sor.u32 s0, s7;
	s23 =	sshrl.u32 s12, $0x2  }
0xb: {  	s31 =	sshrl.u32 s16, $0x2;
	s16 =	simm.s32 $0x80;
	s13 =	sadd.s32 s8, s6  }
0xc: {  	s14 =	ssub.s32 s11, s22;
	s24 =	smul.u32 $0x2800, s7;
	s15 =	sadd.s32 s23, s1  }
0xd: {  	s26 =	smul.u32 $0x500, s7;
	s6 =	sor.u32 $0x1C03, s25;
	s25 =	sadd.s32 s31, s1  }
0xe: {  	s23 =	sadd.s32 $0x124800, s1;
	s22 =	simm.s32 $0x2700;
	s11 =	sadd.s32 $0x42400, s13  }
0xf: {  	s12 =	smax.u32 s14, $0x1;
	s13 =	sshrl.u32 s15, $0x3;
	s14 =	simm.s32 $0x3  }
0x10: {  	s15 =	simm.s32 $0x1400;
	s23 =	sshrl.u32 @p0 s23, $0x3;
	s25 =	sshrl.u32 @!p0 s25, $0x3  }
0x11: {  	s29 =	sshrl.u32 s24, $0x3;
	s7 =	sadd.s32 s9, s26;
	s24 =	smul.u32 $0x2700, s0  }
0x12: {  	s8 =	sadd.s32 s10, s26;
	s26 =	simm.s32 $0x2780;
	s30 =	sadd.s32 $0x280, s29  }
0x13: {  	s9 =	sadd.s32 s9, s30;
	s10 =	sadd.s32 s10, s30;
	s24 =	sadd.s32 @!p0 s24, s11  }
.LBB2_1:
0x14: {  	[spmem:s13], [sflag:s6] =	dma.local [hbm:s5], $0x2780  }
0x15: {  	_ =	swait.ge [sflag:s14], $0x2780  }
0x16: {  	[sflag:s14] =	ssyncset.done $0x0  }
0x17: {  	[sflag:s14] =	ssyncadd.s32 $0xFFFFD880  }
0x18: {  	[bflag:$0x0] =	sbarrier.arrive $0xFFFF  }
0x19: {  	[tilespmem:s2], [sflag:$0x3] =	stream.linear.gather [hbm4b:s7+s2], $0x1400, $0x38;
	[tilespmem:$0x1E400] =	vst v63  }
0x1a: {  	_ =	swait.ge [sflag:s14], $0x1400  }
0x1b: {  	[sflag:s14] =	ssyncset.done $0x0  }
0x1c: {  	[sflag:s14] =	ssyncadd.s32 $0xFFFFEC00  }
0x1d: {  	[tilespmem:s15], [sflag:$0x3] =	stream.linear.gather [hbm4b:s8+s2], $0x1400, $0x38;
	[tilespmem:$0x1E400] =	vst v63  }
0x1e: {  	_ =	swait.ge [sflag:s14], $0x1400  }
0x1f: {  	[sflag:s14] =	ssyncset.done $0x0  }
0x20: {  	[sflag:s14] =	ssyncadd.s32 $0xFFFFEC00  }
0x21: {  	[tilespmem:s17], [sflag:$0x1] =	stream.indirect.gather [hbm4b:s3+s16], $0x80, s2, s16, $0xb8;
	[tilespmem:$0x1E400] =	vst v63  }
0x22: {  	s29 =	simm.s32 $0x80  }
0x23: {  	[tilespmem:s18], [sflag:$0x2] =	stream.indirect.gather [hbm4b:s3+s16], $0x80, s29, s16, $0xb8;
	[tilespmem:$0x1E400] =	vst v63  }
0x24: {  	_ =	swait.ge [sflag:s19], $0x4000  }
0x25: {  	[sflag:s19] =	ssyncset.done $0x0  }
0x26: {  	s29 =	simm.s32 $0x1400;
	[sflag:s19] =	ssyncadd.s32 $0xFFFFC000  }
0x27: {  	[spmem:s1] =	stream.indirect.scatter.add.f32 [tilespmem:s17], [sflag:$0x3], $0x80, s29, s16, $0xb8;
	[tilespmem:$0x1E400] =	vst v63  }
0x28: {  	_ =	swait.ge [sflag:s14], $0x4000  }
0x29: {  	[sflag:s14] =	ssyncset.done $0x0  }
0x2a: {  	s29 =	simm.s32 $0x100;
	[sflag:s14] =	ssyncadd.s32 $0xFFFFC000  }
0x2b: {  	[tilespmem:s17], [sflag:$0x1] =	stream.indirect.gather [hbm4b:s3+s16], $0x80, s29, s16, $0xb8;
	[tilespmem:$0x1E400] =	vst v63  }
0x2c: {  	_ =	swait.ge [sflag:s20], $0x4000  }
0x2d: {  	[sflag:s20] =	ssyncset.done $0x0  }
0x2e: {  	s29 =	simm.s32 $0x1480;
	[sflag:s20] =	ssyncadd.s32 $0xFFFFC000  }
0x2f: {  	[spmem:s1] =	stream.indirect.scatter.add.f32 [tilespmem:s18], [sflag:$0x3], $0x80, s29, s16, $0xb8;
	[tilespmem:$0x1E400] =	vst v63  }
0x30: {  	_ =	swait.ge [sflag:s14], $0x4000  }
0x31: {  	s30 =	simm.s32 $0x800;
	s29 =	simm.s32 $0x100;
	[sflag:s14] =	ssyncset.done $0x0  }
.LBB2_2:
0x32: {  	s31 =	sadd.s32 $0x80, s29  }
0x33: {  	[sflag:s14] =	ssyncadd.s32 $0xFFFFC000;
	s0 =	smov.u32 s30;
	s4 =	sadd.s32 $0x400, s30  }
0x34: {  	[tilespmem:s18], [sflag:$0x2] =	stream.indirect.gather [hbm4b:s3+s16], $0x80, s31, s16, $0xb8;
	[tilespmem:$0x1E400] =	vst v63  }
0x35: {  	p1 =	sne.s32 s30, $0x4800;
	_ =	swait.ge [sflag:s19], $0x4000  }
0x36: {  	[sflag:s19] =	ssyncset.done $0x0  }
0x37: {  	s30 =	sadd.s32 $0x1400, s29;
	[sflag:s19] =	ssyncadd.s32 $0xFFFFC000  }
0x38: {  	[spmem:s1] =	stream.indirect.scatter.add.f32 [tilespmem:s17], [sflag:$0x3], $0x80, s30, s16, $0xb8;
	[tilespmem:$0x1E400] =	vst v63  }
0x39: {  	_ =	swait.ge [sflag:s14], $0x4000  }
0x3a: {  	[sflag:s14] =	ssyncset.done $0x0  }
0x3b: {  	s30 =	sadd.s32 $0x100, s29;
	[sflag:s14] =	ssyncadd.s32 $0xFFFFC000  }
0x3c: {  	[tilespmem:s17], [sflag:$0x1] =	stream.indirect.gather [hbm4b:s3+s16], $0x80, s30, s16, $0xb8;
	[tilespmem:$0x1E400] =	vst v63  }
0x3d: {  	_ =	swait.ge [sflag:s20], $0x4000  }
.Ltmp0:
0x3e: {  	[sflag:s20] =	ssyncset.done $0x0;
	(pc) =	sbr.rel @p1 .LBB2_2-.Ltmp0, $4  }
0x3f: {  	s29 =	sadd.s32 $0x1480, s29;
	[sflag:s20] =	ssyncadd.s32 $0xFFFFC000  }
0x40: {  	[spmem:s1] =	stream.indirect.scatter.add.f32 [tilespmem:s18], [sflag:$0x3], $0x80, s29, s16, $0xb8;
	[tilespmem:$0x1E400] =	vst v63  }
0x41: {  	_ =	swait.ge [sflag:s14], $0x4000  }
0x42: {  	s30 =	smov.u32 s4;
	s29 =	sshra.s32 s0, $0x2;
	[sflag:s14] =	ssyncset.done $0x0  }
0x43: {  	s0 =	sadd.s32 $0x80, s29;
	[sflag:s14] =	ssyncadd.s32 $0xFFFFC000  }
0x44: {  	[tilespmem:s18], [sflag:$0x2] =	stream.indirect.gather [hbm4b:s3+s16], $0x80, s0, s16, $0xb8;
	[tilespmem:$0x1E400] =	vst v63  }
0x45: {  	_ =	swait.ge [sflag:s19], $0x4000  }
0x46: {  	[sflag:s19] =	ssyncset.done $0x0  }
0x47: {  	s4 =	sadd.s32 $0x1400, s29;
	[sflag:s19] =	ssyncadd.s32 $0xFFFFC000  }
0x48: {  	[spmem:s1] =	stream.indirect.scatter.add.f32 [tilespmem:s17], [sflag:$0x3], $0x80, s4, s16, $0xb8;
	[tilespmem:$0x1E400] =	vst v63  }
0x49: {  	_ =	swait.ge [sflag:s14], $0x4000  }
0x4a: {  	[sflag:s14] =	ssyncset.done $0x0  }
0x4b: {  	s31 =	sadd.s32 $0x100, s29;
	[sflag:s14] =	ssyncadd.s32 $0xFFFFC000  }
0x4c: {  	[tilespmem:s17], [sflag:$0x1] =	stream.indirect.gather [hbm4b:s3+s16], $0x80, s31, s16, $0xb8;
	[tilespmem:$0x1E400] =	vst v63  }
0x4d: {  	_ =	swait.ge [sflag:s20], $0x4000  }
0x4e: {  	[sflag:s20] =	ssyncset.done $0x0  }
0x4f: {  	s4 =	sadd.s32 $0x1480, s29;
	[sflag:s20] =	ssyncadd.s32 $0xFFFFC000  }
0x50: {  	[spmem:s1] =	stream.indirect.scatter.add.f32 [tilespmem:s18], [sflag:$0x3], $0x80, s4, s16, $0xb8;
	[tilespmem:$0x1E400] =	vst v63  }
0x51: {  	_ =	swait.ge [sflag:s14], $0x4000  }
0x52: {  	[sflag:s14] =	ssyncset.done $0x0  }
0x53: {  	[sflag:s14] =	ssyncadd.s32 $0xFFFFC000  }
0x54: {  	[tilespmem:s18], [sflag:$0x2] =	stream.indirect.gather [hbm4b:s3+s16], $0x80, s21, s16, $0xb8;
	[tilespmem:$0x1E400] =	vst v63  }
0x55: {  	_ =	swait.ge [sflag:s19], $0x4000  }
0x56: {  	[sflag:s19] =	ssyncset.done $0x0  }
0x57: {  	[sflag:s19] =	ssyncadd.s32 $0xFFFFC000  }
0x58: {  	[spmem:s1] =	stream.indirect.scatter.add.f32 [tilespmem:s17], [sflag:$0x3], $0x80, s22, s16, $0xb8;
	[tilespmem:$0x1E400] =	vst v63  }
0x59: {  	_ =	swait.ge [sflag:s14], $0x4000  }
0x5a: {  	[sflag:s14] =	ssyncset.done $0x0  }
0x5b: {  	[sflag:s14] =	ssyncadd.s32 $0xFFFFC000  }
0x5c: {  	_ =	swait.ge [sflag:s20], $0x4000  }
0x5d: {  	[sflag:s20] =	ssyncset.done $0x0  }
0x5e: {  	[sflag:s20] =	ssyncadd.s32 $0xFFFFC000  }
0x5f: {  	[spmem:s1] =	stream.indirect.scatter.add.f32 [tilespmem:s18], [sflag:$0x3], $0x80, s26, s16, $0xb8;
	[tilespmem:$0x1E400] =	vst v63  }
0x60: {  	_ =	swait.ge [sflag:s14], $0x4000  }
0x61: {  	[sflag:s14] =	ssyncset.done $0x0  }
0x62: {  	s31 =	simm.s32 $0x0;
	[sflag:s14] =	ssyncadd.s32 $0xFFFFC000  }
0x63: {  	[tilespmem:s31], [sflag:$0x3] =	stream.linear.gather [hbm4b:s9+s31], $0x1400, $0x38;
	[tilespmem:$0x1E400] =	vst v63  }
0x64: {  	_ =	swait.ge [sflag:s14], $0x1400  }
0x65: {  	[sflag:s14] =	ssyncset.done $0x0  }
0x66: {  	[sflag:s14] =	ssyncadd.s32 $0xFFFFEC00  }
0x67: {  	[tilespmem:s15], [sflag:$0x3] =	stream.linear.gather [hbm4b:s10+s31], $0x1400, $0x38;
	[tilespmem:$0x1E400] =	vst v63  }
0x68: {  	_ =	swait.ge [sflag:s14], $0x1400  }
0x69: {  	[sflag:s14] =	ssyncset.done $0x0  }
0x6a: {  	[sflag:s14] =	ssyncadd.s32 $0xFFFFEC00  }
0x6b: {  	[tilespmem:s17], [sflag:$0x1] =	stream.indirect.gather [hbm4b:s3+s16], $0x80, s31, s16, $0xb8;
	[tilespmem:$0x1E400] =	vst v63  }
0x6c: {  	s4 =	simm.s32 $0x80  }
0x6d: {  	[tilespmem:s18], [sflag:$0x2] =	stream.indirect.gather [hbm4b:s3+s16], $0x80, s4, s16, $0xb8;
	[tilespmem:$0x1E400] =	vst v63  }
0x6e: {  	_ =	swait.ge [sflag:s19], $0x4000  }
0x6f: {  	[sflag:s19] =	ssyncset.done $0x0  }
0x70: {  	s31 =	simm.s32 $0x1400;
	[sflag:s19] =	ssyncadd.s32 $0xFFFFC000  }
0x71: {  	[spmem:s1] =	stream.indirect.scatter.add.f32 [tilespmem:s17], [sflag:$0x3], $0x80, s31, s16, $0xb8;
	[tilespmem:$0x1E400] =	vst v63  }
0x72: {  	_ =	swait.ge [sflag:s14], $0x4000  }
0x73: {  	[sflag:s14] =	ssyncset.done $0x0  }
0x74: {  	s4 =	simm.s32 $0x100;
	[sflag:s14] =	ssyncadd.s32 $0xFFFFC000  }
0x75: {  	[tilespmem:s17], [sflag:$0x1] =	stream.indirect.gather [hbm4b:s3+s16], $0x80, s4, s16, $0xb8;
	[tilespmem:$0x1E400] =	vst v63  }
0x76: {  	_ =	swait.ge [sflag:s20], $0x4000  }
0x77: {  	[sflag:s20] =	ssyncset.done $0x0  }
0x78: {  	s31 =	simm.s32 $0x1480;
	[sflag:s20] =	ssyncadd.s32 $0xFFFFC000  }
0x79: {  	[spmem:s1] =	stream.indirect.scatter.add.f32 [tilespmem:s18], [sflag:$0x3], $0x80, s31, s16, $0xb8;
	[tilespmem:$0x1E400] =	vst v63  }
0x7a: {  	_ =	swait.ge [sflag:s14], $0x4000  }
0x7b: {  	s30 =	simm.s32 $0x800;
	s29 =	simm.s32 $0x100;
	[sflag:s14] =	ssyncset.done $0x0  }
.LBB2_4:
0x7c: {  	s0 =	sadd.s32 $0x80, s29  }
0x7d: {  	[sflag:s14] =	ssyncadd.s32 $0xFFFFC000;
	s4 =	smov.u32 s30;
	s31 =	sadd.s32 $0x400, s30  }
0x7e: {  	[tilespmem:s18], [sflag:$0x2] =	stream.indirect.gather [hbm4b:s3+s16], $0x80, s0, s16, $0xb8;
	[tilespmem:$0x1E400] =	vst v63  }
0x7f: {  	p1 =	sne.s32 s30, $0x4800;
	_ =	swait.ge [sflag:s19], $0x4000  }
0x80: {  	[sflag:s19] =	ssyncset.done $0x0  }
0x81: {  	s0 =	sadd.s32 $0x1400, s29;
	[sflag:s19] =	ssyncadd.s32 $0xFFFFC000  }
0x82: {  	[spmem:s1] =	stream.indirect.scatter.add.f32 [tilespmem:s17], [sflag:$0x3], $0x80, s0, s16, $0xb8;
	[tilespmem:$0x1E400] =	vst v63  }
0x83: {  	_ =	swait.ge [sflag:s14], $0x4000  }
0x84: {  	[sflag:s14] =	ssyncset.done $0x0  }
0x85: {  	s0 =	sadd.s32 $0x100, s29;
	[sflag:s14] =	ssyncadd.s32 $0xFFFFC000  }
0x86: {  	[tilespmem:s17], [sflag:$0x1] =	stream.indirect.gather [hbm4b:s3+s16], $0x80, s0, s16, $0xb8;
	[tilespmem:$0x1E400] =	vst v63  }
0x87: {  	_ =	swait.ge [sflag:s20], $0x4000  }
.Ltmp1:
0x88: {  	[sflag:s20] =	ssyncset.done $0x0;
	(pc) =	sbr.rel @p1 .LBB2_4-.Ltmp1, $4  }
0x89: {  	s0 =	sadd.s32 $0x1480, s29;
	[sflag:s20] =	ssyncadd.s32 $0xFFFFC000  }
0x8a: {  	[spmem:s1] =	stream.indirect.scatter.add.f32 [tilespmem:s18], [sflag:$0x3], $0x80, s0, s16, $0xb8;
	[tilespmem:$0x1E400] =	vst v63  }
0x8b: {  	_ =	swait.ge [sflag:s14], $0x4000  }
0x8c: {  	s30 =	smov.u32 s31;
	s29 =	sshra.s32 s4, $0x2;
	[sflag:s14] =	ssyncset.done $0x0  }
0x8d: {  	s0 =	sadd.s32 $0x80, s29;
	[sflag:s14] =	ssyncadd.s32 $0xFFFFC000  }
0x8e: {  	[tilespmem:s18], [sflag:$0x2] =	stream.indirect.gather [hbm4b:s3+s16], $0x80, s0, s16, $0xb8;
	[tilespmem:$0x1E400] =	vst v63  }
0x8f: {  	_ =	swait.ge [sflag:s19], $0x4000  }
0x90: {  	[sflag:s19] =	ssyncset.done $0x0  }
0x91: {  	s4 =	sadd.s32 $0x1400, s29;
	[sflag:s19] =	ssyncadd.s32 $0xFFFFC000  }
0x92: {  	[spmem:s1] =	stream.indirect.scatter.add.f32 [tilespmem:s17], [sflag:$0x3], $0x80, s4, s16, $0xb8;
	[tilespmem:$0x1E400] =	vst v63  }
0x93: {  	_ =	swait.ge [sflag:s14], $0x4000  }
0x94: {  	[sflag:s14] =	ssyncset.done $0x0  }
0x95: {  	s30 =	sadd.s32 $0x100, s29;
	[sflag:s14] =	ssyncadd.s32 $0xFFFFC000  }
0x96: {  	[tilespmem:s17], [sflag:$0x1] =	stream.indirect.gather [hbm4b:s3+s16], $0x80, s30, s16, $0xb8;
	[tilespmem:$0x1E400] =	vst v63  }
0x97: {  	_ =	swait.ge [sflag:s20], $0x4000  }
0x98: {  	[sflag:s20] =	ssyncset.done $0x0  }
0x99: {  	s31 =	sadd.s32 $0x1480, s29;
	[sflag:s20] =	ssyncadd.s32 $0xFFFFC000  }
0x9a: {  	[spmem:s1] =	stream.indirect.scatter.add.f32 [tilespmem:s18], [sflag:$0x3], $0x80, s31, s16, $0xb8;
	[tilespmem:$0x1E400] =	vst v63  }
0x9b: {  	_ =	swait.ge [sflag:s14], $0x4000  }
0x9c: {  	[sflag:s14] =	ssyncset.done $0x0  }
0x9d: {  	[sflag:s14] =	ssyncadd.s32 $0xFFFFC000  }
0x9e: {  	[tilespmem:s18], [sflag:$0x2] =	stream.indirect.gather [hbm4b:s3+s16], $0x80, s21, s16, $0xb8;
	[tilespmem:$0x1E400] =	vst v63  }
0x9f: {  	_ =	swait.ge [sflag:s19], $0x4000  }
0xa0: {  	[sflag:s19] =	ssyncset.done $0x0  }
0xa1: {  	[sflag:s19] =	ssyncadd.s32 $0xFFFFC000  }
0xa2: {  	[spmem:s1] =	stream.indirect.scatter.add.f32 [tilespmem:s17], [sflag:$0x3], $0x80, s22, s16, $0xb8;
	[tilespmem:$0x1E400] =	vst v63  }
0xa3: {  	_ =	swait.ge [sflag:s14], $0x4000  }
0xa4: {  	[sflag:s14] =	ssyncset.done $0x0  }
0xa5: {  	[sflag:s14] =	ssyncadd.s32 $0xFFFFC000  }
0xa6: {  	_ =	swait.ge [sflag:s20], $0x4000  }
0xa7: {  	[sflag:s20] =	ssyncset.done $0x0  }
0xa8: {  	[sflag:s20] =	ssyncadd.s32 $0xFFFFC000  }
0xa9: {  	[spmem:s1] =	stream.indirect.scatter.add.f32 [tilespmem:s18], [sflag:$0x3], $0x80, s26, s16, $0xb8;
	[tilespmem:$0x1E400] =	vst v63  }
0xaa: {  	_ =	swait.ge [sflag:s14], $0x4000  }
0xab: {  	[sflag:s14] =	ssyncset.done $0x0  }
0xac: {  	[sflag:s14] =	ssyncadd.s32 $0xFFFFC000  }
0xad: {  	s0 =	sadd.s32 @p0 $0x24900, s11;
	[bflag:$0x0] =	sbarrier.arrive $0xFFFF  }
0xae: {  	[hbm:s0], [sflag:s6] =	dma.local @p0 [spmem:s23], $0x2800  }
0xaf: {  	s0 =	simm.s32 @p0 $0x3  }
0xb0: {  	s28 =	sadd.s32 $0x1, s28;
	_ =	swait.ge @p0 [sflag:s0], $0x2800  }
0xb1: {  	p1 =	sne.s32 s28, s12;
	[sflag:s0] =	ssyncset.done @p0 $0x0  }
.Ltmp2:
0xb2: {  	[sflag:s0] =	ssyncadd.s32 @p0 $0xFFFFD800;
	s0 =	simm.s32 @!p0 $0x3;
	(pc) =	sbr.rel @p1 .LBB2_1-.Ltmp2, $4  }
0xb3: {  	[hbm:s24], [sflag:s6] =	dma.local @!p0 [spmem:s25], $0x2700  }
0xb4: {  	_ =	swait.ge @!p0 [sflag:s0], $0x2700  }
0xb5: {  	[sflag:s0] =	ssyncset.done @!p0 $0x0  }
0xb6: {  	[sflag:s0] =	ssyncadd.s32 @!p0 $0xFFFFD900  }
0xb7: {  	_ =	sfence.sel $0x180000  }
0xb8: {  	[bflag:$0x0] =	sbarrier.arrive $0xFFFF  }
0xb9: {  	_ =	strace $0x9000004A  }
0xba: {  	s0 =	stileid.u32;
	[bflag:$0x2] =	sbarrier.arrive $0xFFFF  }
0xbb: {  	p0 =	sne.s32 s0, $0x0;
	s0 =	rddreg [dreg:$0x2]  }
0xbc: {  	s0 =	sadd.s32 @!p0 $0x100000, s0  }
0xbd: {  	[sflag:s0] =	ssyncadd.tile.s32 @!p0 $0x1;
	_ =	shalt  }
.Lfunc_end2:
_tile_overlayer_lowered:
.L_overlay_start_2:
0xbe: {  	(tag) =	ssettag $0x2  }
0xbf: {  	s0 =	rddreg [dreg:$0x0];
	s2 =	stileid.u32  }
0xc0: {  	s1 =	rddreg [dreg:$0x1];
	p0 =	sne.s32 s2, $0x0  }
0xc1: {  	s3 =	rddreg [dreg:$0x2];
	[bflag:$0x3] =	sbarrier.arrive $0xFFFF;
	s2 =	simm.s32 @!p0 $0x1C03  }
0xc2: {  	[timem:s3], [sflag:s2] =	dma.local @!p0 [hbm:s0], s1  }
0xc3: {  	s0 =	simm.s32 @!p0 $0x3  }
0xc4: {  	_ =	swait.ge @!p0 [sflag:s0], s1  }
0xc5: {  	s1 =	ssub.s32 @!p0 $0x0, s1;
	[sflag:s0] =	ssyncset.done @!p0 $0x0  }
0xc6: {  	[sflag:s0] =	ssyncadd.s32 @!p0 s1  }
0xc7: {  	[bflag:$0x3] =	sbarrier.arrive $0xFFFF  }
0xc8: {  	_ =	shalt  }

// kernel: kernel.16.cloned.1.call-start
scs
__scs_entry_jumppad:
0x0: {  	(pc) =	sbr.rel $0x88, $3  }
0x1: {  	(tag) =	ssettag $0x0;
	lr =	simm.s32 $0x1  }
0x2: {  	[smem:$0x3F8D] =	sst lr;
	_ =	strace $0xD0000000  }
0x3: {  	_ = 	snop  }
0x4: {  	_ = 	snop  }
0x5: {  	_ = 	snop  }
0x6: {  	_ = 	snop  }
0x7: {  	_ = 	snop  }
__scs_overlays_trampoline_lowered:
0x8: {  	[smem:$0x3F9C] =	sst s0  }
0x9: {  	[smem:$0x3F9D] =	sst s1  }
0xa: {  	[smem:$0x3F9E] =	sst s2  }
0xb: {  	[smem:$0x3F9F] =	sst s3  }
0xc: {  	[smem:$0x3FA0] =	sst s4  }
0xd: {  	[smem:$0x3FA1] =	sst s5  }
0xe: {  	[smem:$0x3FA2] =	sst s6  }
0xf: {  	[smem:$0x3FA3] =	sst s7  }
0x10: {  	[smem:$0x3FA4] =	sst s8  }
0x11: {  	[smem:$0x3FA5] =	sst s9;
	s0 =	simm.s32 @!p0 $0x0  }
0x12: {  	s1 =	sld [smem:$0x3F8B];
	s0 =	simm.s32 @p0 $0x1  }
0x13: {  	[smem:$0x3FA6] =	sst s0;
	s0 =	simm.s32 @!p1 $0x0  }
0x14: {  	s2 =	sld [smem:$0x3F8A];
	s0 =	simm.s32 @p1 $0x1  }
0x15: {  	[smem:$0x3FA7] =	sst s0;
	s0 =	simm.s32 @!p2 $0x0  }
0x16: {  	s3 =	sld [smem:$0x3FDB];
	s0 =	simm.s32 @p2 $0x1  }
0x17: {  	s4 =	simm.s32 $0x1BF5;
	[smem:$0x3FA9] =	sst s0  }
0x18: {  	s0 =	sld [smem:$0x3F8C];
	_ =	swait.ge [sflag:s4], $0x0  }
0x19: {  	s7 =	sld [smem:$0x3F8D]  }
0x1a: {  	s8 =	sadd.s32 $0xFFFFE003, lr  }
0x1b: {  	s9 =	sadd.s32 $0xFFFFFEF7, lr;
	s5 =	simm.s32 $0xFFFFFFFF;
	p2 =	slt.u32 s8, $0xFFFFF086  }
0x1c: {  	p1 =	slt.u32 s9, $0xF7A;
	s5 =	simm.s32 @!p2 $0x0  }
0x1d: {  	s5 =	simm.s32 @p1 $0x1;
	p0 =	seq.s32 s7, s2  }
0x1e: {  	s7 =	smul.u32 @!p0 $0xF7A, s2;
	p2 =	seq.s32 @!p0 s5, $0x0  }
0x1f: {  	s9 =	smul.u32 $0xF7A, s1;
	s8 =	simm.s32 @!p0 $0x1BF5;
	p2 =	por !p2, p0  }
0x20: {  	[sflag:s8] =	ssyncset.s32 @!p0 $0xFFFFF086;
	s6 =	sadd.s32 @!p0 s3, s7;
	s7 =	simm.s32 @!p0 $0x108  }
0x21: {  	s3 =	sadd.s32 s3, s9;
	s6 =	sadd.s32 @!p0 $0x88, s6;
	s7 =	simm.s32 @p2 $0x1082  }
0x22: {  	[simem:s7], [sflag:s8] =	dma.local @!p0 [hbm:s6], $0xF7A  }
0x23: {  	s9 =	sor.u32 $0xD0000000, s2;
	s6 =	simm.s32 $0x108;
	_ =	swait.ge @!p0 [sflag:s8], $0x0  }
0x24: {  	s3 =	sadd.s32 $0x88, s3;
	s6 =	simm.s32 @!p1 $0x1082;
	[sflag:s4] =	ssyncset.s32 $0xFFFFF086  }
0x25: {  	[simem:s6], [sflag:s4] =	dma.local [hbm:s3], $0xF7A  }
0x26: {  	[smem:$0x3F8D] =	sst s1;
	(tag) =	ssettag s2;
	_ =	strace s9  }
0x27: {  	s1 =	sld [smem:$0x3F9D]  }
0x28: {  	s2 =	sld [smem:$0x3F9E]  }
0x29: {  	s4 =	sld [smem:$0x3FA0]  }
0x2a: {  	p0 =	seq.s32 s5, $0x0;
	s5 =	sld [smem:$0x3FA1]  }
0x2b: {  	s6 =	sld [smem:$0x3FA2]  }
0x2c: {  	s7 =	sld [smem:$0x3FA3]  }
0x2d: {  	s3 =	simm.s32 $0x108;
	s8 =	sld [smem:$0x3FA4]  }
0x2e: {  	s3 =	simm.s32 @!p0 $0x1082;
	s9 =	sld [smem:$0x3FA5]  }
0x2f: {  	lr =	sadd.s32 s0, s3;
	s0 =	sld [smem:$0x3F9C]  }
0x30: {  	s3 =	sld [smem:$0x3F9F]  }
0x31: {  	[smem:$0x3FA8] =	sst s10  }
0x32: {  	s10 =	sld [smem:$0x3FA6];
	_ =	sdelay $0x3  }
0x33: {  	p0 =	seq.s32 s10, $0x1;
	s10 =	sld [smem:$0x3FA8];
	_ =	sdelay $0x3  }
0x34: {  	[smem:$0x3FA8] =	sst s10  }
0x35: {  	s10 =	sld [smem:$0x3FA7];
	_ =	sdelay $0x3  }
0x36: {  	p1 =	seq.s32 s10, $0x1;
	s10 =	sld [smem:$0x3FA8];
	_ =	sdelay $0x3  }
0x37: {  	[smem:$0x3FA8] =	sst s10  }
0x38: {  	s10 =	sld [smem:$0x3FA9]  }
0x39: {  	_ = 	snop;
	(pc) =	sbr.ind lr, $3  }
0x3a: {  	_ = 	snop  }
0x3b: {  	_ = 	snop  }
0x3c: {  	p2 =	seq.s32 s10, $0x1;
	s10 =	sld [smem:$0x3FA8]  }
0x3d: {  	_ =	shalt  }
0x3e: {  	_ =	shalt  }
0x3f: {  	_ =	shalt  }
0x40: {  	_ =	shalt  }
0x41: {  	_ =	shalt  }
0x42: {  	_ =	shalt  }
0x43: {  	_ =	shalt  }
0x44: {  	_ =	shalt  }
0x45: {  	_ =	shalt  }
0x46: {  	_ =	shalt  }
0x47: {  	_ =	shalt  }
0x48: {  	_ =	shalt  }
0x49: {  	_ =	shalt  }
0x4a: {  	_ =	shalt  }
0x4b: {  	_ =	shalt  }
0x4c: {  	_ =	shalt  }
0x4d: {  	_ =	shalt  }
0x4e: {  	_ =	shalt  }
0x4f: {  	_ =	shalt  }
0x50: {  	_ =	shalt  }
0x51: {  	_ =	shalt  }
0x52: {  	_ =	shalt  }
0x53: {  	_ =	shalt  }
0x54: {  	_ =	shalt  }
0x55: {  	_ =	shalt  }
0x56: {  	_ =	shalt  }
0x57: {  	_ =	shalt  }
0x58: {  	_ =	shalt  }
0x59: {  	_ =	shalt  }
0x5a: {  	_ =	shalt  }
0x5b: {  	_ =	shalt  }
0x5c: {  	_ =	shalt  }
0x5d: {  	_ =	shalt  }
0x5e: {  	_ =	shalt  }
0x5f: {  	_ =	shalt  }
0x60: {  	_ =	shalt  }
0x61: {  	_ =	shalt  }
0x62: {  	_ =	shalt  }
0x63: {  	_ =	shalt  }
0x64: {  	_ =	shalt  }
0x65: {  	_ =	shalt  }
0x66: {  	_ =	shalt  }
0x67: {  	_ =	shalt  }
0x68: {  	_ =	shalt  }
0x69: {  	_ =	shalt  }
0x6a: {  	_ =	shalt  }
0x6b: {  	_ =	shalt  }
0x6c: {  	_ =	shalt  }
0x6d: {  	_ =	shalt  }
0x6e: {  	_ =	shalt  }
0x6f: {  	_ =	shalt  }
0x70: {  	_ =	shalt  }
0x71: {  	_ =	shalt  }
0x72: {  	_ =	shalt  }
0x73: {  	_ =	shalt  }
0x74: {  	_ =	shalt  }
0x75: {  	_ =	shalt  }
0x76: {  	_ =	shalt  }
0x77: {  	_ =	shalt  }
0x78: {  	_ =	shalt  }
0x79: {  	_ =	shalt  }
0x7a: {  	_ =	shalt  }
0x7b: {  	_ =	shalt  }
0x7c: {  	_ =	shalt  }
0x7d: {  	_ =	shalt  }
0x7e: {  	_ =	shalt  }
0x7f: {  	_ =	shalt  }
0x80: {  	_ =	shalt  }
0x81: {  	_ =	shalt  }
0x82: {  	_ =	shalt  }
0x83: {  	_ =	shalt  }
0x84: {  	_ =	shalt  }
0x85: {  	_ =	shalt  }
0x86: {  	_ =	shalt  }
0x87: {  	_ =	shalt  }
.Lfunc_end0:
.L_simem_size_0:
called_computation.2_lowered:
.L_overlay_start_0:
0x88: {  	s2 =	sld [smem:$0x3FD9]  }
0x89: {  	s3 =	sld [smem:$0x3FFE];
	_ =	sdelay $0x1  }
0x8a: {  	s1 =	srdreg.scid  }
0x8b: {  	s0 =	sand.u32 $0x1, s1  }
0x8c: {  	s16 =	sshll.u32 s0, $0xA;
	s2 =	sadd.s32 s3, s2  }
0x8d: {  	s2 =	sadd.s32 s2, s16  }
0x8e: {  	[smem:$0x3FB4] =	sst s2  }
0x8f: {  	_ = 	snop  }
0x90: {  	(tm) =	ssettm $0x1  }
0x91: {  	s17 =	sld [smem:$0x3FFB];
	_ =	sdelay $0x3  }
0x92: {  	_ =	strace s17  }
0x93: {  	s2 =	sld [smem:$0x3FFC];
	_ =	sdelay $0x3  }
0x94: {  	_ =	strace s2  }
0x95: {  	s2 =	sld [smem:$0x3FFD];
	_ =	sdelay $0x3  }
0x96: {  	_ =	strace s2  }
0x97: {  	_ =	strace $0x8FFFFFFF  }
0x98: {  	s18 =	sld [smem:$0x3FDB];
	_ =	sdelay $0x1  }
0x99: {  	s19 =	simm.s32 $_scs_section_size  }
0x9a: {  	s4 =	simm.s32 $_size__tile_overlayer_lowered;
	s5 =	simm.s32 $_tile_overlayer_lowered  }
0x9b: {  	s22 =	simm.s32 $0x1BFF;
	s21 =	sshll.u32 s5, $0x1;
	s2 =	sadd.s32 s19, s18  }
0x9c: {  	s6 =	simm.s32 $0x0;
	s20 =	sshll.u32 s4, $0x1;
	s4 =	sadd.s32 s21, s2  }
0x9d: {  	[timem:s6], [sflag:s22] =	dma.local [hbm:s4], s20  }
0x9e: {  	_ =	swait.ge [sflag:s22], s20  }
0x9f: {  	s3 =	ssub.s32 $0x0, s20;
	[sflag:s22] =	ssyncset.done $0x0  }
0xa0: {  	[sflag:s22] =	ssyncadd.s32 s3;
	_ =	sdelay $0x1  }
0xa1: {  	s23 =	simm.s32 $0x1B8B  }
0xa2: {  	_ =	swait.ge [sflag:s23], $0x1  }
0xa3: {  	[sflag:s23] =	ssyncset.done $0x0  }
0xa4: {  	s25 =	simm.s32 $0x1B8E;
	s24 =	sld [smem:$0x3FFE];
	[sflag:s23] =	ssyncadd.s32 $0xFFFFFFFF  }
0xa5: {  	s26 =	simm.s32 $execute0_lowered;
	[smem:$0x3FD2] =	sst s25  }
0xa6: {  	s4 =	sshll.u32 s26, $0x1;
	_ =	strace $0x8000004C;
	[dreg:$0x1] =	wrdreg $0xFFFFFFFF  }
0xa7: {  	s28 =	simm.s32 $_size_execute0_lowered;
	s2 =	sadd.s32 s2, s4;
	[dreg:$0x0] =	wrdreg $0x0  }
0xa8: {  	s4 =	sshll.u32 s28, $0x1;
	[dreg:$0x2] =	wrdreg s2  }
0xa9: {  	[dreg:$0x3] =	wrdreg s4  }
0xaa: {  	[dreg:$0x4] =	wrdreg $0xC0  }
0xab: {  	_ =	task [dreg:s6], $0x5FFFF  }
0xac: {  	[dreg:$0x1] =	wrdreg $0xFFFFFFFF  }
0xad: {  	[dreg:$0x0] =	wrdreg $0x60  }
0xae: {  	[dreg:$0x2] =	wrdreg s24  }
0xaf: {  	[dreg:$0x3] =	wrdreg $0xA8000  }
0xb0: {  	[dreg:$0x4] =	wrdreg $0x9  }
0xb1: {  	_ =	task.clear_ibuf [dreg:s6], $0x5FFFF;
	_ =	strace $0x9000004C  }
0xb2: {  	s29 =	simm.s32 $0x9;
	_ =	strace $0x8000004E  }
0xb3: {  	_ =	swait.ge [sflag:s29], $0x1  }
0xb4: {  	[sflag:s29] =	ssyncadd.s32 $0xFFFFFFFF  }
0xb5: {  	_ =	strace $0x9000004E  }
0xb6: {  	_ =	sfence  }
0xb7: {  	s30 =	sld [smem:$0x0];
	_ =	sdelay $0x2  }
0xb8: {  	s31 =	sshll.u32 s1, $0xD;
	s1 =	sshrl.u32 s1, $0x2  }
0xb9: {  	s3 =	sand.u32 $0x4000, s31;
	s1 =	sadd.s32 s1, s30  }
0xba: {  	s0 =	sor.u32 s3, s0;
	s1 =	sshll.u32 s1, $0x11  }
0xbb: {  	s0 =	sor.u32 s1, s0  }
0xbc: {  	s0 =	sadd.s32 $0x8F2B, s0  }
0xbd: {  	[sflag:s0] =	ssyncadd.remote.s32 $0x1  }
0xbe: {  	_ =	sfence.sel $0xFFFF  }
0xbf: {  	[dreg:$0x0] =	wrdreg $0xFFFFFFFF;
	(pc) =	sbr.abs _section_cstart, $3  }
0xc0: {  	[dreg:$0x1] =	wrdreg $0xFFFFFFFF  }
0xc1: {  	_ =	task.clear_ibuf [dreg:s6], $0x2FFFF;
	_ =	strace $0x9FFFFFFF  }
0xc2: {  	(tm) =	ssettm $0x7FFFFFFF  }
0xc3: {  	_ =	shalt  }
tec
execute0_lowered:
.L_overlay_start_1:
0x0: {  	(tag) =	ssettag $0x1  }
0x1: {  	s6 =	rddreg [dreg:$0x0]  }
0x2: {  	s1 =	rddreg [dreg:$0x1];
	s2 =	simm.s32 $0x0;
	s4 =	srdreg.scid  }
0x3: {  	s0 =	stileid.u32;
	s17 =	simm.s32 $0x2800;
	s18 =	simm.s32 $0x6800  }
0x4: {  	s19 =	simm.s32 $0x1;
	s20 =	simm.s32 $0x2;
	s21 =	simm.s32 $0x1380  }
0x5: {  	s28 =	simm.s32 $0x0;
	[smem:$0x7FF] =	sst s2;
	s3 =	sadd.s32 $0x18A00, s6  }
0x6: {  	s9 =	sadd.s32 $0xEA00, s6;
	s10 =	sadd.s32 $0x4A00, s6;
	s7 =	sand.u32 $0x1, s4  }
0x7: {  	s5 =	sadd.s32 $0x3FC00, s6;
	s12 =	smul.u32 $0x4F000, s0;
	s25 =	sshll.u32 s0, $0x6  }
0x8: {  	s16 =	smul.u32 $0x4E000, s0;
	p0 =	seq.s32 s0, $0xF;
	_ =	strace $0x8000004D  }
0x9: {  	s8 =	smul.u32 $0x27100, s7;
	s11 =	ssub.s32 $0x2, s7;
	s7 =	sshll.u32 s7, $0x4  }
0xa: {  	s22 =	sshrl.u32 s11, $0x1;
	s7 =	sor.u32 s0, s7;
	s23 =	sshrl.u32 s12, $0x2  }
0xb: {  	s31 =	sshrl.u32 s16, $0x2;
	s16 =	simm.s32 $0x80;
	s13 =	sadd.s32 s8, s6  }
0xc: {  	s14 =	ssub.s32 s11, s22;
	s24 =	smul.u32 $0x2800, s7;
	s15 =	sadd.s32 s23, s1  }
0xd: {  	s26 =	smul.u32 $0x500, s7;
	s6 =	sor.u32 $0x1C03, s25;
	s25 =	sadd.s32 s31, s1  }
0xe: {  	s23 =	sadd.s32 $0x124800, s1;
	s22 =	simm.s32 $0x2700;
	s11 =	sadd.s32 $0x42400, s13  }
0xf: {  	s12 =	smax.u32 s14, $0x1;
	s13 =	sshrl.u32 s15, $0x3;
	s14 =	simm.s32 $0x3  }
0x10: {  	s15 =	simm.s32 $0x1400;
	s23 =	sshrl.u32 @p0 s23, $0x3;
	s25 =	sshrl.u32 @!p0 s25, $0x3  }
0x11: {  	s29 =	sshrl.u32 s24, $0x3;
	s7 =	sadd.s32 s9, s26;
	s24 =	smul.u32 $0x2700, s0  }
0x12: {  	s8 =	sadd.s32 s10, s26;
	s26 =	simm.s32 $0x2780;
	s30 =	sadd.s32 $0x280, s29  }
0x13: {  	s9 =	sadd.s32 s9, s30;
	s10 =	sadd.s32 s10, s30;
	s24 =	sadd.s32 @!p0 s24, s11  }
.LBB2_1:
0x14: {  	[spmem:s13], [sflag:s6] =	dma.local [hbm:s5], $0x2780  }
0x15: {  	_ =	swait.ge [sflag:s14], $0x2780  }
0x16: {  	[sflag:s14] =	ssyncset.done $0x0  }
0x17: {  	[sflag:s14] =	ssyncadd.s32 $0xFFFFD880  }
0x18: {  	[bflag:$0x0] =	sbarrier.arrive $0xFFFF  }
0x19: {  	[tilespmem:s2], [sflag:$0x3] =	stream.linear.gather [hbm4b:s7+s2], $0x1400, $0x38;
	[tilespmem:$0x1E400] =	vst v63  }
0x1a: {  	_ =	swait.ge [sflag:s14], $0x1400  }
0x1b: {  	[sflag:s14] =	ssyncset.done $0x0  }
0x1c: {  	[sflag:s14] =	ssyncadd.s32 $0xFFFFEC00  }
0x1d: {  	[tilespmem:s15], [sflag:$0x3] =	stream.linear.gather [hbm4b:s8+s2], $0x1400, $0x38;
	[tilespmem:$0x1E400] =	vst v63  }
0x1e: {  	_ =	swait.ge [sflag:s14], $0x1400  }
0x1f: {  	[sflag:s14] =	ssyncset.done $0x0  }
0x20: {  	[sflag:s14] =	ssyncadd.s32 $0xFFFFEC00  }
0x21: {  	[tilespmem:s17], [sflag:$0x1] =	stream.indirect.gather [hbm4b:s3+s16], $0x80, s2, s16, $0xb8;
	[tilespmem:$0x1E400] =	vst v63  }
0x22: {  	s29 =	simm.s32 $0x80  }
0x23: {  	[tilespmem:s18], [sflag:$0x2] =	stream.indirect.gather [hbm4b:s3+s16], $0x80, s29, s16, $0xb8;
	[tilespmem:$0x1E400] =	vst v63  }
0x24: {  	_ =	swait.ge [sflag:s19], $0x4000  }
0x25: {  	[sflag:s19] =	ssyncset.done $0x0  }
0x26: {  	s29 =	simm.s32 $0x1400;
	[sflag:s19] =	ssyncadd.s32 $0xFFFFC000  }
0x27: {  	[spmem:s1] =	stream.indirect.scatter.add.f32 [tilespmem:s17], [sflag:$0x3], $0x80, s29, s16, $0xb8;
	[tilespmem:$0x1E400] =	vst v63  }
0x28: {  	_ =	swait.ge [sflag:s14], $0x4000  }
0x29: {  	[sflag:s14] =	ssyncset.done $0x0  }
0x2a: {  	s29 =	simm.s32 $0x100;
	[sflag:s14] =	ssyncadd.s32 $0xFFFFC000  }
0x2b: {  	[tilespmem:s17], [sflag:$0x1] =	stream.indirect.gather [hbm4b:s3+s16], $0x80, s29, s16, $0xb8;
	[tilespmem:$0x1E400] =	vst v63  }
0x2c: {  	_ =	swait.ge [sflag:s20], $0x4000  }
0x2d: {  	[sflag:s20] =	ssyncset.done $0x0  }
0x2e: {  	s29 =	simm.s32 $0x1480;
	[sflag:s20] =	ssyncadd.s32 $0xFFFFC000  }
0x2f: {  	[spmem:s1] =	stream.indirect.scatter.add.f32 [tilespmem:s18], [sflag:$0x3], $0x80, s29, s16, $0xb8;
	[tilespmem:$0x1E400] =	vst v63  }
0x30: {  	_ =	swait.ge [sflag:s14], $0x4000  }
0x31: {  	s30 =	simm.s32 $0x800;
	s29 =	simm.s32 $0x100;
	[sflag:s14] =	ssyncset.done $0x0  }
.LBB2_2:
0x32: {  	s31 =	sadd.s32 $0x80, s29  }
0x33: {  	[sflag:s14] =	ssyncadd.s32 $0xFFFFC000;
	s0 =	smov.u32 s30;
	s4 =	sadd.s32 $0x400, s30  }
0x34: {  	[tilespmem:s18], [sflag:$0x2] =	stream.indirect.gather [hbm4b:s3+s16], $0x80, s31, s16, $0xb8;
	[tilespmem:$0x1E400] =	vst v63  }
0x35: {  	p1 =	sne.s32 s30, $0x4800;
	_ =	swait.ge [sflag:s19], $0x4000  }
0x36: {  	[sflag:s19] =	ssyncset.done $0x0  }
0x37: {  	s30 =	sadd.s32 $0x1400, s29;
	[sflag:s19] =	ssyncadd.s32 $0xFFFFC000  }
0x38: {  	[spmem:s1] =	stream.indirect.scatter.add.f32 [tilespmem:s17], [sflag:$0x3], $0x80, s30, s16, $0xb8;
	[tilespmem:$0x1E400] =	vst v63  }
0x39: {  	_ =	swait.ge [sflag:s14], $0x4000  }
0x3a: {  	[sflag:s14] =	ssyncset.done $0x0  }
0x3b: {  	s30 =	sadd.s32 $0x100, s29;
	[sflag:s14] =	ssyncadd.s32 $0xFFFFC000  }
0x3c: {  	[tilespmem:s17], [sflag:$0x1] =	stream.indirect.gather [hbm4b:s3+s16], $0x80, s30, s16, $0xb8;
	[tilespmem:$0x1E400] =	vst v63  }
0x3d: {  	_ =	swait.ge [sflag:s20], $0x4000  }
.Ltmp0:
0x3e: {  	[sflag:s20] =	ssyncset.done $0x0;
	(pc) =	sbr.rel @p1 .LBB2_2-.Ltmp0, $4  }
0x3f: {  	s29 =	sadd.s32 $0x1480, s29;
	[sflag:s20] =	ssyncadd.s32 $0xFFFFC000  }
0x40: {  	[spmem:s1] =	stream.indirect.scatter.add.f32 [tilespmem:s18], [sflag:$0x3], $0x80, s29, s16, $0xb8;
	[tilespmem:$0x1E400] =	vst v63  }
0x41: {  	_ =	swait.ge [sflag:s14], $0x4000  }
0x42: {  	s30 =	smov.u32 s4;
	s29 =	sshra.s32 s0, $0x2;
	[sflag:s14] =	ssyncset.done $0x0  }
0x43: {  	s0 =	sadd.s32 $0x80, s29;
	[sflag:s14] =	ssyncadd.s32 $0xFFFFC000  }
0x44: {  	[tilespmem:s18], [sflag:$0x2] =	stream.indirect.gather [hbm4b:s3+s16], $0x80, s0, s16, $0xb8;
	[tilespmem:$0x1E400] =	vst v63  }
0x45: {  	_ =	swait.ge [sflag:s19], $0x4000  }
0x46: {  	[sflag:s19] =	ssyncset.done $0x0  }
0x47: {  	s4 =	sadd.s32 $0x1400, s29;
	[sflag:s19] =	ssyncadd.s32 $0xFFFFC000  }
0x48: {  	[spmem:s1] =	stream.indirect.scatter.add.f32 [tilespmem:s17], [sflag:$0x3], $0x80, s4, s16, $0xb8;
	[tilespmem:$0x1E400] =	vst v63  }
0x49: {  	_ =	swait.ge [sflag:s14], $0x4000  }
0x4a: {  	[sflag:s14] =	ssyncset.done $0x0  }
0x4b: {  	s31 =	sadd.s32 $0x100, s29;
	[sflag:s14] =	ssyncadd.s32 $0xFFFFC000  }
0x4c: {  	[tilespmem:s17], [sflag:$0x1] =	stream.indirect.gather [hbm4b:s3+s16], $0x80, s31, s16, $0xb8;
	[tilespmem:$0x1E400] =	vst v63  }
0x4d: {  	_ =	swait.ge [sflag:s20], $0x4000  }
0x4e: {  	[sflag:s20] =	ssyncset.done $0x0  }
0x4f: {  	s4 =	sadd.s32 $0x1480, s29;
	[sflag:s20] =	ssyncadd.s32 $0xFFFFC000  }
0x50: {  	[spmem:s1] =	stream.indirect.scatter.add.f32 [tilespmem:s18], [sflag:$0x3], $0x80, s4, s16, $0xb8;
	[tilespmem:$0x1E400] =	vst v63  }
0x51: {  	_ =	swait.ge [sflag:s14], $0x4000  }
0x52: {  	[sflag:s14] =	ssyncset.done $0x0  }
0x53: {  	[sflag:s14] =	ssyncadd.s32 $0xFFFFC000  }
0x54: {  	[tilespmem:s18], [sflag:$0x2] =	stream.indirect.gather [hbm4b:s3+s16], $0x80, s21, s16, $0xb8;
	[tilespmem:$0x1E400] =	vst v63  }
0x55: {  	_ =	swait.ge [sflag:s19], $0x4000  }
0x56: {  	[sflag:s19] =	ssyncset.done $0x0  }
0x57: {  	[sflag:s19] =	ssyncadd.s32 $0xFFFFC000  }
0x58: {  	[spmem:s1] =	stream.indirect.scatter.add.f32 [tilespmem:s17], [sflag:$0x3], $0x80, s22, s16, $0xb8;
	[tilespmem:$0x1E400] =	vst v63  }
0x59: {  	_ =	swait.ge [sflag:s14], $0x4000  }
0x5a: {  	[sflag:s14] =	ssyncset.done $0x0  }
0x5b: {  	[sflag:s14] =	ssyncadd.s32 $0xFFFFC000  }
0x5c: {  	_ =	swait.ge [sflag:s20], $0x4000  }
0x5d: {  	[sflag:s20] =	ssyncset.done $0x0  }
0x5e: {  	[sflag:s20] =	ssyncadd.s32 $0xFFFFC000  }
0x5f: {  	[spmem:s1] =	stream.indirect.scatter.add.f32 [tilespmem:s18], [sflag:$0x3], $0x80, s26, s16, $0xb8;
	[tilespmem:$0x1E400] =	vst v63  }
0x60: {  	_ =	swait.ge [sflag:s14], $0x4000  }
0x61: {  	[sflag:s14] =	ssyncset.done $0x0  }
0x62: {  	s31 =	simm.s32 $0x0;
	[sflag:s14] =	ssyncadd.s32 $0xFFFFC000  }
0x63: {  	[tilespmem:s31], [sflag:$0x3] =	stream.linear.gather [hbm4b:s9+s31], $0x1400, $0x38;
	[tilespmem:$0x1E400] =	vst v63  }
0x64: {  	_ =	swait.ge [sflag:s14], $0x1400  }
0x65: {  	[sflag:s14] =	ssyncset.done $0x0  }
0x66: {  	[sflag:s14] =	ssyncadd.s32 $0xFFFFEC00  }
0x67: {  	[tilespmem:s15], [sflag:$0x3] =	stream.linear.gather [hbm4b:s10+s31], $0x1400, $0x38;
	[tilespmem:$0x1E400] =	vst v63  }
0x68: {  	_ =	swait.ge [sflag:s14], $0x1400  }
0x69: {  	[sflag:s14] =	ssyncset.done $0x0  }
0x6a: {  	[sflag:s14] =	ssyncadd.s32 $0xFFFFEC00  }
0x6b: {  	[tilespmem:s17], [sflag:$0x1] =	stream.indirect.gather [hbm4b:s3+s16], $0x80, s31, s16, $0xb8;
	[tilespmem:$0x1E400] =	vst v63  }
0x6c: {  	s4 =	simm.s32 $0x80  }
0x6d: {  	[tilespmem:s18], [sflag:$0x2] =	stream.indirect.gather [hbm4b:s3+s16], $0x80, s4, s16, $0xb8;
	[tilespmem:$0x1E400] =	vst v63  }
0x6e: {  	_ =	swait.ge [sflag:s19], $0x4000  }
0x6f: {  	[sflag:s19] =	ssyncset.done $0x0  }
0x70: {  	s31 =	simm.s32 $0x1400;
	[sflag:s19] =	ssyncadd.s32 $0xFFFFC000  }
0x71: {  	[spmem:s1] =	stream.indirect.scatter.add.f32 [tilespmem:s17], [sflag:$0x3], $0x80, s31, s16, $0xb8;
	[tilespmem:$0x1E400] =	vst v63  }
0x72: {  	_ =	swait.ge [sflag:s14], $0x4000  }
0x73: {  	[sflag:s14] =	ssyncset.done $0x0  }
0x74: {  	s4 =	simm.s32 $0x100;
	[sflag:s14] =	ssyncadd.s32 $0xFFFFC000  }
0x75: {  	[tilespmem:s17], [sflag:$0x1] =	stream.indirect.gather [hbm4b:s3+s16], $0x80, s4, s16, $0xb8;
	[tilespmem:$0x1E400] =	vst v63  }
0x76: {  	_ =	swait.ge [sflag:s20], $0x4000  }
0x77: {  	[sflag:s20] =	ssyncset.done $0x0  }
0x78: {  	s31 =	simm.s32 $0x1480;
	[sflag:s20] =	ssyncadd.s32 $0xFFFFC000  }
0x79: {  	[spmem:s1] =	stream.indirect.scatter.add.f32 [tilespmem:s18], [sflag:$0x3], $0x80, s31, s16, $0xb8;
	[tilespmem:$0x1E400] =	vst v63  }
0x7a: {  	_ =	swait.ge [sflag:s14], $0x4000  }
0x7b: {  	s30 =	simm.s32 $0x800;
	s29 =	simm.s32 $0x100;
	[sflag:s14] =	ssyncset.done $0x0  }
.LBB2_4:
0x7c: {  	s0 =	sadd.s32 $0x80, s29  }
0x7d: {  	[sflag:s14] =	ssyncadd.s32 $0xFFFFC000;
	s4 =	smov.u32 s30;
	s31 =	sadd.s32 $0x400, s30  }
0x7e: {  	[tilespmem:s18], [sflag:$0x2] =	stream.indirect.gather [hbm4b:s3+s16], $0x80, s0, s16, $0xb8;
	[tilespmem:$0x1E400] =	vst v63  }
0x7f: {  	p1 =	sne.s32 s30, $0x4800;
	_ =	swait.ge [sflag:s19], $0x4000  }
0x80: {  	[sflag:s19] =	ssyncset.done $0x0  }
0x81: {  	s0 =	sadd.s32 $0x1400, s29;
	[sflag:s19] =	ssyncadd.s32 $0xFFFFC000  }
0x82: {  	[spmem:s1] =	stream.indirect.scatter.add.f32 [tilespmem:s17], [sflag:$0x3], $0x80, s0, s16, $0xb8;
	[tilespmem:$0x1E400] =	vst v63  }
0x83: {  	_ =	swait.ge [sflag:s14], $0x4000  }
0x84: {  	[sflag:s14] =	ssyncset.done $0x0  }
0x85: {  	s0 =	sadd.s32 $0x100, s29;
	[sflag:s14] =	ssyncadd.s32 $0xFFFFC000  }
0x86: {  	[tilespmem:s17], [sflag:$0x1] =	stream.indirect.gather [hbm4b:s3+s16], $0x80, s0, s16, $0xb8;
	[tilespmem:$0x1E400] =	vst v63  }
0x87: {  	_ =	swait.ge [sflag:s20], $0x4000  }
.Ltmp1:
0x88: {  	[sflag:s20] =	ssyncset.done $0x0;
	(pc) =	sbr.rel @p1 .LBB2_4-.Ltmp1, $4  }
0x89: {  	s0 =	sadd.s32 $0x1480, s29;
	[sflag:s20] =	ssyncadd.s32 $0xFFFFC000  }
0x8a: {  	[spmem:s1] =	stream.indirect.scatter.add.f32 [tilespmem:s18], [sflag:$0x3], $0x80, s0, s16, $0xb8;
	[tilespmem:$0x1E400] =	vst v63  }
0x8b: {  	_ =	swait.ge [sflag:s14], $0x4000  }
0x8c: {  	s30 =	smov.u32 s31;
	s29 =	sshra.s32 s4, $0x2;
	[sflag:s14] =	ssyncset.done $0x0  }
0x8d: {  	s0 =	sadd.s32 $0x80, s29;
	[sflag:s14] =	ssyncadd.s32 $0xFFFFC000  }
0x8e: {  	[tilespmem:s18], [sflag:$0x2] =	stream.indirect.gather [hbm4b:s3+s16], $0x80, s0, s16, $0xb8;
	[tilespmem:$0x1E400] =	vst v63  }
0x8f: {  	_ =	swait.ge [sflag:s19], $0x4000  }
0x90: {  	[sflag:s19] =	ssyncset.done $0x0  }
0x91: {  	s4 =	sadd.s32 $0x1400, s29;
	[sflag:s19] =	ssyncadd.s32 $0xFFFFC000  }
0x92: {  	[spmem:s1] =	stream.indirect.scatter.add.f32 [tilespmem:s17], [sflag:$0x3], $0x80, s4, s16, $0xb8;
	[tilespmem:$0x1E400] =	vst v63  }
0x93: {  	_ =	swait.ge [sflag:s14], $0x4000  }
0x94: {  	[sflag:s14] =	ssyncset.done $0x0  }
0x95: {  	s30 =	sadd.s32 $0x100, s29;
	[sflag:s14] =	ssyncadd.s32 $0xFFFFC000  }
0x96: {  	[tilespmem:s17], [sflag:$0x1] =	stream.indirect.gather [hbm4b:s3+s16], $0x80, s30, s16, $0xb8;
	[tilespmem:$0x1E400] =	vst v63  }
0x97: {  	_ =	swait.ge [sflag:s20], $0x4000  }
0x98: {  	[sflag:s20] =	ssyncset.done $0x0  }
0x99: {  	s31 =	sadd.s32 $0x1480, s29;
	[sflag:s20] =	ssyncadd.s32 $0xFFFFC000  }
0x9a: {  	[spmem:s1] =	stream.indirect.scatter.add.f32 [tilespmem:s18], [sflag:$0x3], $0x80, s31, s16, $0xb8;
	[tilespmem:$0x1E400] =	vst v63  }
0x9b: {  	_ =	swait.ge [sflag:s14], $0x4000  }
0x9c: {  	[sflag:s14] =	ssyncset.done $0x0  }
0x9d: {  	[sflag:s14] =	ssyncadd.s32 $0xFFFFC000  }
0x9e: {  	[tilespmem:s18], [sflag:$0x2] =	stream.indirect.gather [hbm4b:s3+s16], $0x80, s21, s16, $0xb8;
	[tilespmem:$0x1E400] =	vst v63  }
0x9f: {  	_ =	swait.ge [sflag:s19], $0x4000  }
0xa0: {  	[sflag:s19] =	ssyncset.done $0x0  }
0xa1: {  	[sflag:s19] =	ssyncadd.s32 $0xFFFFC000  }
0xa2: {  	[spmem:s1] =	stream.indirect.scatter.add.f32 [tilespmem:s17], [sflag:$0x3], $0x80, s22, s16, $0xb8;
	[tilespmem:$0x1E400] =	vst v63  }
0xa3: {  	_ =	swait.ge [sflag:s14], $0x4000  }
0xa4: {  	[sflag:s14] =	ssyncset.done $0x0  }
0xa5: {  	[sflag:s14] =	ssyncadd.s32 $0xFFFFC000  }
0xa6: {  	_ =	swait.ge [sflag:s20], $0x4000  }
0xa7: {  	[sflag:s20] =	ssyncset.done $0x0  }
0xa8: {  	[sflag:s20] =	ssyncadd.s32 $0xFFFFC000  }
0xa9: {  	[spmem:s1] =	stream.indirect.scatter.add.f32 [tilespmem:s18], [sflag:$0x3], $0x80, s26, s16, $0xb8;
	[tilespmem:$0x1E400] =	vst v63  }
0xaa: {  	_ =	swait.ge [sflag:s14], $0x4000  }
0xab: {  	[sflag:s14] =	ssyncset.done $0x0  }
0xac: {  	[sflag:s14] =	ssyncadd.s32 $0xFFFFC000  }
0xad: {  	s0 =	sadd.s32 @p0 $0x24900, s11;
	[bflag:$0x0] =	sbarrier.arrive $0xFFFF  }
0xae: {  	[hbm:s0], [sflag:s6] =	dma.local @p0 [spmem:s23], $0x2800  }
0xaf: {  	s0 =	simm.s32 @p0 $0x3  }
0xb0: {  	s28 =	sadd.s32 $0x1, s28;
	_ =	swait.ge @p0 [sflag:s0], $0x2800  }
0xb1: {  	p1 =	sne.s32 s28, s12;
	[sflag:s0] =	ssyncset.done @p0 $0x0  }
.Ltmp2:
0xb2: {  	[sflag:s0] =	ssyncadd.s32 @p0 $0xFFFFD800;
	s0 =	simm.s32 @!p0 $0x3;
	(pc) =	sbr.rel @p1 .LBB2_1-.Ltmp2, $4  }
0xb3: {  	[hbm:s24], [sflag:s6] =	dma.local @!p0 [spmem:s25], $0x2700  }
0xb4: {  	_ =	swait.ge @!p0 [sflag:s0], $0x2700  }
0xb5: {  	[sflag:s0] =	ssyncset.done @!p0 $0x0  }
0xb6: {  	[sflag:s0] =	ssyncadd.s32 @!p0 $0xFFFFD900  }
0xb7: {  	_ =	sfence.sel $0x180000  }
0xb8: {  	[bflag:$0x0] =	sbarrier.arrive $0xFFFF  }
0xb9: {  	_ =	strace $0x9000004D  }
0xba: {  	s0 =	stileid.u32;
	[bflag:$0x2] =	sbarrier.arrive $0xFFFF  }
0xbb: {  	p0 =	sne.s32 s0, $0x0;
	s0 =	rddreg [dreg:$0x2]  }
0xbc: {  	s0 =	sadd.s32 @!p0 $0x100000, s0  }
0xbd: {  	[sflag:s0] =	ssyncadd.tile.s32 @!p0 $0x1;
	_ =	shalt  }
.Lfunc_end2:
_tile_overlayer_lowered:
.L_overlay_start_2:
0xbe: {  	(tag) =	ssettag $0x2  }
0xbf: {  	s0 =	rddreg [dreg:$0x0];
	s2 =	stileid.u32  }
0xc0: {  	s1 =	rddreg [dreg:$0x1];
	p0 =	sne.s32 s2, $0x0  }
0xc1: {  	s3 =	rddreg [dreg:$0x2];
	[bflag:$0x3] =	sbarrier.arrive $0xFFFF;
	s2 =	simm.s32 @!p0 $0x1C03  }
0xc2: {  	[timem:s3], [sflag:s2] =	dma.local @!p0 [hbm:s0], s1  }
0xc3: {  	s0 =	simm.s32 @!p0 $0x3  }
0xc4: {  	_ =	swait.ge @!p0 [sflag:s0], s1  }
0xc5: {  	s1 =	ssub.s32 @!p0 $0x0, s1;
	[sflag:s0] =	ssyncset.done @!p0 $0x0  }
0xc6: {  	[sflag:s0] =	ssyncadd.s32 @!p0 s1  }
0xc7: {  	[bflag:$0x3] =	sbarrier.arrive $0xFFFF  }
0xc8: {  	_ =	shalt  }

</sc_bundles>
